<compile_context>
chip_gen: v7x
topology: tpu7x:2x2x1
jax: 0.10.2.dev20260603
libtpu: 0.0.44.dev20260713+nightly
codegen_flags: <defaults>
</compile_context>

<pallas_src>
import functools

import jax
import jax.numpy as jnp
from jax import lax
from jax.experimental import pallas as pl
from jax.experimental.pallas import tpu as pltpu
from jax.experimental.pallas import tpu_sc as plsc

B = 512
D = 768
H1 = 128
CPW = 4
_NEG = -3e38
_POS = 3e38


def _shr0(a, k, fill):
    f = jnp.full((k,) + a.shape[1:], fill, a.dtype)
    return jnp.concatenate([f, a[:-k]], axis=0)


def _shl0(a, k, fill):
    f = jnp.full((k,) + a.shape[1:], fill, a.dtype)
    return jnp.concatenate([a[k:], f], axis=0)


def _sort_kernel(w1_ref, b1_ref, x_ref, m_ref, ix_ref):
    h = lax.dot_general(x_ref[...], w1_ref[...], (((1,), (1,)), ((), ())),
                        preferred_element_type=jnp.float32)
    v = jnp.maximum(h + b1_ref[...], 0.0)

    ix = lax.broadcasted_iota(jnp.int32, (B, H1), 0)
    pidx = lax.broadcasted_iota(jnp.int32, (B, 1), 0)
    k = 2
    while k <= B:
        j = k // 2
        while j >= 1:
            mj = (pidx & j) != 0
            sm = ((pidx & k) == 0) != mj
            pv = jnp.where(mj, _shr0(v, j, 0.0), _shl0(v, j, 0.0))
            pi = jnp.where(mj, _shr0(ix, j, 0), _shl0(ix, j, 0))
            nv = jnp.where(sm, jnp.minimum(v, pv), jnp.maximum(v, pv))
            ix = jnp.where(nv == v, ix, pi)
            v = nv
            j //= 2
        k *= 2

    s = [_shr0(v, t, _NEG) for t in range(5, 0, -1)] + [v] + \
        [_shl0(v, t, _POS) for t in range(1, 6)]
    z = [_shr0(v, t, 0.0) for t in range(5, 0, -1)] + [v] + \
        [_shl0(v, t, 0.0) for t in range(1, 6)]
    x0 = v
    wsum = z[5] + z[6] + z[7] + z[8] + z[9] + z[10]
    best_cost = jnp.maximum(x0 - s[5], s[10] - x0)
    best_sum = wsum
    for t in range(1, 6):
        wsum = wsum + z[5 - t] - z[11 - t]
        cost = jnp.maximum(x0 - s[5 - t], s[10 - t] - x0)
        take = cost < best_cost
        best_cost = jnp.where(take, cost, best_cost)
        best_sum = jnp.where(take, wsum, best_sum)
    m = best_sum * jnp.float32(1.0 / 6.0)

    m_ref[...] = m.T
    ix_ref[...] = ix.T


def _sc_scatter(m_hbm, ix_hbm, out_hbm, mv, iv, ov, sem):
    info = plsc.get_sparse_core_info()
    nc = info.num_cores
    wid = lax.axis_index("s") * nc + lax.axis_index("c")
    f0 = wid * CPW

    copies = []
    for c in range(CPW):
        copies.append(
            pltpu.async_copy(m_hbm.at[f0 + c], mv.at[pl.ds(c * B, B)], sem))
        copies.append(
            pltpu.async_copy(ix_hbm.at[f0 + c], iv.at[pl.ds(c * B, B)], sem))
    for cp in copies:
        cp.wait()

    def scat_body(kk, _):
        c = kk // 32
        idx = iv[pl.ds(kk * 16, 16)]
        val = mv[pl.ds(kk * 16, 16)]
        plsc.store_scatter(ov, [idx + c * B], val)
        return 0
    lax.fori_loop(0, CPW * 32, scat_body, 0, unroll=8)

    copies = [pltpu.async_copy(ov.at[pl.ds(c * B, B)], out_hbm.at[f0 + c], sem)
              for c in range(CPW)]
    for cp in copies:
        cp.wait()


def _sc_scatter_call(m_T, ix_T):
    call = pl.kernel(
        _sc_scatter,
        mesh=plsc.VectorSubcoreMesh(core_axis_name="c", subcore_axis_name="s"),
        out_type=jax.ShapeDtypeStruct((H1, B), jnp.float32),
        scratch_types=[
            pltpu.VMEM((CPW * B,), jnp.float32),
            pltpu.VMEM((CPW * B,), jnp.int32),
            pltpu.VMEM((CPW * B,), jnp.float32),
            pltpu.SemaphoreType.DMA,
        ],
        compiler_params=pltpu.CompilerParams(needs_layout_passes=False),
    )
    return call(m_T, ix_T)


def _dense_kernel(t_ref, wpr_ref, bpr_ref, w2_ref, b2_ref, w3_ref, b3_ref,
                  out_ref):
    t = t_ref[...]
    pr = lax.dot_general(wpr_ref[...], t, (((1,), (0,)), ((), ())),
                         preferred_element_type=jnp.float32)
    pr = jnp.maximum(pr + bpr_ref[...], 0.0)
    h2 = lax.dot_general(w2_ref[...], pr, (((1,), (0,)), ((), ())),
                         preferred_element_type=jnp.float32)
    h2 = jnp.maximum(h2 + b2_ref[...], 0.0)
    out = lax.dot_general(h2, w3_ref[...], (((0,), (1,)), ((), ())),
                          preferred_element_type=jnp.float32)
    out_ref[...] = out + b3_ref[...]


@jax.jit
def kernel(input, W1, b1, Wpr, bpr, W2, b2, W3, b3):
    m_T, ix_T = pl.pallas_call(
        _sort_kernel,
        out_shape=[
            jax.ShapeDtypeStruct((H1, B), jnp.float32),
            jax.ShapeDtypeStruct((H1, B), jnp.int32),
        ],
    )(W1, b1.reshape(1, H1), input)

    t_T = _sc_scatter_call(m_T, ix_T)

    out = pl.pallas_call(
        _dense_kernel,
        out_shape=jax.ShapeDtypeStruct((B, W3.shape[0]), jnp.float32),
    )(t_T, Wpr, bpr.reshape(-1, 1), W2, b2.reshape(-1, 1), W3,
      b3.reshape(1, -1))
    return out

# --- scband reference (transcript-rebuilt; emitter-appended) ---
"""Pipeline reference for scband-peer-net-72438918414785 (READ-ONLY COPY).

The authoritative reference and input builder live on the scoring server;
editing this copy changes nothing except your own understanding.
"""

import jax, jax.numpy as jnp
import numpy as np

NUM_NEIGH = 6  # 5 + 1 as in PeerNet.__init__


def setup_inputs(seed: int = 0) -> dict:
    key = jax.random.key(seed)
    ks = jax.random.split(key, 9)
    B, D = 512, 768
    H1, H2, OUT = 128, 64, 10
    inp = {
        'input': jax.random.normal(ks[0], (B, D), dtype=jnp.float32),
        'W1': jax.random.normal(ks[1], (H1, D), dtype=jnp.float32) * 0.02,
        'b1': jnp.zeros((H1,), dtype=jnp.float32),
        'Wpr': jax.random.normal(ks[2], (H1, H1), dtype=jnp.float32) * 0.02,
        'bpr': jnp.zeros((H1,), dtype=jnp.float32),
        'W2': jax.random.normal(ks[3], (H2, H1), dtype=jnp.float32) * 0.02,
        'b2': jnp.zeros((H2,), dtype=jnp.float32),
        'W3': jax.random.normal(ks[4], (OUT, H2), dtype=jnp.float32) * 0.02,
        'b3': jnp.zeros((OUT,), dtype=jnp.float32),
    }
    return inp


def _pr_transform(x):
    # x: [B, F]. For each feature column, for each row i: find NUM_NEIGH rows j
    # with smallest |x[i,f] - x[j,f]| (self included via zero distance),
    # output mean of those neighbors' values (mask/num_neigh @ line).
    xt = x.T  # [F, B]
    d = jnp.abs(xt[:, :, None] - xt[:, None, :])  # [F, B, B]
    _, idx = jax.lax.top_k(-d, NUM_NEIGH)  # [F, B, k] smallest distances
    lines = jnp.broadcast_to(xt[:, None, :], d.shape)  # [F, B, B]
    vals = jnp.take_along_axis(lines, idx, axis=2)  # [F, B, k]
    out = vals.mean(axis=2)  # [F, B]
    return out.T  # [B, F]


def reference(input, W1, b1, Wpr, bpr, W2, b2, W3, b3):
    # Dropout omitted (deterministic reference).
    h1 = jax.nn.relu(input @ W1.T + b1)
    t = _pr_transform(h1)
    pr = jax.nn.relu(t @ Wpr.T + bpr)
    h2 = jax.nn.relu(pr @ W2.T + b2)
    out = h2 @ W3.T + b3
    return out

if __name__ == "__main__":
    import jax
    _d = setup_inputs()
    print(jax.jit(kernel)(*tuple(_d.values())))

</pallas_src>

<mosaic_0001>
#map = affine_map<(d0, d1) -> (0, 0)>
module attributes {stable_mosaic.version = 14 : i64} {
  func.func @_sc_scatter(%arg0: i32, %arg1: i32, %arg2: memref<128x512xf32, #tpu.memory_space<hbm>>, %arg3: memref<128x512xi32, #tpu.memory_space<hbm>>, %arg4: memref<128x512xf32, #tpu.memory_space<hbm>>, %arg5: memref<2048xf32, #tpu.memory_space<vmem>>, %arg6: memref<2048xi32, #tpu.memory_space<vmem>>, %arg7: memref<2048xf32, #tpu.memory_space<vmem>>, %arg8: memref<!tpu.dma_semaphore, #tpu.memory_space<semaphore_mem>>) attributes {dimension_semantics = [#tpu.dimension_semantics<core_parallel>, #tpu.dimension_semantics<subcore_parallel>], iteration_bounds = array<i64: 2, 16>, scalar_prefetch = 0 : i64, scratch_operands = 4 : i64, tpu.core_type = #tpu.core_type<sc_vector_subcore>, window_params = [{transform_indices = #map}, {transform_indices = #map}, {transform_indices = #map}]} {
    %mul3A = arith.constant 2 : i32
    %mul3A_0 = arith.muli %arg1, %mul3A : i32
    %add3A = arith.addi %mul3A_0, %arg0 : i32
    %mul3A_1 = arith.constant 4 : i32
    %mul3A_2 = arith.muli %add3A, %mul3A_1 : i32
    %add3A_3 = arith.constant 0 : i32
    %add3A_4 = arith.addi %mul3A_2, %add3A_3 : i32
    %dma_start3A = arith.constant 0 : i32
    %dma_start3A_5 = tpu.memref_slice %arg5[%dma_start3A] : memref<2048xf32, #tpu.memory_space<vmem>> -> memref<512xf32, #tpu.memory_space<vmem>>
    %dma_start3A_6 = arith.constant 0 : i32
    %dma_start3A_7 = tpu.memref_slice %arg2[%add3A_4, %dma_start3A_6] : memref<128x512xf32, #tpu.memory_space<hbm>> -> memref<1x512xf32, #tpu.memory_space<hbm>>
    %dma_start3A_8 = tpu.memref_squeeze %dma_start3A_7 : memref<1x512xf32, #tpu.memory_space<hbm>> -> memref<512xf32, #tpu.memory_space<hbm>>
    %dma_start3A_9 = arith.constant 0 : i32
    %dma_start3A_10 = tpu.memref_slice %arg5[%dma_start3A_9] : memref<2048xf32, #tpu.memory_space<vmem>> -> memref<512xf32, #tpu.memory_space<vmem>>
    %dma_start3A_11 = arith.constant 0 : i32
    %dma_start3A_12 = tpu.memref_slice %arg2[%add3A_4, %dma_start3A_11] : memref<128x512xf32, #tpu.memory_space<hbm>> -> memref<1x512xf32, #tpu.memory_space<hbm>>
    %dma_start3A_13 = tpu.memref_squeeze %dma_start3A_12 : memref<1x512xf32, #tpu.memory_space<hbm>> -> memref<512xf32, #tpu.memory_space<hbm>>
    tpu.enqueue_dma source(%dma_start3A_13 : memref<512xf32, #tpu.memory_space<hbm>>) target(%dma_start3A_10 : memref<512xf32, #tpu.memory_space<vmem>>) target_semaphore(%arg8 : memref<!tpu.dma_semaphore, #tpu.memory_space<semaphore_mem>>)
    %add3A_14 = arith.constant 0 : i32
    %add3A_15 = arith.addi %mul3A_2, %add3A_14 : i32
    %dma_start3A_16 = arith.constant 0 : i32
    %dma_start3A_17 = tpu.memref_slice %arg6[%dma_start3A_16] : memref<2048xi32, #tpu.memory_space<vmem>> -> memref<512xi32, #tpu.memory_space<vmem>>
    %dma_start3A_18 = arith.constant 0 : i32
    %dma_start3A_19 = tpu.memref_slice %arg3[%add3A_15, %dma_start3A_18] : memref<128x512xi32, #tpu.memory_space<hbm>> -> memref<1x512xi32, #tpu.memory_space<hbm>>
    %dma_start3A_20 = tpu.memref_squeeze %dma_start3A_19 : memref<1x512xi32, #tpu.memory_space<hbm>> -> memref<512xi32, #tpu.memory_space<hbm>>
    %dma_start3A_21 = arith.constant 0 : i32
    %dma_start3A_22 = tpu.memref_slice %arg6[%dma_start3A_21] : memref<2048xi32, #tpu.memory_space<vmem>> -> memref<512xi32, #tpu.memory_space<vmem>>
    %dma_start3A_23 = arith.constant 0 : i32
    %dma_start3A_24 = tpu.memref_slice %arg3[%add3A_15, %dma_start3A_23] : memref<128x512xi32, #tpu.memory_space<hbm>> -> memref<1x512xi32, #tpu.memory_space<hbm>>
    %dma_start3A_25 = tpu.memref_squeeze %dma_start3A_24 : memref<1x512xi32, #tpu.memory_space<hbm>> -> memref<512xi32, #tpu.memory_space<hbm>>
    tpu.enqueue_dma source(%dma_start3A_25 : memref<512xi32, #tpu.memory_space<hbm>>) target(%dma_start3A_22 : memref<512xi32, #tpu.memory_space<vmem>>) target_semaphore(%arg8 : memref<!tpu.dma_semaphore, #tpu.memory_space<semaphore_mem>>)
    %add3A_26 = arith.constant 1 : i32
    %add3A_27 = arith.addi %mul3A_2, %add3A_26 : i32
    %dma_start3A_28 = arith.constant 512 : i32
    %dma_start3A_29 = tpu.memref_slice %arg5[%dma_start3A_28] : memref<2048xf32, #tpu.memory_space<vmem>> -> memref<512xf32, #tpu.memory_space<vmem>>
    %dma_start3A_30 = arith.constant 0 : i32
    %dma_start3A_31 = tpu.memref_slice %arg2[%add3A_27, %dma_start3A_30] : memref<128x512xf32, #tpu.memory_space<hbm>> -> memref<1x512xf32, #tpu.memory_space<hbm>>
    %dma_start3A_32 = tpu.memref_squeeze %dma_start3A_31 : memref<1x512xf32, #tpu.memory_space<hbm>> -> memref<512xf32, #tpu.memory_space<hbm>>
    %dma_start3A_33 = arith.constant 512 : i32
    %dma_start3A_34 = tpu.memref_slice %arg5[%dma_start3A_33] : memref<2048xf32, #tpu.memory_space<vmem>> -> memref<512xf32, #tpu.memory_space<vmem>>
    %dma_start3A_35 = arith.constant 0 : i32
    %dma_start3A_36 = tpu.memref_slice %arg2[%add3A_27, %dma_start3A_35] : memref<128x512xf32, #tpu.memory_space<hbm>> -> memref<1x512xf32, #tpu.memory_space<hbm>>
    %dma_start3A_37 = tpu.memref_squeeze %dma_start3A_36 : memref<1x512xf32, #tpu.memory_space<hbm>> -> memref<512xf32, #tpu.memory_space<hbm>>
    tpu.enqueue_dma source(%dma_start3A_37 : memref<512xf32, #tpu.memory_space<hbm>>) target(%dma_start3A_34 : memref<512xf32, #tpu.memory_space<vmem>>) target_semaphore(%arg8 : memref<!tpu.dma_semaphore, #tpu.memory_space<semaphore_mem>>)
    %add3A_38 = arith.constant 1 : i32
    %add3A_39 = arith.addi %mul3A_2, %add3A_38 : i32
    %dma_start3A_40 = arith.constant 512 : i32
    %dma_start3A_41 = tpu.memref_slice %arg6[%dma_start3A_40] : memref<2048xi32, #tpu.memory_space<vmem>> -> memref<512xi32, #tpu.memory_space<vmem>>
    %dma_start3A_42 = arith.constant 0 : i32
    %dma_start3A_43 = tpu.memref_slice %arg3[%add3A_39, %dma_start3A_42] : memref<128x512xi32, #tpu.memory_space<hbm>> -> memref<1x512xi32, #tpu.memory_space<hbm>>
    %dma_start3A_44 = tpu.memref_squeeze %dma_start3A_43 : memref<1x512xi32, #tpu.memory_space<hbm>> -> memref<512xi32, #tpu.memory_space<hbm>>
    %dma_start3A_45 = arith.constant 512 : i32
    %dma_start3A_46 = tpu.memref_slice %arg6[%dma_start3A_45] : memref<2048xi32, #tpu.memory_space<vmem>> -> memref<512xi32, #tpu.memory_space<vmem>>
    %dma_start3A_47 = arith.constant 0 : i32
    %dma_start3A_48 = tpu.memref_slice %arg3[%add3A_39, %dma_start3A_47] : memref<128x512xi32, #tpu.memory_space<hbm>> -> memref<1x512xi32, #tpu.memory_space<hbm>>
    %dma_start3A_49 = tpu.memref_squeeze %dma_start3A_48 : memref<1x512xi32, #tpu.memory_space<hbm>> -> memref<512xi32, #tpu.memory_space<hbm>>
    tpu.enqueue_dma source(%dma_start3A_49 : memref<512xi32, #tpu.memory_space<hbm>>) target(%dma_start3A_46 : memref<512xi32, #tpu.memory_space<vmem>>) target_semaphore(%arg8 : memref<!tpu.dma_semaphore, #tpu.memory_space<semaphore_mem>>)
    %add3A_50 = arith.constant 2 : i32
    %add3A_51 = arith.addi %mul3A_2, %add3A_50 : i32
    %dma_start3A_52 = arith.constant 1024 : i32
    %dma_start3A_53 = tpu.memref_slice %arg5[%dma_start3A_52] : memref<2048xf32, #tpu.memory_space<vmem>> -> memref<512xf32, #tpu.memory_space<vmem>>
    %dma_start3A_54 = arith.constant 0 : i32
    %dma_start3A_55 = tpu.memref_slice %arg2[%add3A_51, %dma_start3A_54] : memref<128x512xf32, #tpu.memory_space<hbm>> -> memref<1x512xf32, #tpu.memory_space<hbm>>
    %dma_start3A_56 = tpu.memref_squeeze %dma_start3A_55 : memref<1x512xf32, #tpu.memory_space<hbm>> -> memref<512xf32, #tpu.memory_space<hbm>>
    %dma_start3A_57 = arith.constant 1024 : i32
    %dma_start3A_58 = tpu.memref_slice %arg5[%dma_start3A_57] : memref<2048xf32, #tpu.memory_space<vmem>> -> memref<512xf32, #tpu.memory_space<vmem>>
    %dma_start3A_59 = arith.constant 0 : i32
    %dma_start3A_60 = tpu.memref_slice %arg2[%add3A_51, %dma_start3A_59] : memref<128x512xf32, #tpu.memory_space<hbm>> -> memref<1x512xf32, #tpu.memory_space<hbm>>
    %dma_start3A_61 = tpu.memref_squeeze %dma_start3A_60 : memref<1x512xf32, #tpu.memory_space<hbm>> -> memref<512xf32, #tpu.memory_space<hbm>>
    tpu.enqueue_dma source(%dma_start3A_61 : memref<512xf32, #tpu.memory_space<hbm>>) target(%dma_start3A_58 : memref<512xf32, #tpu.memory_space<vmem>>) target_semaphore(%arg8 : memref<!tpu.dma_semaphore, #tpu.memory_space<semaphore_mem>>)
    %add3A_62 = arith.constant 2 : i32
    %add3A_63 = arith.addi %mul3A_2, %add3A_62 : i32
    %dma_start3A_64 = arith.constant 1024 : i32
    %dma_start3A_65 = tpu.memref_slice %arg6[%dma_start3A_64] : memref<2048xi32, #tpu.memory_space<vmem>> -> memref<512xi32, #tpu.memory_space<vmem>>
    %dma_start3A_66 = arith.constant 0 : i32
    %dma_start3A_67 = tpu.memref_slice %arg3[%add3A_63, %dma_start3A_66] : memref<128x512xi32, #tpu.memory_space<hbm>> -> memref<1x512xi32, #tpu.memory_space<hbm>>
    %dma_start3A_68 = tpu.memref_squeeze %dma_start3A_67 : memref<1x512xi32, #tpu.memory_space<hbm>> -> memref<512xi32, #tpu.memory_space<hbm>>
    %dma_start3A_69 = arith.constant 1024 : i32
    %dma_start3A_70 = tpu.memref_slice %arg6[%dma_start3A_69] : memref<2048xi32, #tpu.memory_space<vmem>> -> memref<512xi32, #tpu.memory_space<vmem>>
    %dma_start3A_71 = arith.constant 0 : i32
    %dma_start3A_72 = tpu.memref_slice %arg3[%add3A_63, %dma_start3A_71] : memref<128x512xi32, #tpu.memory_space<hbm>> -> memref<1x512xi32, #tpu.memory_space<hbm>>
    %dma_start3A_73 = tpu.memref_squeeze %dma_start3A_72 : memref<1x512xi32, #tpu.memory_space<hbm>> -> memref<512xi32, #tpu.memory_space<hbm>>
    tpu.enqueue_dma source(%dma_start3A_73 : memref<512xi32, #tpu.memory_space<hbm>>) target(%dma_start3A_70 : memref<512xi32, #tpu.memory_space<vmem>>) target_semaphore(%arg8 : memref<!tpu.dma_semaphore, #tpu.memory_space<semaphore_mem>>)
    %add3A_74 = arith.constant 3 : i32
    %add3A_75 = arith.addi %mul3A_2, %add3A_74 : i32
    %dma_start3A_76 = arith.constant 1536 : i32
    %dma_start3A_77 = tpu.memref_slice %arg5[%dma_start3A_76] : memref<2048xf32, #tpu.memory_space<vmem>> -> memref<512xf32, #tpu.memory_space<vmem>>
    %dma_start3A_78 = arith.constant 0 : i32
    %dma_start3A_79 = tpu.memref_slice %arg2[%add3A_75, %dma_start3A_78] : memref<128x512xf32, #tpu.memory_space<hbm>> -> memref<1x512xf32, #tpu.memory_space<hbm>>
    %dma_start3A_80 = tpu.memref_squeeze %dma_start3A_79 : memref<1x512xf32, #tpu.memory_space<hbm>> -> memref<512xf32, #tpu.memory_space<hbm>>
    %dma_start3A_81 = arith.constant 1536 : i32
    %dma_start3A_82 = tpu.memref_slice %arg5[%dma_start3A_81] : memref<2048xf32, #tpu.memory_space<vmem>> -> memref<512xf32, #tpu.memory_space<vmem>>
    %dma_start3A_83 = arith.constant 0 : i32
    %dma_start3A_84 = tpu.memref_slice %arg2[%add3A_75, %dma_start3A_83] : memref<128x512xf32, #tpu.memory_space<hbm>> -> memref<1x512xf32, #tpu.memory_space<hbm>>
    %dma_start3A_85 = tpu.memref_squeeze %dma_start3A_84 : memref<1x512xf32, #tpu.memory_space<hbm>> -> memref<512xf32, #tpu.memory_space<hbm>>
    tpu.enqueue_dma source(%dma_start3A_85 : memref<512xf32, #tpu.memory_space<hbm>>) target(%dma_start3A_82 : memref<512xf32, #tpu.memory_space<vmem>>) target_semaphore(%arg8 : memref<!tpu.dma_semaphore, #tpu.memory_space<semaphore_mem>>)
    %add3A_86 = arith.constant 3 : i32
    %add3A_87 = arith.addi %mul3A_2, %add3A_86 : i32
    %dma_start3A_88 = arith.constant 1536 : i32
    %dma_start3A_89 = tpu.memref_slice %arg6[%dma_start3A_88] : memref<2048xi32, #tpu.memory_space<vmem>> -> memref<512xi32, #tpu.memory_space<vmem>>
    %dma_start3A_90 = arith.constant 0 : i32
    %dma_start3A_91 = tpu.memref_slice %arg3[%add3A_87, %dma_start3A_90] : memref<128x512xi32, #tpu.memory_space<hbm>> -> memref<1x512xi32, #tpu.memory_space<hbm>>
    %dma_start3A_92 = tpu.memref_squeeze %dma_start3A_91 : memref<1x512xi32, #tpu.memory_space<hbm>> -> memref<512xi32, #tpu.memory_space<hbm>>
    %dma_start3A_93 = arith.constant 1536 : i32
    %dma_start3A_94 = tpu.memref_slice %arg6[%dma_start3A_93] : memref<2048xi32, #tpu.memory_space<vmem>> -> memref<512xi32, #tpu.memory_space<vmem>>
    %dma_start3A_95 = arith.constant 0 : i32
    %dma_start3A_96 = tpu.memref_slice %arg3[%add3A_87, %dma_start3A_95] : memref<128x512xi32, #tpu.memory_space<hbm>> -> memref<1x512xi32, #tpu.memory_space<hbm>>
    %dma_start3A_97 = tpu.memref_squeeze %dma_start3A_96 : memref<1x512xi32, #tpu.memory_space<hbm>> -> memref<512xi32, #tpu.memory_space<hbm>>
    tpu.enqueue_dma source(%dma_start3A_97 : memref<512xi32, #tpu.memory_space<hbm>>) target(%dma_start3A_94 : memref<512xi32, #tpu.memory_space<vmem>>) target_semaphore(%arg8 : memref<!tpu.dma_semaphore, #tpu.memory_space<semaphore_mem>>)
    %dma_wait3A = arith.constant 0 : i32
    %dma_wait3A_98 = tpu.memref_slice %arg5[%dma_wait3A] : memref<2048xf32, #tpu.memory_space<vmem>> -> memref<512xf32, #tpu.memory_space<vmem>>
    %dma_wait3A_99 = arith.constant 0 : i32
    %dma_wait3A_100 = tpu.memref_slice %arg2[%add3A_4, %dma_wait3A_99] : memref<128x512xf32, #tpu.memory_space<hbm>> -> memref<1x512xf32, #tpu.memory_space<hbm>>
    %dma_wait3A_101 = tpu.memref_squeeze %dma_wait3A_100 : memref<1x512xf32, #tpu.memory_space<hbm>> -> memref<512xf32, #tpu.memory_space<hbm>>
    %dma_wait3A_102 = arith.constant 0 : i32
    %dma_wait3A_103 = tpu.memref_slice %arg5[%dma_wait3A_102] : memref<2048xf32, #tpu.memory_space<vmem>> -> memref<512xf32, #tpu.memory_space<vmem>>
    %dma_wait3A_104 = arith.constant 0 : i32
    %dma_wait3A_105 = tpu.memref_slice %arg2[%add3A_4, %dma_wait3A_104] : memref<128x512xf32, #tpu.memory_space<hbm>> -> memref<1x512xf32, #tpu.memory_space<hbm>>
    %dma_wait3A_106 = tpu.memref_squeeze %dma_wait3A_105 : memref<1x512xf32, #tpu.memory_space<hbm>> -> memref<512xf32, #tpu.memory_space<hbm>>
    tpu.wait_dma2 semaphore(%arg8 : memref<!tpu.dma_semaphore, #tpu.memory_space<semaphore_mem>>) src(%dma_wait3A_106 : memref<512xf32, #tpu.memory_space<hbm>>) dst(%dma_wait3A_103 : memref<512xf32, #tpu.memory_space<vmem>>)
    %dma_wait3A_107 = arith.constant 0 : i32
    %dma_wait3A_108 = tpu.memref_slice %arg6[%dma_wait3A_107] : memref<2048xi32, #tpu.memory_space<vmem>> -> memref<512xi32, #tpu.memory_space<vmem>>
    %dma_wait3A_109 = arith.constant 0 : i32
    %dma_wait3A_110 = tpu.memref_slice %arg3[%add3A_15, %dma_wait3A_109] : memref<128x512xi32, #tpu.memory_space<hbm>> -> memref<1x512xi32, #tpu.memory_space<hbm>>
    %dma_wait3A_111 = tpu.memref_squeeze %dma_wait3A_110 : memref<1x512xi32, #tpu.memory_space<hbm>> -> memref<512xi32, #tpu.memory_space<hbm>>
    %dma_wait3A_112 = arith.constant 0 : i32
    %dma_wait3A_113 = tpu.memref_slice %arg6[%dma_wait3A_112] : memref<2048xi32, #tpu.memory_space<vmem>> -> memref<512xi32, #tpu.memory_space<vmem>>
    %dma_wait3A_114 = arith.constant 0 : i32
    %dma_wait3A_115 = tpu.memref_slice %arg3[%add3A_15, %dma_wait3A_114] : memref<128x512xi32, #tpu.memory_space<hbm>> -> memref<1x512xi32, #tpu.memory_space<hbm>>
    %dma_wait3A_116 = tpu.memref_squeeze %dma_wait3A_115 : memref<1x512xi32, #tpu.memory_space<hbm>> -> memref<512xi32, #tpu.memory_space<hbm>>
    tpu.wait_dma2 semaphore(%arg8 : memref<!tpu.dma_semaphore, #tpu.memory_space<semaphore_mem>>) src(%dma_wait3A_116 : memref<512xi32, #tpu.memory_space<hbm>>) dst(%dma_wait3A_113 : memref<512xi32, #tpu.memory_space<vmem>>)
    %dma_wait3A_117 = arith.constant 512 : i32
    %dma_wait3A_118 = tpu.memref_slice %arg5[%dma_wait3A_117] : memref<2048xf32, #tpu.memory_space<vmem>> -> memref<512xf32, #tpu.memory_space<vmem>>
    %dma_wait3A_119 = arith.constant 0 : i32
    %dma_wait3A_120 = tpu.memref_slice %arg2[%add3A_27, %dma_wait3A_119] : memref<128x512xf32, #tpu.memory_space<hbm>> -> memref<1x512xf32, #tpu.memory_space<hbm>>
    %dma_wait3A_121 = tpu.memref_squeeze %dma_wait3A_120 : memref<1x512xf32, #tpu.memory_space<hbm>> -> memref<512xf32, #tpu.memory_space<hbm>>
    %dma_wait3A_122 = arith.constant 512 : i32
    %dma_wait3A_123 = tpu.memref_slice %arg5[%dma_wait3A_122] : memref<2048xf32, #tpu.memory_space<vmem>> -> memref<512xf32, #tpu.memory_space<vmem>>
    %dma_wait3A_124 = arith.constant 0 : i32
    %dma_wait3A_125 = tpu.memref_slice %arg2[%add3A_27, %dma_wait3A_124] : memref<128x512xf32, #tpu.memory_space<hbm>> -> memref<1x512xf32, #tpu.memory_space<hbm>>
    %dma_wait3A_126 = tpu.memref_squeeze %dma_wait3A_125 : memref<1x512xf32, #tpu.memory_space<hbm>> -> memref<512xf32, #tpu.memory_space<hbm>>
    tpu.wait_dma2 semaphore(%arg8 : memref<!tpu.dma_semaphore, #tpu.memory_space<semaphore_mem>>) src(%dma_wait3A_126 : memref<512xf32, #tpu.memory_space<hbm>>) dst(%dma_wait3A_123 : memref<512xf32, #tpu.memory_space<vmem>>)
    %dma_wait3A_127 = arith.constant 512 : i32
    %dma_wait3A_128 = tpu.memref_slice %arg6[%dma_wait3A_127] : memref<2048xi32, #tpu.memory_space<vmem>> -> memref<512xi32, #tpu.memory_space<vmem>>
    %dma_wait3A_129 = arith.constant 0 : i32
    %dma_wait3A_130 = tpu.memref_slice %arg3[%add3A_39, %dma_wait3A_129] : memref<128x512xi32, #tpu.memory_space<hbm>> -> memref<1x512xi32, #tpu.memory_space<hbm>>
    %dma_wait3A_131 = tpu.memref_squeeze %dma_wait3A_130 : memref<1x512xi32, #tpu.memory_space<hbm>> -> memref<512xi32, #tpu.memory_space<hbm>>
    %dma_wait3A_132 = arith.constant 512 : i32
    %dma_wait3A_133 = tpu.memref_slice %arg6[%dma_wait3A_132] : memref<2048xi32, #tpu.memory_space<vmem>> -> memref<512xi32, #tpu.memory_space<vmem>>
    %dma_wait3A_134 = arith.constant 0 : i32
    %dma_wait3A_135 = tpu.memref_slice %arg3[%add3A_39, %dma_wait3A_134] : memref<128x512xi32, #tpu.memory_space<hbm>> -> memref<1x512xi32, #tpu.memory_space<hbm>>
    %dma_wait3A_136 = tpu.memref_squeeze %dma_wait3A_135 : memref<1x512xi32, #tpu.memory_space<hbm>> -> memref<512xi32, #tpu.memory_space<hbm>>
    tpu.wait_dma2 semaphore(%arg8 : memref<!tpu.dma_semaphore, #tpu.memory_space<semaphore_mem>>) src(%dma_wait3A_136 : memref<512xi32, #tpu.memory_space<hbm>>) dst(%dma_wait3A_133 : memref<512xi32, #tpu.memory_space<vmem>>)
    %dma_wait3A_137 = arith.constant 1024 : i32
    %dma_wait3A_138 = tpu.memref_slice %arg5[%dma_wait3A_137] : memref<2048xf32, #tpu.memory_space<vmem>> -> memref<512xf32, #tpu.memory_space<vmem>>
    %dma_wait3A_139 = arith.constant 0 : i32
    %dma_wait3A_140 = tpu.memref_slice %arg2[%add3A_51, %dma_wait3A_139] : memref<128x512xf32, #tpu.memory_space<hbm>> -> memref<1x512xf32, #tpu.memory_space<hbm>>
    %dma_wait3A_141 = tpu.memref_squeeze %dma_wait3A_140 : memref<1x512xf32, #tpu.memory_space<hbm>> -> memref<512xf32, #tpu.memory_space<hbm>>
    %dma_wait3A_142 = arith.constant 1024 : i32
    %dma_wait3A_143 = tpu.memref_slice %arg5[%dma_wait3A_142] : memref<2048xf32, #tpu.memory_space<vmem>> -> memref<512xf32, #tpu.memory_space<vmem>>
    %dma_wait3A_144 = arith.constant 0 : i32
    %dma_wait3A_145 = tpu.memref_slice %arg2[%add3A_51, %dma_wait3A_144] : memref<128x512xf32, #tpu.memory_space<hbm>> -> memref<1x512xf32, #tpu.memory_space<hbm>>
    %dma_wait3A_146 = tpu.memref_squeeze %dma_wait3A_145 : memref<1x512xf32, #tpu.memory_space<hbm>> -> memref<512xf32, #tpu.memory_space<hbm>>
    tpu.wait_dma2 semaphore(%arg8 : memref<!tpu.dma_semaphore, #tpu.memory_space<semaphore_mem>>) src(%dma_wait3A_146 : memref<512xf32, #tpu.memory_space<hbm>>) dst(%dma_wait3A_143 : memref<512xf32, #tpu.memory_space<vmem>>)
    %dma_wait3A_147 = arith.constant 1024 : i32
    %dma_wait3A_148 = tpu.memref_slice %arg6[%dma_wait3A_147] : memref<2048xi32, #tpu.memory_space<vmem>> -> memref<512xi32, #tpu.memory_space<vmem>>
    %dma_wait3A_149 = arith.constant 0 : i32
    %dma_wait3A_150 = tpu.memref_slice %arg3[%add3A_63, %dma_wait3A_149] : memref<128x512xi32, #tpu.memory_space<hbm>> -> memref<1x512xi32, #tpu.memory_space<hbm>>
    %dma_wait3A_151 = tpu.memref_squeeze %dma_wait3A_150 : memref<1x512xi32, #tpu.memory_space<hbm>> -> memref<512xi32, #tpu.memory_space<hbm>>
    %dma_wait3A_152 = arith.constant 1024 : i32
    %dma_wait3A_153 = tpu.memref_slice %arg6[%dma_wait3A_152] : memref<2048xi32, #tpu.memory_space<vmem>> -> memref<512xi32, #tpu.memory_space<vmem>>
    %dma_wait3A_154 = arith.constant 0 : i32
    %dma_wait3A_155 = tpu.memref_slice %arg3[%add3A_63, %dma_wait3A_154] : memref<128x512xi32, #tpu.memory_space<hbm>> -> memref<1x512xi32, #tpu.memory_space<hbm>>
    %dma_wait3A_156 = tpu.memref_squeeze %dma_wait3A_155 : memref<1x512xi32, #tpu.memory_space<hbm>> -> memref<512xi32, #tpu.memory_space<hbm>>
    tpu.wait_dma2 semaphore(%arg8 : memref<!tpu.dma_semaphore, #tpu.memory_space<semaphore_mem>>) src(%dma_wait3A_156 : memref<512xi32, #tpu.memory_space<hbm>>) dst(%dma_wait3A_153 : memref<512xi32, #tpu.memory_space<vmem>>)
    %dma_wait3A_157 = arith.constant 1536 : i32
    %dma_wait3A_158 = tpu.memref_slice %arg5[%dma_wait3A_157] : memref<2048xf32, #tpu.memory_space<vmem>> -> memref<512xf32, #tpu.memory_space<vmem>>
    %dma_wait3A_159 = arith.constant 0 : i32
    %dma_wait3A_160 = tpu.memref_slice %arg2[%add3A_75, %dma_wait3A_159] : memref<128x512xf32, #tpu.memory_space<hbm>> -> memref<1x512xf32, #tpu.memory_space<hbm>>
    %dma_wait3A_161 = tpu.memref_squeeze %dma_wait3A_160 : memref<1x512xf32, #tpu.memory_space<hbm>> -> memref<512xf32, #tpu.memory_space<hbm>>
    %dma_wait3A_162 = arith.constant 1536 : i32
    %dma_wait3A_163 = tpu.memref_slice %arg5[%dma_wait3A_162] : memref<2048xf32, #tpu.memory_space<vmem>> -> memref<512xf32, #tpu.memory_space<vmem>>
    %dma_wait3A_164 = arith.constant 0 : i32
    %dma_wait3A_165 = tpu.memref_slice %arg2[%add3A_75, %dma_wait3A_164] : memref<128x512xf32, #tpu.memory_space<hbm>> -> memref<1x512xf32, #tpu.memory_space<hbm>>
    %dma_wait3A_166 = tpu.memref_squeeze %dma_wait3A_165 : memref<1x512xf32, #tpu.memory_space<hbm>> -> memref<512xf32, #tpu.memory_space<hbm>>
    tpu.wait_dma2 semaphore(%arg8 : memref<!tpu.dma_semaphore, #tpu.memory_space<semaphore_mem>>) src(%dma_wait3A_166 : memref<512xf32, #tpu.memory_space<hbm>>) dst(%dma_wait3A_163 : memref<512xf32, #tpu.memory_space<vmem>>)
    %dma_wait3A_167 = arith.constant 1536 : i32
    %dma_wait3A_168 = tpu.memref_slice %arg6[%dma_wait3A_167] : memref<2048xi32, #tpu.memory_space<vmem>> -> memref<512xi32, #tpu.memory_space<vmem>>
    %dma_wait3A_169 = arith.constant 0 : i32
    %dma_wait3A_170 = tpu.memref_slice %arg3[%add3A_87, %dma_wait3A_169] : memref<128x512xi32, #tpu.memory_space<hbm>> -> memref<1x512xi32, #tpu.memory_space<hbm>>
    %dma_wait3A_171 = tpu.memref_squeeze %dma_wait3A_170 : memref<1x512xi32, #tpu.memory_space<hbm>> -> memref<512xi32, #tpu.memory_space<hbm>>
    %dma_wait3A_172 = arith.constant 1536 : i32
    %dma_wait3A_173 = tpu.memref_slice %arg6[%dma_wait3A_172] : memref<2048xi32, #tpu.memory_space<vmem>> -> memref<512xi32, #tpu.memory_space<vmem>>
    %dma_wait3A_174 = arith.constant 0 : i32
    %dma_wait3A_175 = tpu.memref_slice %arg3[%add3A_87, %dma_wait3A_174] : memref<128x512xi32, #tpu.memory_space<hbm>> -> memref<1x512xi32, #tpu.memory_space<hbm>>
    %dma_wait3A_176 = tpu.memref_squeeze %dma_wait3A_175 : memref<1x512xi32, #tpu.memory_space<hbm>> -> memref<512xi32, #tpu.memory_space<hbm>>
    tpu.wait_dma2 semaphore(%arg8 : memref<!tpu.dma_semaphore, #tpu.memory_space<semaphore_mem>>) src(%dma_wait3A_176 : memref<512xi32, #tpu.memory_space<hbm>>) dst(%dma_wait3A_173 : memref<512xi32, #tpu.memory_space<vmem>>)
    %scan3A = arith.constant 0 : i32
    %scan3A_177 = arith.constant 0 : i32
    %scan3A_178 = arith.constant 128 : i32
    %scan3A_179 = arith.addi %scan3A_177, %scan3A_178 : i32
    %scan3A_180 = arith.constant 8 : i32
    %scan3A_181 = scf.for %scan3A_271 = %scan3A_177 to %scan3A_179 step %scan3A_180 iter_args(%scan3A_272 = %scan3A) -> (i32)  : i32 {
      %jit3A = arith.constant 32 : i32
      %div3A = arith.divsi %scan3A_271, %jit3A : i32
      %sign3A = arith.constant 0 : i32
      %sign3A_273 = arith.cmpi sgt, %scan3A_271, %sign3A : i32
      %sign3A_274 = arith.extui %sign3A_273 : i1 to i32
      %sign3A_275 = arith.constant 0 : i32
      %sign3A_276 = arith.cmpi slt, %scan3A_271, %sign3A_275 : i32
      %sign3A_277 = arith.extui %sign3A_276 : i1 to i32
      %sign3A_278 = arith.subi %sign3A_274, %sign3A_277 : i32
      %sign3A_279 = arith.constant 0 : i32
      %sign3A_280 = arith.cmpi sgt, %jit3A, %sign3A_279 : i32
      %sign3A_281 = arith.extui %sign3A_280 : i1 to i32
      %sign3A_282 = arith.constant 0 : i32
      %sign3A_283 = arith.cmpi slt, %jit3A, %sign3A_282 : i32
      %sign3A_284 = arith.extui %sign3A_283 : i1 to i32
      %sign3A_285 = arith.subi %sign3A_281, %sign3A_284 : i32
      %ne3A = arith.cmpi ne, %sign3A_278, %sign3A_285 : i32
      %rem3A = arith.remsi %scan3A_271, %jit3A : i32
      %ne3A_286 = arith.constant 0 : i32
      %ne3A_287 = arith.cmpi ne, %rem3A, %ne3A_286 : i32
      %and3A = arith.andi %ne3A, %ne3A_287 : i1
      %sub3A = arith.constant 1 : i32
      %sub3A_288 = arith.subi %div3A, %sub3A : i32
      %select_n3A = arith.select %and3A, %sub3A_288, %div3A : i32
      %mul3A_289 = arith.constant 16 : i32
      %mul3A_290 = arith.muli %scan3A_271, %mul3A_289 : i32
      %get3A = arith.index_cast %mul3A_290 : i32 to index
      %get3A_291 = tpu.vector_load %arg6[%get3A] {strides = array<i32>} : memref<2048xi32, #tpu.memory_space<vmem>>, vector<16xi32>,
      %mul3A_292 = arith.constant 16 : i32
      %mul3A_293 = arith.muli %scan3A_271, %mul3A_292 : i32
      %get3A_294 = arith.index_cast %mul3A_293 : i32 to index
      %get3A_295 = tpu.vector_load %arg5[%get3A_294] {strides = array<i32>} : memref<2048xf32, #tpu.memory_space<vmem>>, vector<16xf32>,
      %mul3A_296 = arith.constant 512 : i32
      %mul3A_297 = arith.muli %select_n3A, %mul3A_296 : i32
      %add3A_298 = vector.broadcast %mul3A_297 : i32 to vector<16xi32>
      %add3A_299 = arith.addi %get3A_291, %add3A_298 : vector<16xi32>
      tpu.vector_store_idx %arg7[%add3A_299], %get3A_295 : memref<2048xf32, #tpu.memory_space<vmem>>[vector<16xi32>], vector<16xf32>,
      %scan3A_300 = arith.constant 0 : i32
      %scan3A_301 = arith.constant 1 : i32
      %scan3A_302 = arith.addi %scan3A_271, %scan3A_301 : i32
      %jit3A_303 = arith.constant 32 : i32
      %div3A_304 = arith.divsi %scan3A_302, %jit3A_303 : i32
      %sign3A_305 = arith.constant 0 : i32
      %sign3A_306 = arith.cmpi sgt, %scan3A_302, %sign3A_305 : i32
      %sign3A_307 = arith.extui %sign3A_306 : i1 to i32
      %sign3A_308 = arith.constant 0 : i32
      %sign3A_309 = arith.cmpi slt, %scan3A_302, %sign3A_308 : i32
      %sign3A_310 = arith.extui %sign3A_309 : i1 to i32
      %sign3A_311 = arith.subi %sign3A_307, %sign3A_310 : i32
      %sign3A_312 = arith.constant 0 : i32
      %sign3A_313 = arith.cmpi sgt, %jit3A_303, %sign3A_312 : i32
      %sign3A_314 = arith.extui %sign3A_313 : i1 to i32
      %sign3A_315 = arith.constant 0 : i32
      %sign3A_316 = arith.cmpi slt, %jit3A_303, %sign3A_315 : i32
      %sign3A_317 = arith.extui %sign3A_316 : i1 to i32
      %sign3A_318 = arith.subi %sign3A_314, %sign3A_317 : i32
      %ne3A_319 = arith.cmpi ne, %sign3A_311, %sign3A_318 : i32
      %rem3A_320 = arith.remsi %scan3A_302, %jit3A_303 : i32
      %ne3A_321 = arith.constant 0 : i32
      %ne3A_322 = arith.cmpi ne, %rem3A_320, %ne3A_321 : i32
      %and3A_323 = arith.andi %ne3A_319, %ne3A_322 : i1
      %sub3A_324 = arith.constant 1 : i32
      %sub3A_325 = arith.subi %div3A_304, %sub3A_324 : i32
      %select_n3A_326 = arith.select %and3A_323, %sub3A_325, %div3A_304 : i32
      %mul3A_327 = arith.constant 16 : i32
      %mul3A_328 = arith.muli %scan3A_302, %mul3A_327 : i32
      %get3A_329 = arith.index_cast %mul3A_328 : i32 to index
      %get3A_330 = tpu.vector_load %arg6[%get3A_329] {strides = array<i32>} : memref<2048xi32, #tpu.memory_space<vmem>>, vector<16xi32>,
      %mul3A_331 = arith.constant 16 : i32
      %mul3A_332 = arith.muli %scan3A_302, %mul3A_331 : i32
      %get3A_333 = arith.index_cast %mul3A_332 : i32 to index
      %get3A_334 = tpu.vector_load %arg5[%get3A_333] {strides = array<i32>} : memref<2048xf32, #tpu.memory_space<vmem>>, vector<16xf32>,
      %mul3A_335 = arith.constant 512 : i32
      %mul3A_336 = arith.muli %select_n3A_326, %mul3A_335 : i32
      %add3A_337 = vector.broadcast %mul3A_336 : i32 to vector<16xi32>
      %add3A_338 = arith.addi %get3A_330, %add3A_337 : vector<16xi32>
      tpu.vector_store_idx %arg7[%add3A_338], %get3A_334 : memref<2048xf32, #tpu.memory_space<vmem>>[vector<16xi32>], vector<16xf32>,
      %scan3A_339 = arith.constant 0 : i32
      %scan3A_340 = arith.constant 2 : i32
      %scan3A_341 = arith.addi %scan3A_271, %scan3A_340 : i32
      %jit3A_342 = arith.constant 32 : i32
      %div3A_343 = arith.divsi %scan3A_341, %jit3A_342 : i32
      %sign3A_344 = arith.constant 0 : i32
      %sign3A_345 = arith.cmpi sgt, %scan3A_341, %sign3A_344 : i32
      %sign3A_346 = arith.extui %sign3A_345 : i1 to i32
      %sign3A_347 = arith.constant 0 : i32
      %sign3A_348 = arith.cmpi slt, %scan3A_341, %sign3A_347 : i32
      %sign3A_349 = arith.extui %sign3A_348 : i1 to i32
      %sign3A_350 = arith.subi %sign3A_346, %sign3A_349 : i32
      %sign3A_351 = arith.constant 0 : i32
      %sign3A_352 = arith.cmpi sgt, %jit3A_342, %sign3A_351 : i32
      %sign3A_353 = arith.extui %sign3A_352 : i1 to i32
      %sign3A_354 = arith.constant 0 : i32
      %sign3A_355 = arith.cmpi slt, %jit3A_342, %sign3A_354 : i32
      %sign3A_356 = arith.extui %sign3A_355 : i1 to i32
      %sign3A_357 = arith.subi %sign3A_353, %sign3A_356 : i32
      %ne3A_358 = arith.cmpi ne, %sign3A_350, %sign3A_357 : i32
      %rem3A_359 = arith.remsi %scan3A_341, %jit3A_342 : i32
      %ne3A_360 = arith.constant 0 : i32
      %ne3A_361 = arith.cmpi ne, %rem3A_359, %ne3A_360 : i32
      %and3A_362 = arith.andi %ne3A_358, %ne3A_361 : i1
      %sub3A_363 = arith.constant 1 : i32
      %sub3A_364 = arith.subi %div3A_343, %sub3A_363 : i32
      %select_n3A_365 = arith.select %and3A_362, %sub3A_364, %div3A_343 : i32
      %mul3A_366 = arith.constant 16 : i32
      %mul3A_367 = arith.muli %scan3A_341, %mul3A_366 : i32
      %get3A_368 = arith.index_cast %mul3A_367 : i32 to index
      %get3A_369 = tpu.vector_load %arg6[%get3A_368] {strides = array<i32>} : memref<2048xi32, #tpu.memory_space<vmem>>, vector<16xi32>,
      %mul3A_370 = arith.constant 16 : i32
      %mul3A_371 = arith.muli %scan3A_341, %mul3A_370 : i32
      %get3A_372 = arith.index_cast %mul3A_371 : i32 to index
      %get3A_373 = tpu.vector_load %arg5[%get3A_372] {strides = array<i32>} : memref<2048xf32, #tpu.memory_space<vmem>>, vector<16xf32>,
      %mul3A_374 = arith.constant 512 : i32
      %mul3A_375 = arith.muli %select_n3A_365, %mul3A_374 : i32
      %add3A_376 = vector.broadcast %mul3A_375 : i32 to vector<16xi32>
      %add3A_377 = arith.addi %get3A_369, %add3A_376 : vector<16xi32>
      tpu.vector_store_idx %arg7[%add3A_377], %get3A_373 : memref<2048xf32, #tpu.memory_space<vmem>>[vector<16xi32>], vector<16xf32>,
      %scan3A_378 = arith.constant 0 : i32
      %scan3A_379 = arith.constant 3 : i32
      %scan3A_380 = arith.addi %scan3A_271, %scan3A_379 : i32
      %jit3A_381 = arith.constant 32 : i32
      %div3A_382 = arith.divsi %scan3A_380, %jit3A_381 : i32
      %sign3A_383 = arith.constant 0 : i32
      %sign3A_384 = arith.cmpi sgt, %scan3A_380, %sign3A_383 : i32
      %sign3A_385 = arith.extui %sign3A_384 : i1 to i32
      %sign3A_386 = arith.constant 0 : i32
      %sign3A_387 = arith.cmpi slt, %scan3A_380, %sign3A_386 : i32
      %sign3A_388 = arith.extui %sign3A_387 : i1 to i32
      %sign3A_389 = arith.subi %sign3A_385, %sign3A_388 : i32
      %sign3A_390 = arith.constant 0 : i32
      %sign3A_391 = arith.cmpi sgt, %jit3A_381, %sign3A_390 : i32
      %sign3A_392 = arith.extui %sign3A_391 : i1 to i32
      %sign3A_393 = arith.constant 0 : i32
      %sign3A_394 = arith.cmpi slt, %jit3A_381, %sign3A_393 : i32
      %sign3A_395 = arith.extui %sign3A_394 : i1 to i32
      %sign3A_396 = arith.subi %sign3A_392, %sign3A_395 : i32
      %ne3A_397 = arith.cmpi ne, %sign3A_389, %sign3A_396 : i32
      %rem3A_398 = arith.remsi %scan3A_380, %jit3A_381 : i32
      %ne3A_399 = arith.constant 0 : i32
      %ne3A_400 = arith.cmpi ne, %rem3A_398, %ne3A_399 : i32
      %and3A_401 = arith.andi %ne3A_397, %ne3A_400 : i1
      %sub3A_402 = arith.constant 1 : i32
      %sub3A_403 = arith.subi %div3A_382, %sub3A_402 : i32
      %select_n3A_404 = arith.select %and3A_401, %sub3A_403, %div3A_382 : i32
      %mul3A_405 = arith.constant 16 : i32
      %mul3A_406 = arith.muli %scan3A_380, %mul3A_405 : i32
      %get3A_407 = arith.index_cast %mul3A_406 : i32 to index
      %get3A_408 = tpu.vector_load %arg6[%get3A_407] {strides = array<i32>} : memref<2048xi32, #tpu.memory_space<vmem>>, vector<16xi32>,
      %mul3A_409 = arith.constant 16 : i32
      %mul3A_410 = arith.muli %scan3A_380, %mul3A_409 : i32
      %get3A_411 = arith.index_cast %mul3A_410 : i32 to index
      %get3A_412 = tpu.vector_load %arg5[%get3A_411] {strides = array<i32>} : memref<2048xf32, #tpu.memory_space<vmem>>, vector<16xf32>,
      %mul3A_413 = arith.constant 512 : i32
      %mul3A_414 = arith.muli %select_n3A_404, %mul3A_413 : i32
      %add3A_415 = vector.broadcast %mul3A_414 : i32 to vector<16xi32>
      %add3A_416 = arith.addi %get3A_408, %add3A_415 : vector<16xi32>
      tpu.vector_store_idx %arg7[%add3A_416], %get3A_412 : memref<2048xf32, #tpu.memory_space<vmem>>[vector<16xi32>], vector<16xf32>,
      %scan3A_417 = arith.constant 0 : i32
      %scan3A_418 = arith.constant 4 : i32
      %scan3A_419 = arith.addi %scan3A_271, %scan3A_418 : i32
      %jit3A_420 = arith.constant 32 : i32
      %div3A_421 = arith.divsi %scan3A_419, %jit3A_420 : i32
      %sign3A_422 = arith.constant 0 : i32
      %sign3A_423 = arith.cmpi sgt, %scan3A_419, %sign3A_422 : i32
      %sign3A_424 = arith.extui %sign3A_423 : i1 to i32
      %sign3A_425 = arith.constant 0 : i32
      %sign3A_426 = arith.cmpi slt, %scan3A_419, %sign3A_425 : i32
      %sign3A_427 = arith.extui %sign3A_426 : i1 to i32
      %sign3A_428 = arith.subi %sign3A_424, %sign3A_427 : i32
      %sign3A_429 = arith.constant 0 : i32
      %sign3A_430 = arith.cmpi sgt, %jit3A_420, %sign3A_429 : i32
      %sign3A_431 = arith.extui %sign3A_430 : i1 to i32
      %sign3A_432 = arith.constant 0 : i32
      %sign3A_433 = arith.cmpi slt, %jit3A_420, %sign3A_432 : i32
      %sign3A_434 = arith.extui %sign3A_433 : i1 to i32
      %sign3A_435 = arith.subi %sign3A_431, %sign3A_434 : i32
      %ne3A_436 = arith.cmpi ne, %sign3A_428, %sign3A_435 : i32
      %rem3A_437 = arith.remsi %scan3A_419, %jit3A_420 : i32
      %ne3A_438 = arith.constant 0 : i32
      %ne3A_439 = arith.cmpi ne, %rem3A_437, %ne3A_438 : i32
      %and3A_440 = arith.andi %ne3A_436, %ne3A_439 : i1
      %sub3A_441 = arith.constant 1 : i32
      %sub3A_442 = arith.subi %div3A_421, %sub3A_441 : i32
      %select_n3A_443 = arith.select %and3A_440, %sub3A_442, %div3A_421 : i32
      %mul3A_444 = arith.constant 16 : i32
      %mul3A_445 = arith.muli %scan3A_419, %mul3A_444 : i32
      %get3A_446 = arith.index_cast %mul3A_445 : i32 to index
      %get3A_447 = tpu.vector_load %arg6[%get3A_446] {strides = array<i32>} : memref<2048xi32, #tpu.memory_space<vmem>>, vector<16xi32>,
      %mul3A_448 = arith.constant 16 : i32
      %mul3A_449 = arith.muli %scan3A_419, %mul3A_448 : i32
      %get3A_450 = arith.index_cast %mul3A_449 : i32 to index
      %get3A_451 = tpu.vector_load %arg5[%get3A_450] {strides = array<i32>} : memref<2048xf32, #tpu.memory_space<vmem>>, vector<16xf32>,
      %mul3A_452 = arith.constant 512 : i32
      %mul3A_453 = arith.muli %select_n3A_443, %mul3A_452 : i32
      %add3A_454 = vector.broadcast %mul3A_453 : i32 to vector<16xi32>
      %add3A_455 = arith.addi %get3A_447, %add3A_454 : vector<16xi32>
      tpu.vector_store_idx %arg7[%add3A_455], %get3A_451 : memref<2048xf32, #tpu.memory_space<vmem>>[vector<16xi32>], vector<16xf32>,
      %scan3A_456 = arith.constant 0 : i32
      %scan3A_457 = arith.constant 5 : i32
      %scan3A_458 = arith.addi %scan3A_271, %scan3A_457 : i32
      %jit3A_459 = arith.constant 32 : i32
      %div3A_460 = arith.divsi %scan3A_458, %jit3A_459 : i32
      %sign3A_461 = arith.constant 0 : i32
      %sign3A_462 = arith.cmpi sgt, %scan3A_458, %sign3A_461 : i32
      %sign3A_463 = arith.extui %sign3A_462 : i1 to i32
      %sign3A_464 = arith.constant 0 : i32
      %sign3A_465 = arith.cmpi slt, %scan3A_458, %sign3A_464 : i32
      %sign3A_466 = arith.extui %sign3A_465 : i1 to i32
      %sign3A_467 = arith.subi %sign3A_463, %sign3A_466 : i32
      %sign3A_468 = arith.constant 0 : i32
      %sign3A_469 = arith.cmpi sgt, %jit3A_459, %sign3A_468 : i32
      %sign3A_470 = arith.extui %sign3A_469 : i1 to i32
      %sign3A_471 = arith.constant 0 : i32
      %sign3A_472 = arith.cmpi slt, %jit3A_459, %sign3A_471 : i32
      %sign3A_473 = arith.extui %sign3A_472 : i1 to i32
      %sign3A_474 = arith.subi %sign3A_470, %sign3A_473 : i32
      %ne3A_475 = arith.cmpi ne, %sign3A_467, %sign3A_474 : i32
      %rem3A_476 = arith.remsi %scan3A_458, %jit3A_459 : i32
      %ne3A_477 = arith.constant 0 : i32
      %ne3A_478 = arith.cmpi ne, %rem3A_476, %ne3A_477 : i32
      %and3A_479 = arith.andi %ne3A_475, %ne3A_478 : i1
      %sub3A_480 = arith.constant 1 : i32
      %sub3A_481 = arith.subi %div3A_460, %sub3A_480 : i32
      %select_n3A_482 = arith.select %and3A_479, %sub3A_481, %div3A_460 : i32
      %mul3A_483 = arith.constant 16 : i32
      %mul3A_484 = arith.muli %scan3A_458, %mul3A_483 : i32
      %get3A_485 = arith.index_cast %mul3A_484 : i32 to index
      %get3A_486 = tpu.vector_load %arg6[%get3A_485] {strides = array<i32>} : memref<2048xi32, #tpu.memory_space<vmem>>, vector<16xi32>,
      %mul3A_487 = arith.constant 16 : i32
      %mul3A_488 = arith.muli %scan3A_458, %mul3A_487 : i32
      %get3A_489 = arith.index_cast %mul3A_488 : i32 to index
      %get3A_490 = tpu.vector_load %arg5[%get3A_489] {strides = array<i32>} : memref<2048xf32, #tpu.memory_space<vmem>>, vector<16xf32>,
      %mul3A_491 = arith.constant 512 : i32
      %mul3A_492 = arith.muli %select_n3A_482, %mul3A_491 : i32
      %add3A_493 = vector.broadcast %mul3A_492 : i32 to vector<16xi32>
      %add3A_494 = arith.addi %get3A_486, %add3A_493 : vector<16xi32>
      tpu.vector_store_idx %arg7[%add3A_494], %get3A_490 : memref<2048xf32, #tpu.memory_space<vmem>>[vector<16xi32>], vector<16xf32>,
      %scan3A_495 = arith.constant 0 : i32
      %scan3A_496 = arith.constant 6 : i32
      %scan3A_497 = arith.addi %scan3A_271, %scan3A_496 : i32
      %jit3A_498 = arith.constant 32 : i32
      %div3A_499 = arith.divsi %scan3A_497, %jit3A_498 : i32
      %sign3A_500 = arith.constant 0 : i32
      %sign3A_501 = arith.cmpi sgt, %scan3A_497, %sign3A_500 : i32
      %sign3A_502 = arith.extui %sign3A_501 : i1 to i32
      %sign3A_503 = arith.constant 0 : i32
      %sign3A_504 = arith.cmpi slt, %scan3A_497, %sign3A_503 : i32
      %sign3A_505 = arith.extui %sign3A_504 : i1 to i32
      %sign3A_506 = arith.subi %sign3A_502, %sign3A_505 : i32
      %sign3A_507 = arith.constant 0 : i32
      %sign3A_508 = arith.cmpi sgt, %jit3A_498, %sign3A_507 : i32
      %sign3A_509 = arith.extui %sign3A_508 : i1 to i32
      %sign3A_510 = arith.constant 0 : i32
      %sign3A_511 = arith.cmpi slt, %jit3A_498, %sign3A_510 : i32
      %sign3A_512 = arith.extui %sign3A_511 : i1 to i32
      %sign3A_513 = arith.subi %sign3A_509, %sign3A_512 : i32
      %ne3A_514 = arith.cmpi ne, %sign3A_506, %sign3A_513 : i32
      %rem3A_515 = arith.remsi %scan3A_497, %jit3A_498 : i32
      %ne3A_516 = arith.constant 0 : i32
      %ne3A_517 = arith.cmpi ne, %rem3A_515, %ne3A_516 : i32
      %and3A_518 = arith.andi %ne3A_514, %ne3A_517 : i1
      %sub3A_519 = arith.constant 1 : i32
      %sub3A_520 = arith.subi %div3A_499, %sub3A_519 : i32
      %select_n3A_521 = arith.select %and3A_518, %sub3A_520, %div3A_499 : i32
      %mul3A_522 = arith.constant 16 : i32
      %mul3A_523 = arith.muli %scan3A_497, %mul3A_522 : i32
      %get3A_524 = arith.index_cast %mul3A_523 : i32 to index
      %get3A_525 = tpu.vector_load %arg6[%get3A_524] {strides = array<i32>} : memref<2048xi32, #tpu.memory_space<vmem>>, vector<16xi32>,
      %mul3A_526 = arith.constant 16 : i32
      %mul3A_527 = arith.muli %scan3A_497, %mul3A_526 : i32
      %get3A_528 = arith.index_cast %mul3A_527 : i32 to index
      %get3A_529 = tpu.vector_load %arg5[%get3A_528] {strides = array<i32>} : memref<2048xf32, #tpu.memory_space<vmem>>, vector<16xf32>,
      %mul3A_530 = arith.constant 512 : i32
      %mul3A_531 = arith.muli %select_n3A_521, %mul3A_530 : i32
      %add3A_532 = vector.broadcast %mul3A_531 : i32 to vector<16xi32>
      %add3A_533 = arith.addi %get3A_525, %add3A_532 : vector<16xi32>
      tpu.vector_store_idx %arg7[%add3A_533], %get3A_529 : memref<2048xf32, #tpu.memory_space<vmem>>[vector<16xi32>], vector<16xf32>,
      %scan3A_534 = arith.constant 0 : i32
      %scan3A_535 = arith.constant 7 : i32
      %scan3A_536 = arith.addi %scan3A_271, %scan3A_535 : i32
      %jit3A_537 = arith.constant 32 : i32
      %div3A_538 = arith.divsi %scan3A_536, %jit3A_537 : i32
      %sign3A_539 = arith.constant 0 : i32
      %sign3A_540 = arith.cmpi sgt, %scan3A_536, %sign3A_539 : i32
      %sign3A_541 = arith.extui %sign3A_540 : i1 to i32
      %sign3A_542 = arith.constant 0 : i32
      %sign3A_543 = arith.cmpi slt, %scan3A_536, %sign3A_542 : i32
      %sign3A_544 = arith.extui %sign3A_543 : i1 to i32
      %sign3A_545 = arith.subi %sign3A_541, %sign3A_544 : i32
      %sign3A_546 = arith.constant 0 : i32
      %sign3A_547 = arith.cmpi sgt, %jit3A_537, %sign3A_546 : i32
      %sign3A_548 = arith.extui %sign3A_547 : i1 to i32
      %sign3A_549 = arith.constant 0 : i32
      %sign3A_550 = arith.cmpi slt, %jit3A_537, %sign3A_549 : i32
      %sign3A_551 = arith.extui %sign3A_550 : i1 to i32
      %sign3A_552 = arith.subi %sign3A_548, %sign3A_551 : i32
      %ne3A_553 = arith.cmpi ne, %sign3A_545, %sign3A_552 : i32
      %rem3A_554 = arith.remsi %scan3A_536, %jit3A_537 : i32
      %ne3A_555 = arith.constant 0 : i32
      %ne3A_556 = arith.cmpi ne, %rem3A_554, %ne3A_555 : i32
      %and3A_557 = arith.andi %ne3A_553, %ne3A_556 : i1
      %sub3A_558 = arith.constant 1 : i32
      %sub3A_559 = arith.subi %div3A_538, %sub3A_558 : i32
      %select_n3A_560 = arith.select %and3A_557, %sub3A_559, %div3A_538 : i32
      %mul3A_561 = arith.constant 16 : i32
      %mul3A_562 = arith.muli %scan3A_536, %mul3A_561 : i32
      %get3A_563 = arith.index_cast %mul3A_562 : i32 to index
      %get3A_564 = tpu.vector_load %arg6[%get3A_563] {strides = array<i32>} : memref<2048xi32, #tpu.memory_space<vmem>>, vector<16xi32>,
      %mul3A_565 = arith.constant 16 : i32
      %mul3A_566 = arith.muli %scan3A_536, %mul3A_565 : i32
      %get3A_567 = arith.index_cast %mul3A_566 : i32 to index
      %get3A_568 = tpu.vector_load %arg5[%get3A_567] {strides = array<i32>} : memref<2048xf32, #tpu.memory_space<vmem>>, vector<16xf32>,
      %mul3A_569 = arith.constant 512 : i32
      %mul3A_570 = arith.muli %select_n3A_560, %mul3A_569 : i32
      %add3A_571 = vector.broadcast %mul3A_570 : i32 to vector<16xi32>
      %add3A_572 = arith.addi %get3A_564, %add3A_571 : vector<16xi32>
      tpu.vector_store_idx %arg7[%add3A_572], %get3A_568 : memref<2048xf32, #tpu.memory_space<vmem>>[vector<16xi32>], vector<16xf32>,
      %scan3A_573 = arith.constant 0 : i32
      scf.yield %scan3A_573 : i32
    }
    %scan3A_182 = arith.constant 128 : i32
    %add3A_183 = arith.constant 0 : i32
    %add3A_184 = arith.addi %mul3A_2, %add3A_183 : i32
    %dma_start3A_185 = arith.constant 0 : i32
    %dma_start3A_186 = tpu.memref_slice %arg7[%dma_start3A_185] : memref<2048xf32, #tpu.memory_space<vmem>> -> memref<512xf32, #tpu.memory_space<vmem>>
    %dma_start3A_187 = arith.constant 0 : i32
    %dma_start3A_188 = tpu.memref_slice %arg4[%add3A_184, %dma_start3A_187] : memref<128x512xf32, #tpu.memory_space<hbm>> -> memref<1x512xf32, #tpu.memory_space<hbm>>
    %dma_start3A_189 = tpu.memref_squeeze %dma_start3A_188 : memref<1x512xf32, #tpu.memory_space<hbm>> -> memref<512xf32, #tpu.memory_space<hbm>>
    %dma_start3A_190 = arith.constant 0 : i32
    %dma_start3A_191 = tpu.memref_slice %arg4[%add3A_184, %dma_start3A_190] : memref<128x512xf32, #tpu.memory_space<hbm>> -> memref<1x512xf32, #tpu.memory_space<hbm>>
    %dma_start3A_192 = tpu.memref_squeeze %dma_start3A_191 : memref<1x512xf32, #tpu.memory_space<hbm>> -> memref<512xf32, #tpu.memory_space<hbm>>
    %dma_start3A_193 = arith.constant 0 : i32
    %dma_start3A_194 = tpu.memref_slice %arg7[%dma_start3A_193] : memref<2048xf32, #tpu.memory_space<vmem>> -> memref<512xf32, #tpu.memory_space<vmem>>
    tpu.enqueue_dma source(%dma_start3A_194 : memref<512xf32, #tpu.memory_space<vmem>>) target(%dma_start3A_192 : memref<512xf32, #tpu.memory_space<hbm>>) target_semaphore(%arg8 : memref<!tpu.dma_semaphore, #tpu.memory_space<semaphore_mem>>)
    %add3A_195 = arith.constant 1 : i32
    %add3A_196 = arith.addi %mul3A_2, %add3A_195 : i32
    %dma_start3A_197 = arith.constant 512 : i32
    %dma_start3A_198 = tpu.memref_slice %arg7[%dma_start3A_197] : memref<2048xf32, #tpu.memory_space<vmem>> -> memref<512xf32, #tpu.memory_space<vmem>>
    %dma_start3A_199 = arith.constant 0 : i32
    %dma_start3A_200 = tpu.memref_slice %arg4[%add3A_196, %dma_start3A_199] : memref<128x512xf32, #tpu.memory_space<hbm>> -> memref<1x512xf32, #tpu.memory_space<hbm>>
    %dma_start3A_201 = tpu.memref_squeeze %dma_start3A_200 : memref<1x512xf32, #tpu.memory_space<hbm>> -> memref<512xf32, #tpu.memory_space<hbm>>
    %dma_start3A_202 = arith.constant 0 : i32
    %dma_start3A_203 = tpu.memref_slice %arg4[%add3A_196, %dma_start3A_202] : memref<128x512xf32, #tpu.memory_space<hbm>> -> memref<1x512xf32, #tpu.memory_space<hbm>>
    %dma_start3A_204 = tpu.memref_squeeze %dma_start3A_203 : memref<1x512xf32, #tpu.memory_space<hbm>> -> memref<512xf32, #tpu.memory_space<hbm>>
    %dma_start3A_205 = arith.constant 512 : i32
    %dma_start3A_206 = tpu.memref_slice %arg7[%dma_start3A_205] : memref<2048xf32, #tpu.memory_space<vmem>> -> memref<512xf32, #tpu.memory_space<vmem>>
    tpu.enqueue_dma source(%dma_start3A_206 : memref<512xf32, #tpu.memory_space<vmem>>) target(%dma_start3A_204 : memref<512xf32, #tpu.memory_space<hbm>>) target_semaphore(%arg8 : memref<!tpu.dma_semaphore, #tpu.memory_space<semaphore_mem>>)
    %add3A_207 = arith.constant 2 : i32
    %add3A_208 = arith.addi %mul3A_2, %add3A_207 : i32
    %dma_start3A_209 = arith.constant 1024 : i32
    %dma_start3A_210 = tpu.memref_slice %arg7[%dma_start3A_209] : memref<2048xf32, #tpu.memory_space<vmem>> -> memref<512xf32, #tpu.memory_space<vmem>>
    %dma_start3A_211 = arith.constant 0 : i32
    %dma_start3A_212 = tpu.memref_slice %arg4[%add3A_208, %dma_start3A_211] : memref<128x512xf32, #tpu.memory_space<hbm>> -> memref<1x512xf32, #tpu.memory_space<hbm>>
    %dma_start3A_213 = tpu.memref_squeeze %dma_start3A_212 : memref<1x512xf32, #tpu.memory_space<hbm>> -> memref<512xf32, #tpu.memory_space<hbm>>
    %dma_start3A_214 = arith.constant 0 : i32
    %dma_start3A_215 = tpu.memref_slice %arg4[%add3A_208, %dma_start3A_214] : memref<128x512xf32, #tpu.memory_space<hbm>> -> memref<1x512xf32, #tpu.memory_space<hbm>>
    %dma_start3A_216 = tpu.memref_squeeze %dma_start3A_215 : memref<1x512xf32, #tpu.memory_space<hbm>> -> memref<512xf32, #tpu.memory_space<hbm>>
    %dma_start3A_217 = arith.constant 1024 : i32
    %dma_start3A_218 = tpu.memref_slice %arg7[%dma_start3A_217] : memref<2048xf32, #tpu.memory_space<vmem>> -> memref<512xf32, #tpu.memory_space<vmem>>
    tpu.enqueue_dma source(%dma_start3A_218 : memref<512xf32, #tpu.memory_space<vmem>>) target(%dma_start3A_216 : memref<512xf32, #tpu.memory_space<hbm>>) target_semaphore(%arg8 : memref<!tpu.dma_semaphore, #tpu.memory_space<semaphore_mem>>)
    %add3A_219 = arith.constant 3 : i32
    %add3A_220 = arith.addi %mul3A_2, %add3A_219 : i32
    %dma_start3A_221 = arith.constant 1536 : i32
    %dma_start3A_222 = tpu.memref_slice %arg7[%dma_start3A_221] : memref<2048xf32, #tpu.memory_space<vmem>> -> memref<512xf32, #tpu.memory_space<vmem>>
    %dma_start3A_223 = arith.constant 0 : i32
    %dma_start3A_224 = tpu.memref_slice %arg4[%add3A_220, %dma_start3A_223] : memref<128x512xf32, #tpu.memory_space<hbm>> -> memref<1x512xf32, #tpu.memory_space<hbm>>
    %dma_start3A_225 = tpu.memref_squeeze %dma_start3A_224 : memref<1x512xf32, #tpu.memory_space<hbm>> -> memref<512xf32, #tpu.memory_space<hbm>>
    %dma_start3A_226 = arith.constant 0 : i32
    %dma_start3A_227 = tpu.memref_slice %arg4[%add3A_220, %dma_start3A_226] : memref<128x512xf32, #tpu.memory_space<hbm>> -> memref<1x512xf32, #tpu.memory_space<hbm>>
    %dma_start3A_228 = tpu.memref_squeeze %dma_start3A_227 : memref<1x512xf32, #tpu.memory_space<hbm>> -> memref<512xf32, #tpu.memory_space<hbm>>
    %dma_start3A_229 = arith.constant 1536 : i32
    %dma_start3A_230 = tpu.memref_slice %arg7[%dma_start3A_229] : memref<2048xf32, #tpu.memory_space<vmem>> -> memref<512xf32, #tpu.memory_space<vmem>>
    tpu.enqueue_dma source(%dma_start3A_230 : memref<512xf32, #tpu.memory_space<vmem>>) target(%dma_start3A_228 : memref<512xf32, #tpu.memory_space<hbm>>) target_semaphore(%arg8 : memref<!tpu.dma_semaphore, #tpu.memory_space<semaphore_mem>>)
    %dma_wait3A_231 = arith.constant 0 : i32
    %dma_wait3A_232 = tpu.memref_slice %arg7[%dma_wait3A_231] : memref<2048xf32, #tpu.memory_space<vmem>> -> memref<512xf32, #tpu.memory_space<vmem>>
    %dma_wait3A_233 = arith.constant 0 : i32
    %dma_wait3A_234 = tpu.memref_slice %arg4[%add3A_184, %dma_wait3A_233] : memref<128x512xf32, #tpu.memory_space<hbm>> -> memref<1x512xf32, #tpu.memory_space<hbm>>
    %dma_wait3A_235 = tpu.memref_squeeze %dma_wait3A_234 : memref<1x512xf32, #tpu.memory_space<hbm>> -> memref<512xf32, #tpu.memory_space<hbm>>
    %dma_wait3A_236 = arith.constant 0 : i32
    %dma_wait3A_237 = tpu.memref_slice %arg4[%add3A_184, %dma_wait3A_236] : memref<128x512xf32, #tpu.memory_space<hbm>> -> memref<1x512xf32, #tpu.memory_space<hbm>>
    %dma_wait3A_238 = tpu.memref_squeeze %dma_wait3A_237 : memref<1x512xf32, #tpu.memory_space<hbm>> -> memref<512xf32, #tpu.memory_space<hbm>>
    %dma_wait3A_239 = arith.constant 0 : i32
    %dma_wait3A_240 = tpu.memref_slice %arg7[%dma_wait3A_239] : memref<2048xf32, #tpu.memory_space<vmem>> -> memref<512xf32, #tpu.memory_space<vmem>>
    tpu.wait_dma2 semaphore(%arg8 : memref<!tpu.dma_semaphore, #tpu.memory_space<semaphore_mem>>) src(%dma_wait3A_240 : memref<512xf32, #tpu.memory_space<vmem>>) dst(%dma_wait3A_238 : memref<512xf32, #tpu.memory_space<hbm>>)
    %dma_wait3A_241 = arith.constant 512 : i32
    %dma_wait3A_242 = tpu.memref_slice %arg7[%dma_wait3A_241] : memref<2048xf32, #tpu.memory_space<vmem>> -> memref<512xf32, #tpu.memory_space<vmem>>
    %dma_wait3A_243 = arith.constant 0 : i32
    %dma_wait3A_244 = tpu.memref_slice %arg4[%add3A_196, %dma_wait3A_243] : memref<128x512xf32, #tpu.memory_space<hbm>> -> memref<1x512xf32, #tpu.memory_space<hbm>>
    %dma_wait3A_245 = tpu.memref_squeeze %dma_wait3A_244 : memref<1x512xf32, #tpu.memory_space<hbm>> -> memref<512xf32, #tpu.memory_space<hbm>>
    %dma_wait3A_246 = arith.constant 0 : i32
    %dma_wait3A_247 = tpu.memref_slice %arg4[%add3A_196, %dma_wait3A_246] : memref<128x512xf32, #tpu.memory_space<hbm>> -> memref<1x512xf32, #tpu.memory_space<hbm>>
    %dma_wait3A_248 = tpu.memref_squeeze %dma_wait3A_247 : memref<1x512xf32, #tpu.memory_space<hbm>> -> memref<512xf32, #tpu.memory_space<hbm>>
    %dma_wait3A_249 = arith.constant 512 : i32
    %dma_wait3A_250 = tpu.memref_slice %arg7[%dma_wait3A_249] : memref<2048xf32, #tpu.memory_space<vmem>> -> memref<512xf32, #tpu.memory_space<vmem>>
    tpu.wait_dma2 semaphore(%arg8 : memref<!tpu.dma_semaphore, #tpu.memory_space<semaphore_mem>>) src(%dma_wait3A_250 : memref<512xf32, #tpu.memory_space<vmem>>) dst(%dma_wait3A_248 : memref<512xf32, #tpu.memory_space<hbm>>)
    %dma_wait3A_251 = arith.constant 1024 : i32
    %dma_wait3A_252 = tpu.memref_slice %arg7[%dma_wait3A_251] : memref<2048xf32, #tpu.memory_space<vmem>> -> memref<512xf32, #tpu.memory_space<vmem>>
    %dma_wait3A_253 = arith.constant 0 : i32
    %dma_wait3A_254 = tpu.memref_slice %arg4[%add3A_208, %dma_wait3A_253] : memref<128x512xf32, #tpu.memory_space<hbm>> -> memref<1x512xf32, #tpu.memory_space<hbm>>
    %dma_wait3A_255 = tpu.memref_squeeze %dma_wait3A_254 : memref<1x512xf32, #tpu.memory_space<hbm>> -> memref<512xf32, #tpu.memory_space<hbm>>
    %dma_wait3A_256 = arith.constant 0 : i32
    %dma_wait3A_257 = tpu.memref_slice %arg4[%add3A_208, %dma_wait3A_256] : memref<128x512xf32, #tpu.memory_space<hbm>> -> memref<1x512xf32, #tpu.memory_space<hbm>>
    %dma_wait3A_258 = tpu.memref_squeeze %dma_wait3A_257 : memref<1x512xf32, #tpu.memory_space<hbm>> -> memref<512xf32, #tpu.memory_space<hbm>>
    %dma_wait3A_259 = arith.constant 1024 : i32
    %dma_wait3A_260 = tpu.memref_slice %arg7[%dma_wait3A_259] : memref<2048xf32, #tpu.memory_space<vmem>> -> memref<512xf32, #tpu.memory_space<vmem>>
    tpu.wait_dma2 semaphore(%arg8 : memref<!tpu.dma_semaphore, #tpu.memory_space<semaphore_mem>>) src(%dma_wait3A_260 : memref<512xf32, #tpu.memory_space<vmem>>) dst(%dma_wait3A_258 : memref<512xf32, #tpu.memory_space<hbm>>)
    %dma_wait3A_261 = arith.constant 1536 : i32
    %dma_wait3A_262 = tpu.memref_slice %arg7[%dma_wait3A_261] : memref<2048xf32, #tpu.memory_space<vmem>> -> memref<512xf32, #tpu.memory_space<vmem>>
    %dma_wait3A_263 = arith.constant 0 : i32
    %dma_wait3A_264 = tpu.memref_slice %arg4[%add3A_220, %dma_wait3A_263] : memref<128x512xf32, #tpu.memory_space<hbm>> -> memref<1x512xf32, #tpu.memory_space<hbm>>
    %dma_wait3A_265 = tpu.memref_squeeze %dma_wait3A_264 : memref<1x512xf32, #tpu.memory_space<hbm>> -> memref<512xf32, #tpu.memory_space<hbm>>
    %dma_wait3A_266 = arith.constant 0 : i32
    %dma_wait3A_267 = tpu.memref_slice %arg4[%add3A_220, %dma_wait3A_266] : memref<128x512xf32, #tpu.memory_space<hbm>> -> memref<1x512xf32, #tpu.memory_space<hbm>>
    %dma_wait3A_268 = tpu.memref_squeeze %dma_wait3A_267 : memref<1x512xf32, #tpu.memory_space<hbm>> -> memref<512xf32, #tpu.memory_space<hbm>>
    %dma_wait3A_269 = arith.constant 1536 : i32
    %dma_wait3A_270 = tpu.memref_slice %arg7[%dma_wait3A_269] : memref<2048xf32, #tpu.memory_space<vmem>> -> memref<512xf32, #tpu.memory_space<vmem>>
    tpu.wait_dma2 semaphore(%arg8 : memref<!tpu.dma_semaphore, #tpu.memory_space<semaphore_mem>>) src(%dma_wait3A_270 : memref<512xf32, #tpu.memory_space<vmem>>) dst(%dma_wait3A_268 : memref<512xf32, #tpu.memory_space<hbm>>)
    return
  }
}

module attributes {stable_mosaic.version = 14 : i64} {
  func.func @_dense_kernel(%arg0: memref<128x512xf32, #tpu.memory_space<vmem>>, %arg1: memref<128x128xf32, #tpu.memory_space<vmem>>, %arg2: memref<128x1xf32, #tpu.memory_space<vmem>>, %arg3: memref<64x128xf32, #tpu.memory_space<vmem>>, %arg4: memref<64x1xf32, #tpu.memory_space<vmem>>, %arg5: memref<10x64xf32, #tpu.memory_space<vmem>>, %arg6: memref<1x10xf32, #tpu.memory_space<vmem>>, %arg7: memref<512x10xf32, #tpu.memory_space<vmem>>) attributes {dimension_semantics = [], scalar_prefetch = 0 : i64, scratch_operands = 0 : i64, tpu.core_type = #tpu.core_type<tc>} {
    %get3A = arith.constant 0 : index
    %get3A_0 = arith.constant 0 : index
    %get3A_1 = vector.load %arg0[%get3A, %get3A_0] : memref<128x512xf32, #tpu.memory_space<vmem>>, vector<128x512xf32>
    %get3A_2 = arith.constant 0 : index
    %get3A_3 = arith.constant 0 : index
    %get3A_4 = vector.load %arg1[%get3A_2, %get3A_3] : memref<128x128xf32, #tpu.memory_space<vmem>>, vector<128x128xf32>
    %dot_general3A = arith.constant dense<0.000000e+00> : vector<128x512xf32>
    %dot_general3A_5 = tpu.matmul %get3A_4, %get3A_1, %dot_general3A {dimension_numbers = #tpu.dot_dimension_numbers<[1], [0], [0], [1], [0, 0, 1, 1], [], []>, transpose_lhs_hint = false} : vector<128x128xf32>, vector<128x512xf32>, vector<128x512xf32> -> vector<128x512xf32>
    %get3A_6 = arith.constant 0 : index
    %get3A_7 = arith.constant 0 : index
    %get3A_8 = vector.load %arg2[%get3A_6, %get3A_7] : memref<128x1xf32, #tpu.memory_space<vmem>>, vector<128x1xf32>
    %add3A = vector.broadcast %get3A_8 : vector<128x1xf32> to vector<128x512xf32>
    %add3A_9 = arith.addf %dot_general3A_5, %add3A : vector<128x512xf32>
    %max3A = arith.constant 0.000000e+00 : f32
    %max3A_10 = vector.broadcast %max3A : f32 to vector<128x512xf32>
    %max3A_11 = arith.maximumf %add3A_9, %max3A_10 : vector<128x512xf32>
    %get3A_12 = arith.constant 0 : index
    %get3A_13 = arith.constant 0 : index
    %get3A_14 = vector.load %arg3[%get3A_12, %get3A_13] : memref<64x128xf32, #tpu.memory_space<vmem>>, vector<64x128xf32>
    %dot_general3A_15 = arith.constant dense<0.000000e+00> : vector<64x512xf32>
    %dot_general3A_16 = tpu.matmul %get3A_14, %max3A_11, %dot_general3A_15 {dimension_numbers = #tpu.dot_dimension_numbers<[1], [0], [0], [1], [0, 0, 1, 1], [], []>, transpose_lhs_hint = false} : vector<64x128xf32>, vector<128x512xf32>, vector<64x512xf32> -> vector<64x512xf32>
    %get3A_17 = arith.constant 0 : index
    %get3A_18 = arith.constant 0 : index
    %get3A_19 = vector.load %arg4[%get3A_17, %get3A_18] : memref<64x1xf32, #tpu.memory_space<vmem>>, vector<64x1xf32>
    %add3A_20 = vector.broadcast %get3A_19 : vector<64x1xf32> to vector<64x512xf32>
    %add3A_21 = arith.addf %dot_general3A_16, %add3A_20 : vector<64x512xf32>
    %max3A_22 = arith.constant 0.000000e+00 : f32
    %max3A_23 = vector.broadcast %max3A_22 : f32 to vector<64x512xf32>
    %max3A_24 = arith.maximumf %add3A_21, %max3A_23 : vector<64x512xf32>
    %get3A_25 = arith.constant 0 : index
    %get3A_26 = arith.constant 0 : index
    %get3A_27 = vector.load %arg5[%get3A_25, %get3A_26] : memref<10x64xf32, #tpu.memory_space<vmem>>, vector<10x64xf32>
    %dot_general3A_28 = arith.constant dense<0.000000e+00> : vector<512x10xf32>
    %dot_general3A_29 = tpu.matmul %max3A_24, %get3A_27, %dot_general3A_28 {dimension_numbers = #tpu.dot_dimension_numbers<[0], [1], [1], [0], [0, 1, 1, 0], [], []>, transpose_lhs_hint = false} : vector<64x512xf32>, vector<10x64xf32>, vector<512x10xf32> -> vector<512x10xf32>
    %get3A_30 = arith.constant 0 : index
    %get3A_31 = arith.constant 0 : index
    %get3A_32 = vector.load %arg6[%get3A_30, %get3A_31] : memref<1x10xf32, #tpu.memory_space<vmem>>, vector<1x10xf32>
    %add3A_33 = vector.broadcast %get3A_32 : vector<1x10xf32> to vector<512x10xf32>
    %add3A_34 = arith.addf %dot_general3A_29, %add3A_33 : vector<512x10xf32>
    %swap3A = arith.constant 0 : index
    %swap3A_35 = arith.constant 0 : index
    %swap3A_36 = vector.load %arg7[%swap3A, %swap3A_35] : memref<512x10xf32, #tpu.memory_space<vmem>>, vector<512x10xf32>
    tpu.vector_store %arg7[%swap3A, %swap3A_35], %add3A_34 {strides = array<i32>} : memref<512x10xf32, #tpu.memory_space<vmem>>, vector<512x10xf32>,
    return
  }
}

module attributes {stable_mosaic.version = 14 : i64} {
  func.func @_sort_kernel(%arg0: memref<128x768xf32, #tpu.memory_space<vmem>>, %arg1: memref<1x128xf32, #tpu.memory_space<vmem>>, %arg2: memref<512x768xf32, #tpu.memory_space<vmem>>, %arg3: memref<128x512xf32, #tpu.memory_space<vmem>>, %arg4: memref<128x512xi32, #tpu.memory_space<vmem>>) attributes {dimension_semantics = [], scalar_prefetch = 0 : i64, scratch_operands = 0 : i64, tpu.core_type = #tpu.core_type<tc>} {
    %get3A = arith.constant 0 : index
    %get3A_0 = arith.constant 0 : index
    %get3A_1 = vector.load %arg2[%get3A, %get3A_0] : memref<512x768xf32, #tpu.memory_space<vmem>>, vector<512x768xf32>
    %get3A_2 = arith.constant 0 : index
    %get3A_3 = arith.constant 0 : index
    %get3A_4 = vector.load %arg0[%get3A_2, %get3A_3] : memref<128x768xf32, #tpu.memory_space<vmem>>, vector<128x768xf32>
    %dot_general3A = arith.constant dense<0.000000e+00> : vector<512x128xf32>
    %dot_general3A_5 = tpu.matmul %get3A_1, %get3A_4, %dot_general3A {dimension_numbers = #tpu.dot_dimension_numbers<[1], [1], [0], [0], [0, 0, 1, 0], [], []>, transpose_lhs_hint = false} : vector<512x768xf32>, vector<128x768xf32>, vector<512x128xf32> -> vector<512x128xf32>
    %get3A_6 = arith.constant 0 : index
    %get3A_7 = arith.constant 0 : index
    %get3A_8 = vector.load %arg1[%get3A_6, %get3A_7] : memref<1x128xf32, #tpu.memory_space<vmem>>, vector<1x128xf32>
    %add3A = vector.broadcast %get3A_8 : vector<1x128xf32> to vector<512x128xf32>
    %add3A_9 = arith.addf %dot_general3A_5, %add3A : vector<512x128xf32>
    %max3A = arith.constant 0.000000e+00 : f32
    %max3A_10 = vector.broadcast %max3A : f32 to vector<512x128xf32>
    %max3A_11 = arith.maximumf %add3A_9, %max3A_10 : vector<512x128xf32>
    %iota3A = tpu.iota {dimensions = array<i32: 0>} : vector<512x128xi32>
    %iota3A_12 = tpu.iota {dimensions = array<i32: 0>} : vector<512x1xi32>
    %and3A = arith.constant 1 : i32
    %and3A_13 = vector.broadcast %and3A : i32 to vector<512x1xi32>
    %and3A_14 = arith.andi %iota3A_12, %and3A_13 : vector<512x1xi32>
    %ne3A = arith.constant 0 : i32
    %ne3A_15 = vector.broadcast %ne3A : i32 to vector<512x1xi32>
    %ne3A_16 = arith.cmpi ne, %and3A_14, %ne3A_15 : vector<512x1xi32>
    %and3A_17 = arith.constant 2 : i32
    %and3A_18 = vector.broadcast %and3A_17 : i32 to vector<512x1xi32>
    %and3A_19 = arith.andi %iota3A_12, %and3A_18 : vector<512x1xi32>
    %eq3A = arith.constant 0 : i32
    %eq3A_20 = vector.broadcast %eq3A : i32 to vector<512x1xi32>
    %eq3A_21 = arith.cmpi eq, %and3A_19, %eq3A_20 : vector<512x1xi32>
    %ne3A_22 = arith.xori %eq3A_21, %ne3A_16 : vector<512x1xi1>
    %broadcast_in_dim3A = arith.constant 0.000000e+00 : f32
    %broadcast_in_dim3A_23 = vector.broadcast %broadcast_in_dim3A : f32 to vector<1x128xf32>
    %slice3A = vector.extract_strided_slice %max3A_11 {offsets = [0, 0], sizes = [511, 128], strides = [1, 1]} : vector<512x128xf32> to vector<511x128xf32>
    %concatenate3A = tpu.concatenate %broadcast_in_dim3A_23, %slice3A in 0 : vector<1x128xf32>, vector<511x128xf32> -> vector<512x128xf32>
    %broadcast_in_dim3A_24 = arith.constant 0.000000e+00 : f32
    %broadcast_in_dim3A_25 = vector.broadcast %broadcast_in_dim3A_24 : f32 to vector<1x128xf32>
    %slice3A_26 = vector.extract_strided_slice %max3A_11 {offsets = [1, 0], sizes = [511, 128], strides = [1, 1]} : vector<512x128xf32> to vector<511x128xf32>
    %concatenate3A_27 = tpu.concatenate %slice3A_26, %broadcast_in_dim3A_25 in 0 : vector<511x128xf32>, vector<1x128xf32> -> vector<512x128xf32>
    %broadcast_in_dim3A_28 = vector.shape_cast %ne3A_16 : vector<512x1xi1> to vector<512x1xi1>
    %broadcast_in_dim3A_29 = vector.broadcast %broadcast_in_dim3A_28 : vector<512x1xi1> to vector<512x128xi1>
    %select_n3A = arith.select %broadcast_in_dim3A_29, %concatenate3A, %concatenate3A_27 : vector<512x128xi1>, vector<512x128xf32>
    %broadcast_in_dim3A_30 = arith.constant 0 : i32
    %broadcast_in_dim3A_31 = vector.broadcast %broadcast_in_dim3A_30 : i32 to vector<1x128xi32>
    %slice3A_32 = vector.extract_strided_slice %iota3A {offsets = [0, 0], sizes = [511, 128], strides = [1, 1]} : vector<512x128xi32> to vector<511x128xi32>
    %concatenate3A_33 = tpu.concatenate %broadcast_in_dim3A_31, %slice3A_32 in 0 : vector<1x128xi32>, vector<511x128xi32> -> vector<512x128xi32>
    %broadcast_in_dim3A_34 = arith.constant 0 : i32
    %broadcast_in_dim3A_35 = vector.broadcast %broadcast_in_dim3A_34 : i32 to vector<1x128xi32>
    %slice3A_36 = vector.extract_strided_slice %iota3A {offsets = [1, 0], sizes = [511, 128], strides = [1, 1]} : vector<512x128xi32> to vector<511x128xi32>
    %concatenate3A_37 = tpu.concatenate %slice3A_36, %broadcast_in_dim3A_35 in 0 : vector<511x128xi32>, vector<1x128xi32> -> vector<512x128xi32>
    %broadcast_in_dim3A_38 = vector.shape_cast %ne3A_16 : vector<512x1xi1> to vector<512x1xi1>
    %broadcast_in_dim3A_39 = vector.broadcast %broadcast_in_dim3A_38 : vector<512x1xi1> to vector<512x128xi1>
    %select_n3A_40 = arith.select %broadcast_in_dim3A_39, %concatenate3A_33, %concatenate3A_37 : vector<512x128xi1>, vector<512x128xi32>
    %min3A = arith.minimumf %max3A_11, %select_n3A : vector<512x128xf32>
    %max3A_41 = arith.maximumf %max3A_11, %select_n3A : vector<512x128xf32>
    %broadcast_in_dim3A_42 = vector.shape_cast %ne3A_22 : vector<512x1xi1> to vector<512x1xi1>
    %broadcast_in_dim3A_43 = vector.broadcast %broadcast_in_dim3A_42 : vector<512x1xi1> to vector<512x128xi1>
    %select_n3A_44 = arith.select %broadcast_in_dim3A_43, %min3A, %max3A_41 : vector<512x128xi1>, vector<512x128xf32>
    %eq3A_45 = arith.cmpf oeq, %select_n3A_44, %max3A_11 : vector<512x128xf32>
    %select_n3A_46 = arith.select %eq3A_45, %iota3A, %select_n3A_40 : vector<512x128xi1>, vector<512x128xi32>
    %and3A_47 = arith.constant 2 : i32
    %and3A_48 = vector.broadcast %and3A_47 : i32 to vector<512x1xi32>
    %and3A_49 = arith.andi %iota3A_12, %and3A_48 : vector<512x1xi32>
    %ne3A_50 = arith.constant 0 : i32
    %ne3A_51 = vector.broadcast %ne3A_50 : i32 to vector<512x1xi32>
    %ne3A_52 = arith.cmpi ne, %and3A_49, %ne3A_51 : vector<512x1xi32>
    %and3A_53 = arith.constant 4 : i32
    %and3A_54 = vector.broadcast %and3A_53 : i32 to vector<512x1xi32>
    %and3A_55 = arith.andi %iota3A_12, %and3A_54 : vector<512x1xi32>
    %eq3A_56 = arith.constant 0 : i32
    %eq3A_57 = vector.broadcast %eq3A_56 : i32 to vector<512x1xi32>
    %eq3A_58 = arith.cmpi eq, %and3A_55, %eq3A_57 : vector<512x1xi32>
    %ne3A_59 = arith.xori %eq3A_58, %ne3A_52 : vector<512x1xi1>
    %broadcast_in_dim3A_60 = arith.constant 0.000000e+00 : f32
    %broadcast_in_dim3A_61 = vector.broadcast %broadcast_in_dim3A_60 : f32 to vector<2x128xf32>
    %slice3A_62 = vector.extract_strided_slice %select_n3A_44 {offsets = [0, 0], sizes = [510, 128], strides = [1, 1]} : vector<512x128xf32> to vector<510x128xf32>
    %concatenate3A_63 = tpu.concatenate %broadcast_in_dim3A_61, %slice3A_62 in 0 : vector<2x128xf32>, vector<510x128xf32> -> vector<512x128xf32>
    %broadcast_in_dim3A_64 = arith.constant 0.000000e+00 : f32
    %broadcast_in_dim3A_65 = vector.broadcast %broadcast_in_dim3A_64 : f32 to vector<2x128xf32>
    %slice3A_66 = vector.extract_strided_slice %select_n3A_44 {offsets = [2, 0], sizes = [510, 128], strides = [1, 1]} : vector<512x128xf32> to vector<510x128xf32>
    %concatenate3A_67 = tpu.concatenate %slice3A_66, %broadcast_in_dim3A_65 in 0 : vector<510x128xf32>, vector<2x128xf32> -> vector<512x128xf32>
    %broadcast_in_dim3A_68 = vector.shape_cast %ne3A_52 : vector<512x1xi1> to vector<512x1xi1>
    %broadcast_in_dim3A_69 = vector.broadcast %broadcast_in_dim3A_68 : vector<512x1xi1> to vector<512x128xi1>
    %select_n3A_70 = arith.select %broadcast_in_dim3A_69, %concatenate3A_63, %concatenate3A_67 : vector<512x128xi1>, vector<512x128xf32>
    %broadcast_in_dim3A_71 = arith.constant 0 : i32
    %broadcast_in_dim3A_72 = vector.broadcast %broadcast_in_dim3A_71 : i32 to vector<2x128xi32>
    %slice3A_73 = vector.extract_strided_slice %select_n3A_46 {offsets = [0, 0], sizes = [510, 128], strides = [1, 1]} : vector<512x128xi32> to vector<510x128xi32>
    %concatenate3A_74 = tpu.concatenate %broadcast_in_dim3A_72, %slice3A_73 in 0 : vector<2x128xi32>, vector<510x128xi32> -> vector<512x128xi32>
    %broadcast_in_dim3A_75 = arith.constant 0 : i32
    %broadcast_in_dim3A_76 = vector.broadcast %broadcast_in_dim3A_75 : i32 to vector<2x128xi32>
    %slice3A_77 = vector.extract_strided_slice %select_n3A_46 {offsets = [2, 0], sizes = [510, 128], strides = [1, 1]} : vector<512x128xi32> to vector<510x128xi32>
    %concatenate3A_78 = tpu.concatenate %slice3A_77, %broadcast_in_dim3A_76 in 0 : vector<510x128xi32>, vector<2x128xi32> -> vector<512x128xi32>
    %broadcast_in_dim3A_79 = vector.shape_cast %ne3A_52 : vector<512x1xi1> to vector<512x1xi1>
    %broadcast_in_dim3A_80 = vector.broadcast %broadcast_in_dim3A_79 : vector<512x1xi1> to vector<512x128xi1>
    %select_n3A_81 = arith.select %broadcast_in_dim3A_80, %concatenate3A_74, %concatenate3A_78 : vector<512x128xi1>, vector<512x128xi32>
    %min3A_82 = arith.minimumf %select_n3A_44, %select_n3A_70 : vector<512x128xf32>
    %max3A_83 = arith.maximumf %select_n3A_44, %select_n3A_70 : vector<512x128xf32>
    %broadcast_in_dim3A_84 = vector.shape_cast %ne3A_59 : vector<512x1xi1> to vector<512x1xi1>
    %broadcast_in_dim3A_85 = vector.broadcast %broadcast_in_dim3A_84 : vector<512x1xi1> to vector<512x128xi1>
    %select_n3A_86 = arith.select %broadcast_in_dim3A_85, %min3A_82, %max3A_83 : vector<512x128xi1>, vector<512x128xf32>
    %eq3A_87 = arith.cmpf oeq, %select_n3A_86, %select_n3A_44 : vector<512x128xf32>
    %select_n3A_88 = arith.select %eq3A_87, %select_n3A_46, %select_n3A_81 : vector<512x128xi1>, vector<512x128xi32>
    %and3A_89 = arith.constant 1 : i32
    %and3A_90 = vector.broadcast %and3A_89 : i32 to vector<512x1xi32>
    %and3A_91 = arith.andi %iota3A_12, %and3A_90 : vector<512x1xi32>
    %ne3A_92 = arith.constant 0 : i32
    %ne3A_93 = vector.broadcast %ne3A_92 : i32 to vector<512x1xi32>
    %ne3A_94 = arith.cmpi ne, %and3A_91, %ne3A_93 : vector<512x1xi32>
    %and3A_95 = arith.constant 4 : i32
    %and3A_96 = vector.broadcast %and3A_95 : i32 to vector<512x1xi32>
    %and3A_97 = arith.andi %iota3A_12, %and3A_96 : vector<512x1xi32>
    %eq3A_98 = arith.constant 0 : i32
    %eq3A_99 = vector.broadcast %eq3A_98 : i32 to vector<512x1xi32>
    %eq3A_100 = arith.cmpi eq, %and3A_97, %eq3A_99 : vector<512x1xi32>
    %ne3A_101 = arith.xori %eq3A_100, %ne3A_94 : vector<512x1xi1>
    %broadcast_in_dim3A_102 = arith.constant 0.000000e+00 : f32
    %broadcast_in_dim3A_103 = vector.broadcast %broadcast_in_dim3A_102 : f32 to vector<1x128xf32>
    %slice3A_104 = vector.extract_strided_slice %select_n3A_86 {offsets = [0, 0], sizes = [511, 128], strides = [1, 1]} : vector<512x128xf32> to vector<511x128xf32>
    %concatenate3A_105 = tpu.concatenate %broadcast_in_dim3A_103, %slice3A_104 in 0 : vector<1x128xf32>, vector<511x128xf32> -> vector<512x128xf32>
    %broadcast_in_dim3A_106 = arith.constant 0.000000e+00 : f32
    %broadcast_in_dim3A_107 = vector.broadcast %broadcast_in_dim3A_106 : f32 to vector<1x128xf32>
    %slice3A_108 = vector.extract_strided_slice %select_n3A_86 {offsets = [1, 0], sizes = [511, 128], strides = [1, 1]} : vector<512x128xf32> to vector<511x128xf32>
    %concatenate3A_109 = tpu.concatenate %slice3A_108, %broadcast_in_dim3A_107 in 0 : vector<511x128xf32>, vector<1x128xf32> -> vector<512x128xf32>
    %broadcast_in_dim3A_110 = vector.shape_cast %ne3A_94 : vector<512x1xi1> to vector<512x1xi1>
    %broadcast_in_dim3A_111 = vector.broadcast %broadcast_in_dim3A_110 : vector<512x1xi1> to vector<512x128xi1>
    %select_n3A_112 = arith.select %broadcast_in_dim3A_111, %concatenate3A_105, %concatenate3A_109 : vector<512x128xi1>, vector<512x128xf32>
    %broadcast_in_dim3A_113 = arith.constant 0 : i32
    %broadcast_in_dim3A_114 = vector.broadcast %broadcast_in_dim3A_113 : i32 to vector<1x128xi32>
    %slice3A_115 = vector.extract_strided_slice %select_n3A_88 {offsets = [0, 0], sizes = [511, 128], strides = [1, 1]} : vector<512x128xi32> to vector<511x128xi32>
    %concatenate3A_116 = tpu.concatenate %broadcast_in_dim3A_114, %slice3A_115 in 0 : vector<1x128xi32>, vector<511x128xi32> -> vector<512x128xi32>
    %broadcast_in_dim3A_117 = arith.constant 0 : i32
    %broadcast_in_dim3A_118 = vector.broadcast %broadcast_in_dim3A_117 : i32 to vector<1x128xi32>
    %slice3A_119 = vector.extract_strided_slice %select_n3A_88 {offsets = [1, 0], sizes = [511, 128], strides = [1, 1]} : vector<512x128xi32> to vector<511x128xi32>
    %concatenate3A_120 = tpu.concatenate %slice3A_119, %broadcast_in_dim3A_118 in 0 : vector<511x128xi32>, vector<1x128xi32> -> vector<512x128xi32>
    %broadcast_in_dim3A_121 = vector.shape_cast %ne3A_94 : vector<512x1xi1> to vector<512x1xi1>
    %broadcast_in_dim3A_122 = vector.broadcast %broadcast_in_dim3A_121 : vector<512x1xi1> to vector<512x128xi1>
    %select_n3A_123 = arith.select %broadcast_in_dim3A_122, %concatenate3A_116, %concatenate3A_120 : vector<512x128xi1>, vector<512x128xi32>
    %min3A_124 = arith.minimumf %select_n3A_86, %select_n3A_112 : vector<512x128xf32>
    %max3A_125 = arith.maximumf %select_n3A_86, %select_n3A_112 : vector<512x128xf32>
    %broadcast_in_dim3A_126 = vector.shape_cast %ne3A_101 : vector<512x1xi1> to vector<512x1xi1>
    %broadcast_in_dim3A_127 = vector.broadcast %broadcast_in_dim3A_126 : vector<512x1xi1> to vector<512x128xi1>
    %select_n3A_128 = arith.select %broadcast_in_dim3A_127, %min3A_124, %max3A_125 : vector<512x128xi1>, vector<512x128xf32>
    %eq3A_129 = arith.cmpf oeq, %select_n3A_128, %select_n3A_86 : vector<512x128xf32>
    %select_n3A_130 = arith.select %eq3A_129, %select_n3A_88, %select_n3A_123 : vector<512x128xi1>, vector<512x128xi32>
    %and3A_131 = arith.constant 4 : i32
    %and3A_132 = vector.broadcast %and3A_131 : i32 to vector<512x1xi32>
    %and3A_133 = arith.andi %iota3A_12, %and3A_132 : vector<512x1xi32>
    %ne3A_134 = arith.constant 0 : i32
    %ne3A_135 = vector.broadcast %ne3A_134 : i32 to vector<512x1xi32>
    %ne3A_136 = arith.cmpi ne, %and3A_133, %ne3A_135 : vector<512x1xi32>
    %and3A_137 = arith.constant 8 : i32
    %and3A_138 = vector.broadcast %and3A_137 : i32 to vector<512x1xi32>
    %and3A_139 = arith.andi %iota3A_12, %and3A_138 : vector<512x1xi32>
    %eq3A_140 = arith.constant 0 : i32
    %eq3A_141 = vector.broadcast %eq3A_140 : i32 to vector<512x1xi32>
    %eq3A_142 = arith.cmpi eq, %and3A_139, %eq3A_141 : vector<512x1xi32>
    %ne3A_143 = arith.xori %eq3A_142, %ne3A_136 : vector<512x1xi1>
    %broadcast_in_dim3A_144 = arith.constant 0.000000e+00 : f32
    %broadcast_in_dim3A_145 = vector.broadcast %broadcast_in_dim3A_144 : f32 to vector<4x128xf32>
    %slice3A_146 = vector.extract_strided_slice %select_n3A_128 {offsets = [0, 0], sizes = [508, 128], strides = [1, 1]} : vector<512x128xf32> to vector<508x128xf32>
    %concatenate3A_147 = tpu.concatenate %broadcast_in_dim3A_145, %slice3A_146 in 0 : vector<4x128xf32>, vector<508x128xf32> -> vector<512x128xf32>
    %broadcast_in_dim3A_148 = arith.constant 0.000000e+00 : f32
    %broadcast_in_dim3A_149 = vector.broadcast %broadcast_in_dim3A_148 : f32 to vector<4x128xf32>
    %slice3A_150 = vector.extract_strided_slice %select_n3A_128 {offsets = [4, 0], sizes = [508, 128], strides = [1, 1]} : vector<512x128xf32> to vector<508x128xf32>
    %concatenate3A_151 = tpu.concatenate %slice3A_150, %broadcast_in_dim3A_149 in 0 : vector<508x128xf32>, vector<4x128xf32> -> vector<512x128xf32>
    %broadcast_in_dim3A_152 = vector.shape_cast %ne3A_136 : vector<512x1xi1> to vector<512x1xi1>
    %broadcast_in_dim3A_153 = vector.broadcast %broadcast_in_dim3A_152 : vector<512x1xi1> to vector<512x128xi1>
    %select_n3A_154 = arith.select %broadcast_in_dim3A_153, %concatenate3A_147, %concatenate3A_151 : vector<512x128xi1>, vector<512x128xf32>
    %broadcast_in_dim3A_155 = arith.constant 0 : i32
    %broadcast_in_dim3A_156 = vector.broadcast %broadcast_in_dim3A_155 : i32 to vector<4x128xi32>
    %slice3A_157 = vector.extract_strided_slice %select_n3A_130 {offsets = [0, 0], sizes = [508, 128], strides = [1, 1]} : vector<512x128xi32> to vector<508x128xi32>
    %concatenate3A_158 = tpu.concatenate %broadcast_in_dim3A_156, %slice3A_157 in 0 : vector<4x128xi32>, vector<508x128xi32> -> vector<512x128xi32>
    %broadcast_in_dim3A_159 = arith.constant 0 : i32
    %broadcast_in_dim3A_160 = vector.broadcast %broadcast_in_dim3A_159 : i32 to vector<4x128xi32>
    %slice3A_161 = vector.extract_strided_slice %select_n3A_130 {offsets = [4, 0], sizes = [508, 128], strides = [1, 1]} : vector<512x128xi32> to vector<508x128xi32>
    %concatenate3A_162 = tpu.concatenate %slice3A_161, %broadcast_in_dim3A_160 in 0 : vector<508x128xi32>, vector<4x128xi32> -> vector<512x128xi32>
    %broadcast_in_dim3A_163 = vector.shape_cast %ne3A_136 : vector<512x1xi1> to vector<512x1xi1>
    %broadcast_in_dim3A_164 = vector.broadcast %broadcast_in_dim3A_163 : vector<512x1xi1> to vector<512x128xi1>
    %select_n3A_165 = arith.select %broadcast_in_dim3A_164, %concatenate3A_158, %concatenate3A_162 : vector<512x128xi1>, vector<512x128xi32>
    %min3A_166 = arith.minimumf %select_n3A_128, %select_n3A_154 : vector<512x128xf32>
    %max3A_167 = arith.maximumf %select_n3A_128, %select_n3A_154 : vector<512x128xf32>
    %broadcast_in_dim3A_168 = vector.shape_cast %ne3A_143 : vector<512x1xi1> to vector<512x1xi1>
    %broadcast_in_dim3A_169 = vector.broadcast %broadcast_in_dim3A_168 : vector<512x1xi1> to vector<512x128xi1>
    %select_n3A_170 = arith.select %broadcast_in_dim3A_169, %min3A_166, %max3A_167 : vector<512x128xi1>, vector<512x128xf32>
    %eq3A_171 = arith.cmpf oeq, %select_n3A_170, %select_n3A_128 : vector<512x128xf32>
    %select_n3A_172 = arith.select %eq3A_171, %select_n3A_130, %select_n3A_165 : vector<512x128xi1>, vector<512x128xi32>
    %and3A_173 = arith.constant 2 : i32
    %and3A_174 = vector.broadcast %and3A_173 : i32 to vector<512x1xi32>
    %and3A_175 = arith.andi %iota3A_12, %and3A_174 : vector<512x1xi32>
    %ne3A_176 = arith.constant 0 : i32
    %ne3A_177 = vector.broadcast %ne3A_176 : i32 to vector<512x1xi32>
    %ne3A_178 = arith.cmpi ne, %and3A_175, %ne3A_177 : vector<512x1xi32>
    %and3A_179 = arith.constant 8 : i32
    %and3A_180 = vector.broadcast %and3A_179 : i32 to vector<512x1xi32>
    %and3A_181 = arith.andi %iota3A_12, %and3A_180 : vector<512x1xi32>
    %eq3A_182 = arith.constant 0 : i32
    %eq3A_183 = vector.broadcast %eq3A_182 : i32 to vector<512x1xi32>
    %eq3A_184 = arith.cmpi eq, %and3A_181, %eq3A_183 : vector<512x1xi32>
    %ne3A_185 = arith.xori %eq3A_184, %ne3A_178 : vector<512x1xi1>
    %broadcast_in_dim3A_186 = arith.constant 0.000000e+00 : f32
    %broadcast_in_dim3A_187 = vector.broadcast %broadcast_in_dim3A_186 : f32 to vector<2x128xf32>
    %slice3A_188 = vector.extract_strided_slice %select_n3A_170 {offsets = [0, 0], sizes = [510, 128], strides = [1, 1]} : vector<512x128xf32> to vector<510x128xf32>
    %concatenate3A_189 = tpu.concatenate %broadcast_in_dim3A_187, %slice3A_188 in 0 : vector<2x128xf32>, vector<510x128xf32> -> vector<512x128xf32>
    %broadcast_in_dim3A_190 = arith.constant 0.000000e+00 : f32
    %broadcast_in_dim3A_191 = vector.broadcast %broadcast_in_dim3A_190 : f32 to vector<2x128xf32>
    %slice3A_192 = vector.extract_strided_slice %select_n3A_170 {offsets = [2, 0], sizes = [510, 128], strides = [1, 1]} : vector<512x128xf32> to vector<510x128xf32>
    %concatenate3A_193 = tpu.concatenate %slice3A_192, %broadcast_in_dim3A_191 in 0 : vector<510x128xf32>, vector<2x128xf32> -> vector<512x128xf32>
    %broadcast_in_dim3A_194 = vector.shape_cast %ne3A_178 : vector<512x1xi1> to vector<512x1xi1>
    %broadcast_in_dim3A_195 = vector.broadcast %broadcast_in_dim3A_194 : vector<512x1xi1> to vector<512x128xi1>
    %select_n3A_196 = arith.select %broadcast_in_dim3A_195, %concatenate3A_189, %concatenate3A_193 : vector<512x128xi1>, vector<512x128xf32>
    %broadcast_in_dim3A_197 = arith.constant 0 : i32
    %broadcast_in_dim3A_198 = vector.broadcast %broadcast_in_dim3A_197 : i32 to vector<2x128xi32>
    %slice3A_199 = vector.extract_strided_slice %select_n3A_172 {offsets = [0, 0], sizes = [510, 128], strides = [1, 1]} : vector<512x128xi32> to vector<510x128xi32>
    %concatenate3A_200 = tpu.concatenate %broadcast_in_dim3A_198, %slice3A_199 in 0 : vector<2x128xi32>, vector<510x128xi32> -> vector<512x128xi32>
    %broadcast_in_dim3A_201 = arith.constant 0 : i32
    %broadcast_in_dim3A_202 = vector.broadcast %broadcast_in_dim3A_201 : i32 to vector<2x128xi32>
    %slice3A_203 = vector.extract_strided_slice %select_n3A_172 {offsets = [2, 0], sizes = [510, 128], strides = [1, 1]} : vector<512x128xi32> to vector<510x128xi32>
    %concatenate3A_204 = tpu.concatenate %slice3A_203, %broadcast_in_dim3A_202 in 0 : vector<510x128xi32>, vector<2x128xi32> -> vector<512x128xi32>
    %broadcast_in_dim3A_205 = vector.shape_cast %ne3A_178 : vector<512x1xi1> to vector<512x1xi1>
    %broadcast_in_dim3A_206 = vector.broadcast %broadcast_in_dim3A_205 : vector<512x1xi1> to vector<512x128xi1>
    %select_n3A_207 = arith.select %broadcast_in_dim3A_206, %concatenate3A_200, %concatenate3A_204 : vector<512x128xi1>, vector<512x128xi32>
    %min3A_208 = arith.minimumf %select_n3A_170, %select_n3A_196 : vector<512x128xf32>
    %max3A_209 = arith.maximumf %select_n3A_170, %select_n3A_196 : vector<512x128xf32>
    %broadcast_in_dim3A_210 = vector.shape_cast %ne3A_185 : vector<512x1xi1> to vector<512x1xi1>
    %broadcast_in_dim3A_211 = vector.broadcast %broadcast_in_dim3A_210 : vector<512x1xi1> to vector<512x128xi1>
    %select_n3A_212 = arith.select %broadcast_in_dim3A_211, %min3A_208, %max3A_209 : vector<512x128xi1>, vector<512x128xf32>
    %eq3A_213 = arith.cmpf oeq, %select_n3A_212, %select_n3A_170 : vector<512x128xf32>
    %select_n3A_214 = arith.select %eq3A_213, %select_n3A_172, %select_n3A_207 : vector<512x128xi1>, vector<512x128xi32>
    %and3A_215 = arith.constant 1 : i32
    %and3A_216 = vector.broadcast %and3A_215 : i32 to vector<512x1xi32>
    %and3A_217 = arith.andi %iota3A_12, %and3A_216 : vector<512x1xi32>
    %ne3A_218 = arith.constant 0 : i32
    %ne3A_219 = vector.broadcast %ne3A_218 : i32 to vector<512x1xi32>
    %ne3A_220 = arith.cmpi ne, %and3A_217, %ne3A_219 : vector<512x1xi32>
    %and3A_221 = arith.constant 8 : i32
    %and3A_222 = vector.broadcast %and3A_221 : i32 to vector<512x1xi32>
    %and3A_223 = arith.andi %iota3A_12, %and3A_222 : vector<512x1xi32>
    %eq3A_224 = arith.constant 0 : i32
    %eq3A_225 = vector.broadcast %eq3A_224 : i32 to vector<512x1xi32>
    %eq3A_226 = arith.cmpi eq, %and3A_223, %eq3A_225 : vector<512x1xi32>
    %ne3A_227 = arith.xori %eq3A_226, %ne3A_220 : vector<512x1xi1>
    %broadcast_in_dim3A_228 = arith.constant 0.000000e+00 : f32
    %broadcast_in_dim3A_229 = vector.broadcast %broadcast_in_dim3A_228 : f32 to vector<1x128xf32>
    %slice3A_230 = vector.extract_strided_slice %select_n3A_212 {offsets = [0, 0], sizes = [511, 128], strides = [1, 1]} : vector<512x128xf32> to vector<511x128xf32>
    %concatenate3A_231 = tpu.concatenate %broadcast_in_dim3A_229, %slice3A_230 in 0 : vector<1x128xf32>, vector<511x128xf32> -> vector<512x128xf32>
    %broadcast_in_dim3A_232 = arith.constant 0.000000e+00 : f32
    %broadcast_in_dim3A_233 = vector.broadcast %broadcast_in_dim3A_232 : f32 to vector<1x128xf32>
    %slice3A_234 = vector.extract_strided_slice %select_n3A_212 {offsets = [1, 0], sizes = [511, 128], strides = [1, 1]} : vector<512x128xf32> to vector<511x128xf32>
    %concatenate3A_235 = tpu.concatenate %slice3A_234, %broadcast_in_dim3A_233 in 0 : vector<511x128xf32>, vector<1x128xf32> -> vector<512x128xf32>
    %broadcast_in_dim3A_236 = vector.shape_cast %ne3A_220 : vector<512x1xi1> to vector<512x1xi1>
    %broadcast_in_dim3A_237 = vector.broadcast %broadcast_in_dim3A_236 : vector<512x1xi1> to vector<512x128xi1>
    %select_n3A_238 = arith.select %broadcast_in_dim3A_237, %concatenate3A_231, %concatenate3A_235 : vector<512x128xi1>, vector<512x128xf32>
    %broadcast_in_dim3A_239 = arith.constant 0 : i32
    %broadcast_in_dim3A_240 = vector.broadcast %broadcast_in_dim3A_239 : i32 to vector<1x128xi32>
    %slice3A_241 = vector.extract_strided_slice %select_n3A_214 {offsets = [0, 0], sizes = [511, 128], strides = [1, 1]} : vector<512x128xi32> to vector<511x128xi32>
    %concatenate3A_242 = tpu.concatenate %broadcast_in_dim3A_240, %slice3A_241 in 0 : vector<1x128xi32>, vector<511x128xi32> -> vector<512x128xi32>
    %broadcast_in_dim3A_243 = arith.constant 0 : i32
    %broadcast_in_dim3A_244 = vector.broadcast %broadcast_in_dim3A_243 : i32 to vector<1x128xi32>
    %slice3A_245 = vector.extract_strided_slice %select_n3A_214 {offsets = [1, 0], sizes = [511, 128], strides = [1, 1]} : vector<512x128xi32> to vector<511x128xi32>
    %concatenate3A_246 = tpu.concatenate %slice3A_245, %broadcast_in_dim3A_244 in 0 : vector<511x128xi32>, vector<1x128xi32> -> vector<512x128xi32>
    %broadcast_in_dim3A_247 = vector.shape_cast %ne3A_220 : vector<512x1xi1> to vector<512x1xi1>
    %broadcast_in_dim3A_248 = vector.broadcast %broadcast_in_dim3A_247 : vector<512x1xi1> to vector<512x128xi1>
    %select_n3A_249 = arith.select %broadcast_in_dim3A_248, %concatenate3A_242, %concatenate3A_246 : vector<512x128xi1>, vector<512x128xi32>
    %min3A_250 = arith.minimumf %select_n3A_212, %select_n3A_238 : vector<512x128xf32>
    %max3A_251 = arith.maximumf %select_n3A_212, %select_n3A_238 : vector<512x128xf32>
    %broadcast_in_dim3A_252 = vector.shape_cast %ne3A_227 : vector<512x1xi1> to vector<512x1xi1>
    %broadcast_in_dim3A_253 = vector.broadcast %broadcast_in_dim3A_252 : vector<512x1xi1> to vector<512x128xi1>
    %select_n3A_254 = arith.select %broadcast_in_dim3A_253, %min3A_250, %max3A_251 : vector<512x128xi1>, vector<512x128xf32>
    %eq3A_255 = arith.cmpf oeq, %select_n3A_254, %select_n3A_212 : vector<512x128xf32>
    %select_n3A_256 = arith.select %eq3A_255, %select_n3A_214, %select_n3A_249 : vector<512x128xi1>, vector<512x128xi32>
    %and3A_257 = arith.constant 8 : i32
    %and3A_258 = vector.broadcast %and3A_257 : i32 to vector<512x1xi32>
    %and3A_259 = arith.andi %iota3A_12, %and3A_258 : vector<512x1xi32>
    %ne3A_260 = arith.constant 0 : i32
    %ne3A_261 = vector.broadcast %ne3A_260 : i32 to vector<512x1xi32>
    %ne3A_262 = arith.cmpi ne, %and3A_259, %ne3A_261 : vector<512x1xi32>
    %and3A_263 = arith.constant 16 : i32
    %and3A_264 = vector.broadcast %and3A_263 : i32 to vector<512x1xi32>
    %and3A_265 = arith.andi %iota3A_12, %and3A_264 : vector<512x1xi32>
    %eq3A_266 = arith.constant 0 : i32
    %eq3A_267 = vector.broadcast %eq3A_266 : i32 to vector<512x1xi32>
    %eq3A_268 = arith.cmpi eq, %and3A_265, %eq3A_267 : vector<512x1xi32>
    %ne3A_269 = arith.xori %eq3A_268, %ne3A_262 : vector<512x1xi1>
    %broadcast_in_dim3A_270 = arith.constant 0.000000e+00 : f32
    %broadcast_in_dim3A_271 = vector.broadcast %broadcast_in_dim3A_270 : f32 to vector<8x128xf32>
    %slice3A_272 = vector.extract_strided_slice %select_n3A_254 {offsets = [0, 0], sizes = [504, 128], strides = [1, 1]} : vector<512x128xf32> to vector<504x128xf32>
    %concatenate3A_273 = tpu.concatenate %broadcast_in_dim3A_271, %slice3A_272 in 0 : vector<8x128xf32>, vector<504x128xf32> -> vector<512x128xf32>
    %broadcast_in_dim3A_274 = arith.constant 0.000000e+00 : f32
    %broadcast_in_dim3A_275 = vector.broadcast %broadcast_in_dim3A_274 : f32 to vector<8x128xf32>
    %slice3A_276 = vector.extract_strided_slice %select_n3A_254 {offsets = [8, 0], sizes = [504, 128], strides = [1, 1]} : vector<512x128xf32> to vector<504x128xf32>
    %concatenate3A_277 = tpu.concatenate %slice3A_276, %broadcast_in_dim3A_275 in 0 : vector<504x128xf32>, vector<8x128xf32> -> vector<512x128xf32>
    %broadcast_in_dim3A_278 = vector.shape_cast %ne3A_262 : vector<512x1xi1> to vector<512x1xi1>
    %broadcast_in_dim3A_279 = vector.broadcast %broadcast_in_dim3A_278 : vector<512x1xi1> to vector<512x128xi1>
    %select_n3A_280 = arith.select %broadcast_in_dim3A_279, %concatenate3A_273, %concatenate3A_277 : vector<512x128xi1>, vector<512x128xf32>
    %broadcast_in_dim3A_281 = arith.constant 0 : i32
    %broadcast_in_dim3A_282 = vector.broadcast %broadcast_in_dim3A_281 : i32 to vector<8x128xi32>
    %slice3A_283 = vector.extract_strided_slice %select_n3A_256 {offsets = [0, 0], sizes = [504, 128], strides = [1, 1]} : vector<512x128xi32> to vector<504x128xi32>
    %concatenate3A_284 = tpu.concatenate %broadcast_in_dim3A_282, %slice3A_283 in 0 : vector<8x128xi32>, vector<504x128xi32> -> vector<512x128xi32>
    %broadcast_in_dim3A_285 = arith.constant 0 : i32
    %broadcast_in_dim3A_286 = vector.broadcast %broadcast_in_dim3A_285 : i32 to vector<8x128xi32>
    %slice3A_287 = vector.extract_strided_slice %select_n3A_256 {offsets = [8, 0], sizes = [504, 128], strides = [1, 1]} : vector<512x128xi32> to vector<504x128xi32>
    %concatenate3A_288 = tpu.concatenate %slice3A_287, %broadcast_in_dim3A_286 in 0 : vector<504x128xi32>, vector<8x128xi32> -> vector<512x128xi32>
    %broadcast_in_dim3A_289 = vector.shape_cast %ne3A_262 : vector<512x1xi1> to vector<512x1xi1>
    %broadcast_in_dim3A_290 = vector.broadcast %broadcast_in_dim3A_289 : vector<512x1xi1> to vector<512x128xi1>
    %select_n3A_291 = arith.select %broadcast_in_dim3A_290, %concatenate3A_284, %concatenate3A_288 : vector<512x128xi1>, vector<512x128xi32>
    %min3A_292 = arith.minimumf %select_n3A_254, %select_n3A_280 : vector<512x128xf32>
    %max3A_293 = arith.maximumf %select_n3A_254, %select_n3A_280 : vector<512x128xf32>
    %broadcast_in_dim3A_294 = vector.shape_cast %ne3A_269 : vector<512x1xi1> to vector<512x1xi1>
    %broadcast_in_dim3A_295 = vector.broadcast %broadcast_in_dim3A_294 : vector<512x1xi1> to vector<512x128xi1>
    %select_n3A_296 = arith.select %broadcast_in_dim3A_295, %min3A_292, %max3A_293 : vector<512x128xi1>, vector<512x128xf32>
    %eq3A_297 = arith.cmpf oeq, %select_n3A_296, %select_n3A_254 : vector<512x128xf32>
    %select_n3A_298 = arith.select %eq3A_297, %select_n3A_256, %select_n3A_291 : vector<512x128xi1>, vector<512x128xi32>
    %and3A_299 = arith.constant 4 : i32
    %and3A_300 = vector.broadcast %and3A_299 : i32 to vector<512x1xi32>
    %and3A_301 = arith.andi %iota3A_12, %and3A_300 : vector<512x1xi32>
    %ne3A_302 = arith.constant 0 : i32
    %ne3A_303 = vector.broadcast %ne3A_302 : i32 to vector<512x1xi32>
    %ne3A_304 = arith.cmpi ne, %and3A_301, %ne3A_303 : vector<512x1xi32>
    %and3A_305 = arith.constant 16 : i32
    %and3A_306 = vector.broadcast %and3A_305 : i32 to vector<512x1xi32>
    %and3A_307 = arith.andi %iota3A_12, %and3A_306 : vector<512x1xi32>
    %eq3A_308 = arith.constant 0 : i32
    %eq3A_309 = vector.broadcast %eq3A_308 : i32 to vector<512x1xi32>
    %eq3A_310 = arith.cmpi eq, %and3A_307, %eq3A_309 : vector<512x1xi32>
    %ne3A_311 = arith.xori %eq3A_310, %ne3A_304 : vector<512x1xi1>
    %broadcast_in_dim3A_312 = arith.constant 0.000000e+00 : f32
    %broadcast_in_dim3A_313 = vector.broadcast %broadcast_in_dim3A_312 : f32 to vector<4x128xf32>
    %slice3A_314 = vector.extract_strided_slice %select_n3A_296 {offsets = [0, 0], sizes = [508, 128], strides = [1, 1]} : vector<512x128xf32> to vector<508x128xf32>
    %concatenate3A_315 = tpu.concatenate %broadcast_in_dim3A_313, %slice3A_314 in 0 : vector<4x128xf32>, vector<508x128xf32> -> vector<512x128xf32>
    %broadcast_in_dim3A_316 = arith.constant 0.000000e+00 : f32
    %broadcast_in_dim3A_317 = vector.broadcast %broadcast_in_dim3A_316 : f32 to vector<4x128xf32>
    %slice3A_318 = vector.extract_strided_slice %select_n3A_296 {offsets = [4, 0], sizes = [508, 128], strides = [1, 1]} : vector<512x128xf32> to vector<508x128xf32>
    %concatenate3A_319 = tpu.concatenate %slice3A_318, %broadcast_in_dim3A_317 in 0 : vector<508x128xf32>, vector<4x128xf32> -> vector<512x128xf32>
    %broadcast_in_dim3A_320 = vector.shape_cast %ne3A_304 : vector<512x1xi1> to vector<512x1xi1>
    %broadcast_in_dim3A_321 = vector.broadcast %broadcast_in_dim3A_320 : vector<512x1xi1> to vector<512x128xi1>
    %select_n3A_322 = arith.select %broadcast_in_dim3A_321, %concatenate3A_315, %concatenate3A_319 : vector<512x128xi1>, vector<512x128xf32>
    %broadcast_in_dim3A_323 = arith.constant 0 : i32
    %broadcast_in_dim3A_324 = vector.broadcast %broadcast_in_dim3A_323 : i32 to vector<4x128xi32>
    %slice3A_325 = vector.extract_strided_slice %select_n3A_298 {offsets = [0, 0], sizes = [508, 128], strides = [1, 1]} : vector<512x128xi32> to vector<508x128xi32>
    %concatenate3A_326 = tpu.concatenate %broadcast_in_dim3A_324, %slice3A_325 in 0 : vector<4x128xi32>, vector<508x128xi32> -> vector<512x128xi32>
    %broadcast_in_dim3A_327 = arith.constant 0 : i32
    %broadcast_in_dim3A_328 = vector.broadcast %broadcast_in_dim3A_327 : i32 to vector<4x128xi32>
    %slice3A_329 = vector.extract_strided_slice %select_n3A_298 {offsets = [4, 0], sizes = [508, 128], strides = [1, 1]} : vector<512x128xi32> to vector<508x128xi32>
    %concatenate3A_330 = tpu.concatenate %slice3A_329, %broadcast_in_dim3A_328 in 0 : vector<508x128xi32>, vector<4x128xi32> -> vector<512x128xi32>
    %broadcast_in_dim3A_331 = vector.shape_cast %ne3A_304 : vector<512x1xi1> to vector<512x1xi1>
    %broadcast_in_dim3A_332 = vector.broadcast %broadcast_in_dim3A_331 : vector<512x1xi1> to vector<512x128xi1>
    %select_n3A_333 = arith.select %broadcast_in_dim3A_332, %concatenate3A_326, %concatenate3A_330 : vector<512x128xi1>, vector<512x128xi32>
    %min3A_334 = arith.minimumf %select_n3A_296, %select_n3A_322 : vector<512x128xf32>
    %max3A_335 = arith.maximumf %select_n3A_296, %select_n3A_322 : vector<512x128xf32>
    %broadcast_in_dim3A_336 = vector.shape_cast %ne3A_311 : vector<512x1xi1> to vector<512x1xi1>
    %broadcast_in_dim3A_337 = vector.broadcast %broadcast_in_dim3A_336 : vector<512x1xi1> to vector<512x128xi1>
    %select_n3A_338 = arith.select %broadcast_in_dim3A_337, %min3A_334, %max3A_335 : vector<512x128xi1>, vector<512x128xf32>
    %eq3A_339 = arith.cmpf oeq, %select_n3A_338, %select_n3A_296 : vector<512x128xf32>
    %select_n3A_340 = arith.select %eq3A_339, %select_n3A_298, %select_n3A_333 : vector<512x128xi1>, vector<512x128xi32>
    %and3A_341 = arith.constant 2 : i32
    %and3A_342 = vector.broadcast %and3A_341 : i32 to vector<512x1xi32>
    %and3A_343 = arith.andi %iota3A_12, %and3A_342 : vector<512x1xi32>
    %ne3A_344 = arith.constant 0 : i32
    %ne3A_345 = vector.broadcast %ne3A_344 : i32 to vector<512x1xi32>
    %ne3A_346 = arith.cmpi ne, %and3A_343, %ne3A_345 : vector<512x1xi32>
    %and3A_347 = arith.constant 16 : i32
    %and3A_348 = vector.broadcast %and3A_347 : i32 to vector<512x1xi32>
    %and3A_349 = arith.andi %iota3A_12, %and3A_348 : vector<512x1xi32>
    %eq3A_350 = arith.constant 0 : i32
    %eq3A_351 = vector.broadcast %eq3A_350 : i32 to vector<512x1xi32>
    %eq3A_352 = arith.cmpi eq, %and3A_349, %eq3A_351 : vector<512x1xi32>
    %ne3A_353 = arith.xori %eq3A_352, %ne3A_346 : vector<512x1xi1>
    %broadcast_in_dim3A_354 = arith.constant 0.000000e+00 : f32
    %broadcast_in_dim3A_355 = vector.broadcast %broadcast_in_dim3A_354 : f32 to vector<2x128xf32>
    %slice3A_356 = vector.extract_strided_slice %select_n3A_338 {offsets = [0, 0], sizes = [510, 128], strides = [1, 1]} : vector<512x128xf32> to vector<510x128xf32>
    %concatenate3A_357 = tpu.concatenate %broadcast_in_dim3A_355, %slice3A_356 in 0 : vector<2x128xf32>, vector<510x128xf32> -> vector<512x128xf32>
    %broadcast_in_dim3A_358 = arith.constant 0.000000e+00 : f32
    %broadcast_in_dim3A_359 = vector.broadcast %broadcast_in_dim3A_358 : f32 to vector<2x128xf32>
    %slice3A_360 = vector.extract_strided_slice %select_n3A_338 {offsets = [2, 0], sizes = [510, 128], strides = [1, 1]} : vector<512x128xf32> to vector<510x128xf32>
    %concatenate3A_361 = tpu.concatenate %slice3A_360, %broadcast_in_dim3A_359 in 0 : vector<510x128xf32>, vector<2x128xf32> -> vector<512x128xf32>
    %broadcast_in_dim3A_362 = vector.shape_cast %ne3A_346 : vector<512x1xi1> to vector<512x1xi1>
    %broadcast_in_dim3A_363 = vector.broadcast %broadcast_in_dim3A_362 : vector<512x1xi1> to vector<512x128xi1>
    %select_n3A_364 = arith.select %broadcast_in_dim3A_363, %concatenate3A_357, %concatenate3A_361 : vector<512x128xi1>, vector<512x128xf32>
    %broadcast_in_dim3A_365 = arith.constant 0 : i32
    %broadcast_in_dim3A_366 = vector.broadcast %broadcast_in_dim3A_365 : i32 to vector<2x128xi32>
    %slice3A_367 = vector.extract_strided_slice %select_n3A_340 {offsets = [0, 0], sizes = [510, 128], strides = [1, 1]} : vector<512x128xi32> to vector<510x128xi32>
    %concatenate3A_368 = tpu.concatenate %broadcast_in_dim3A_366, %slice3A_367 in 0 : vector<2x128xi32>, vector<510x128xi32> -> vector<512x128xi32>
    %broadcast_in_dim3A_369 = arith.constant 0 : i32
    %broadcast_in_dim3A_370 = vector.broadcast %broadcast_in_dim3A_369 : i32 to vector<2x128xi32>
    %slice3A_371 = vector.extract_strided_slice %select_n3A_340 {offsets = [2, 0], sizes = [510, 128], strides = [1, 1]} : vector<512x128xi32> to vector<510x128xi32>
    %concatenate3A_372 = tpu.concatenate %slice3A_371, %broadcast_in_dim3A_370 in 0 : vector<510x128xi32>, vector<2x128xi32> -> vector<512x128xi32>
    %broadcast_in_dim3A_373 = vector.shape_cast %ne3A_346 : vector<512x1xi1> to vector<512x1xi1>
    %broadcast_in_dim3A_374 = vector.broadcast %broadcast_in_dim3A_373 : vector<512x1xi1> to vector<512x128xi1>
    %select_n3A_375 = arith.select %broadcast_in_dim3A_374, %concatenate3A_368, %concatenate3A_372 : vector<512x128xi1>, vector<512x128xi32>
    %min3A_376 = arith.minimumf %select_n3A_338, %select_n3A_364 : vector<512x128xf32>
    %max3A_377 = arith.maximumf %select_n3A_338, %select_n3A_364 : vector<512x128xf32>
    %broadcast_in_dim3A_378 = vector.shape_cast %ne3A_353 : vector<512x1xi1> to vector<512x1xi1>
    %broadcast_in_dim3A_379 = vector.broadcast %broadcast_in_dim3A_378 : vector<512x1xi1> to vector<512x128xi1>
    %select_n3A_380 = arith.select %broadcast_in_dim3A_379, %min3A_376, %max3A_377 : vector<512x128xi1>, vector<512x128xf32>
    %eq3A_381 = arith.cmpf oeq, %select_n3A_380, %select_n3A_338 : vector<512x128xf32>
    %select_n3A_382 = arith.select %eq3A_381, %select_n3A_340, %select_n3A_375 : vector<512x128xi1>, vector<512x128xi32>
    %and3A_383 = arith.constant 1 : i32
    %and3A_384 = vector.broadcast %and3A_383 : i32 to vector<512x1xi32>
    %and3A_385 = arith.andi %iota3A_12, %and3A_384 : vector<512x1xi32>
    %ne3A_386 = arith.constant 0 : i32
    %ne3A_387 = vector.broadcast %ne3A_386 : i32 to vector<512x1xi32>
    %ne3A_388 = arith.cmpi ne, %and3A_385, %ne3A_387 : vector<512x1xi32>
    %and3A_389 = arith.constant 16 : i32
    %and3A_390 = vector.broadcast %and3A_389 : i32 to vector<512x1xi32>
    %and3A_391 = arith.andi %iota3A_12, %and3A_390 : vector<512x1xi32>
    %eq3A_392 = arith.constant 0 : i32
    %eq3A_393 = vector.broadcast %eq3A_392 : i32 to vector<512x1xi32>
    %eq3A_394 = arith.cmpi eq, %and3A_391, %eq3A_393 : vector<512x1xi32>
    %ne3A_395 = arith.xori %eq3A_394, %ne3A_388 : vector<512x1xi1>
    %broadcast_in_dim3A_396 = arith.constant 0.000000e+00 : f32
    %broadcast_in_dim3A_397 = vector.broadcast %broadcast_in_dim3A_396 : f32 to vector<1x128xf32>
    %slice3A_398 = vector.extract_strided_slice %select_n3A_380 {offsets = [0, 0], sizes = [511, 128], strides = [1, 1]} : vector<512x128xf32> to vector<511x128xf32>
    %concatenate3A_399 = tpu.concatenate %broadcast_in_dim3A_397, %slice3A_398 in 0 : vector<1x128xf32>, vector<511x128xf32> -> vector<512x128xf32>
    %broadcast_in_dim3A_400 = arith.constant 0.000000e+00 : f32
    %broadcast_in_dim3A_401 = vector.broadcast %broadcast_in_dim3A_400 : f32 to vector<1x128xf32>
    %slice3A_402 = vector.extract_strided_slice %select_n3A_380 {offsets = [1, 0], sizes = [511, 128], strides = [1, 1]} : vector<512x128xf32> to vector<511x128xf32>
    %concatenate3A_403 = tpu.concatenate %slice3A_402, %broadcast_in_dim3A_401 in 0 : vector<511x128xf32>, vector<1x128xf32> -> vector<512x128xf32>
    %broadcast_in_dim3A_404 = vector.shape_cast %ne3A_388 : vector<512x1xi1> to vector<512x1xi1>
    %broadcast_in_dim3A_405 = vector.broadcast %broadcast_in_dim3A_404 : vector<512x1xi1> to vector<512x128xi1>
    %select_n3A_406 = arith.select %broadcast_in_dim3A_405, %concatenate3A_399, %concatenate3A_403 : vector<512x128xi1>, vector<512x128xf32>
    %broadcast_in_dim3A_407 = arith.constant 0 : i32
    %broadcast_in_dim3A_408 = vector.broadcast %broadcast_in_dim3A_407 : i32 to vector<1x128xi32>
    %slice3A_409 = vector.extract_strided_slice %select_n3A_382 {offsets = [0, 0], sizes = [511, 128], strides = [1, 1]} : vector<512x128xi32> to vector<511x128xi32>
    %concatenate3A_410 = tpu.concatenate %broadcast_in_dim3A_408, %slice3A_409 in 0 : vector<1x128xi32>, vector<511x128xi32> -> vector<512x128xi32>
    %broadcast_in_dim3A_411 = arith.constant 0 : i32
    %broadcast_in_dim3A_412 = vector.broadcast %broadcast_in_dim3A_411 : i32 to vector<1x128xi32>
    %slice3A_413 = vector.extract_strided_slice %select_n3A_382 {offsets = [1, 0], sizes = [511, 128], strides = [1, 1]} : vector<512x128xi32> to vector<511x128xi32>
    %concatenate3A_414 = tpu.concatenate %slice3A_413, %broadcast_in_dim3A_412 in 0 : vector<511x128xi32>, vector<1x128xi32> -> vector<512x128xi32>
    %broadcast_in_dim3A_415 = vector.shape_cast %ne3A_388 : vector<512x1xi1> to vector<512x1xi1>
    %broadcast_in_dim3A_416 = vector.broadcast %broadcast_in_dim3A_415 : vector<512x1xi1> to vector<512x128xi1>
    %select_n3A_417 = arith.select %broadcast_in_dim3A_416, %concatenate3A_410, %concatenate3A_414 : vector<512x128xi1>, vector<512x128xi32>
    %min3A_418 = arith.minimumf %select_n3A_380, %select_n3A_406 : vector<512x128xf32>
    %max3A_419 = arith.maximumf %select_n3A_380, %select_n3A_406 : vector<512x128xf32>
    %broadcast_in_dim3A_420 = vector.shape_cast %ne3A_395 : vector<512x1xi1> to vector<512x1xi1>
    %broadcast_in_dim3A_421 = vector.broadcast %broadcast_in_dim3A_420 : vector<512x1xi1> to vector<512x128xi1>
    %select_n3A_422 = arith.select %broadcast_in_dim3A_421, %min3A_418, %max3A_419 : vector<512x128xi1>, vector<512x128xf32>
    %eq3A_423 = arith.cmpf oeq, %select_n3A_422, %select_n3A_380 : vector<512x128xf32>
    %select_n3A_424 = arith.select %eq3A_423, %select_n3A_382, %select_n3A_417 : vector<512x128xi1>, vector<512x128xi32>
    %and3A_425 = arith.constant 16 : i32
    %and3A_426 = vector.broadcast %and3A_425 : i32 to vector<512x1xi32>
    %and3A_427 = arith.andi %iota3A_12, %and3A_426 : vector<512x1xi32>
    %ne3A_428 = arith.constant 0 : i32
    %ne3A_429 = vector.broadcast %ne3A_428 : i32 to vector<512x1xi32>
    %ne3A_430 = arith.cmpi ne, %and3A_427, %ne3A_429 : vector<512x1xi32>
    %and3A_431 = arith.constant 32 : i32
    %and3A_432 = vector.broadcast %and3A_431 : i32 to vector<512x1xi32>
    %and3A_433 = arith.andi %iota3A_12, %and3A_432 : vector<512x1xi32>
    %eq3A_434 = arith.constant 0 : i32
    %eq3A_435 = vector.broadcast %eq3A_434 : i32 to vector<512x1xi32>
    %eq3A_436 = arith.cmpi eq, %and3A_433, %eq3A_435 : vector<512x1xi32>
    %ne3A_437 = arith.xori %eq3A_436, %ne3A_430 : vector<512x1xi1>
    %broadcast_in_dim3A_438 = arith.constant 0.000000e+00 : f32
    %broadcast_in_dim3A_439 = vector.broadcast %broadcast_in_dim3A_438 : f32 to vector<16x128xf32>
    %slice3A_440 = vector.extract_strided_slice %select_n3A_422 {offsets = [0, 0], sizes = [496, 128], strides = [1, 1]} : vector<512x128xf32> to vector<496x128xf32>
    %concatenate3A_441 = tpu.concatenate %broadcast_in_dim3A_439, %slice3A_440 in 0 : vector<16x128xf32>, vector<496x128xf32> -> vector<512x128xf32>
    %broadcast_in_dim3A_442 = arith.constant 0.000000e+00 : f32
    %broadcast_in_dim3A_443 = vector.broadcast %broadcast_in_dim3A_442 : f32 to vector<16x128xf32>
    %slice3A_444 = vector.extract_strided_slice %select_n3A_422 {offsets = [16, 0], sizes = [496, 128], strides = [1, 1]} : vector<512x128xf32> to vector<496x128xf32>
    %concatenate3A_445 = tpu.concatenate %slice3A_444, %broadcast_in_dim3A_443 in 0 : vector<496x128xf32>, vector<16x128xf32> -> vector<512x128xf32>
    %broadcast_in_dim3A_446 = vector.shape_cast %ne3A_430 : vector<512x1xi1> to vector<512x1xi1>
    %broadcast_in_dim3A_447 = vector.broadcast %broadcast_in_dim3A_446 : vector<512x1xi1> to vector<512x128xi1>
    %select_n3A_448 = arith.select %broadcast_in_dim3A_447, %concatenate3A_441, %concatenate3A_445 : vector<512x128xi1>, vector<512x128xf32>
    %broadcast_in_dim3A_449 = arith.constant 0 : i32
    %broadcast_in_dim3A_450 = vector.broadcast %broadcast_in_dim3A_449 : i32 to vector<16x128xi32>
    %slice3A_451 = vector.extract_strided_slice %select_n3A_424 {offsets = [0, 0], sizes = [496, 128], strides = [1, 1]} : vector<512x128xi32> to vector<496x128xi32>
    %concatenate3A_452 = tpu.concatenate %broadcast_in_dim3A_450, %slice3A_451 in 0 : vector<16x128xi32>, vector<496x128xi32> -> vector<512x128xi32>
    %broadcast_in_dim3A_453 = arith.constant 0 : i32
    %broadcast_in_dim3A_454 = vector.broadcast %broadcast_in_dim3A_453 : i32 to vector<16x128xi32>
    %slice3A_455 = vector.extract_strided_slice %select_n3A_424 {offsets = [16, 0], sizes = [496, 128], strides = [1, 1]} : vector<512x128xi32> to vector<496x128xi32>
    %concatenate3A_456 = tpu.concatenate %slice3A_455, %broadcast_in_dim3A_454 in 0 : vector<496x128xi32>, vector<16x128xi32> -> vector<512x128xi32>
    %broadcast_in_dim3A_457 = vector.shape_cast %ne3A_430 : vector<512x1xi1> to vector<512x1xi1>
    %broadcast_in_dim3A_458 = vector.broadcast %broadcast_in_dim3A_457 : vector<512x1xi1> to vector<512x128xi1>
    %select_n3A_459 = arith.select %broadcast_in_dim3A_458, %concatenate3A_452, %concatenate3A_456 : vector<512x128xi1>, vector<512x128xi32>
    %min3A_460 = arith.minimumf %select_n3A_422, %select_n3A_448 : vector<512x128xf32>
    %max3A_461 = arith.maximumf %select_n3A_422, %select_n3A_448 : vector<512x128xf32>
    %broadcast_in_dim3A_462 = vector.shape_cast %ne3A_437 : vector<512x1xi1> to vector<512x1xi1>
    %broadcast_in_dim3A_463 = vector.broadcast %broadcast_in_dim3A_462 : vector<512x1xi1> to vector<512x128xi1>
    %select_n3A_464 = arith.select %broadcast_in_dim3A_463, %min3A_460, %max3A_461 : vector<512x128xi1>, vector<512x128xf32>
    %eq3A_465 = arith.cmpf oeq, %select_n3A_464, %select_n3A_422 : vector<512x128xf32>
    %select_n3A_466 = arith.select %eq3A_465, %select_n3A_424, %select_n3A_459 : vector<512x128xi1>, vector<512x128xi32>
    %and3A_467 = arith.constant 8 : i32
    %and3A_468 = vector.broadcast %and3A_467 : i32 to vector<512x1xi32>
    %and3A_469 = arith.andi %iota3A_12, %and3A_468 : vector<512x1xi32>
    %ne3A_470 = arith.constant 0 : i32
    %ne3A_471 = vector.broadcast %ne3A_470 : i32 to vector<512x1xi32>
    %ne3A_472 = arith.cmpi ne, %and3A_469, %ne3A_471 : vector<512x1xi32>
    %and3A_473 = arith.constant 32 : i32
    %and3A_474 = vector.broadcast %and3A_473 : i32 to vector<512x1xi32>
    %and3A_475 = arith.andi %iota3A_12, %and3A_474 : vector<512x1xi32>
    %eq3A_476 = arith.constant 0 : i32
    %eq3A_477 = vector.broadcast %eq3A_476 : i32 to vector<512x1xi32>
    %eq3A_478 = arith.cmpi eq, %and3A_475, %eq3A_477 : vector<512x1xi32>
    %ne3A_479 = arith.xori %eq3A_478, %ne3A_472 : vector<512x1xi1>
    %broadcast_in_dim3A_480 = arith.constant 0.000000e+00 : f32
    %broadcast_in_dim3A_481 = vector.broadcast %broadcast_in_dim3A_480 : f32 to vector<8x128xf32>
    %slice3A_482 = vector.extract_strided_slice %select_n3A_464 {offsets = [0, 0], sizes = [504, 128], strides = [1, 1]} : vector<512x128xf32> to vector<504x128xf32>
    %concatenate3A_483 = tpu.concatenate %broadcast_in_dim3A_481, %slice3A_482 in 0 : vector<8x128xf32>, vector<504x128xf32> -> vector<512x128xf32>
    %broadcast_in_dim3A_484 = arith.constant 0.000000e+00 : f32
    %broadcast_in_dim3A_485 = vector.broadcast %broadcast_in_dim3A_484 : f32 to vector<8x128xf32>
    %slice3A_486 = vector.extract_strided_slice %select_n3A_464 {offsets = [8, 0], sizes = [504, 128], strides = [1, 1]} : vector<512x128xf32> to vector<504x128xf32>
    %concatenate3A_487 = tpu.concatenate %slice3A_486, %broadcast_in_dim3A_485 in 0 : vector<504x128xf32>, vector<8x128xf32> -> vector<512x128xf32>
    %broadcast_in_dim3A_488 = vector.shape_cast %ne3A_472 : vector<512x1xi1> to vector<512x1xi1>
    %broadcast_in_dim3A_489 = vector.broadcast %broadcast_in_dim3A_488 : vector<512x1xi1> to vector<512x128xi1>
    %select_n3A_490 = arith.select %broadcast_in_dim3A_489, %concatenate3A_483, %concatenate3A_487 : vector<512x128xi1>, vector<512x128xf32>
    %broadcast_in_dim3A_491 = arith.constant 0 : i32
    %broadcast_in_dim3A_492 = vector.broadcast %broadcast_in_dim3A_491 : i32 to vector<8x128xi32>
    %slice3A_493 = vector.extract_strided_slice %select_n3A_466 {offsets = [0, 0], sizes = [504, 128], strides = [1, 1]} : vector<512x128xi32> to vector<504x128xi32>
    %concatenate3A_494 = tpu.concatenate %broadcast_in_dim3A_492, %slice3A_493 in 0 : vector<8x128xi32>, vector<504x128xi32> -> vector<512x128xi32>
    %broadcast_in_dim3A_495 = arith.constant 0 : i32
    %broadcast_in_dim3A_496 = vector.broadcast %broadcast_in_dim3A_495 : i32 to vector<8x128xi32>
    %slice3A_497 = vector.extract_strided_slice %select_n3A_466 {offsets = [8, 0], sizes = [504, 128], strides = [1, 1]} : vector<512x128xi32> to vector<504x128xi32>
    %concatenate3A_498 = tpu.concatenate %slice3A_497, %broadcast_in_dim3A_496 in 0 : vector<504x128xi32>, vector<8x128xi32> -> vector<512x128xi32>
    %broadcast_in_dim3A_499 = vector.shape_cast %ne3A_472 : vector<512x1xi1> to vector<512x1xi1>
    %broadcast_in_dim3A_500 = vector.broadcast %broadcast_in_dim3A_499 : vector<512x1xi1> to vector<512x128xi1>
    %select_n3A_501 = arith.select %broadcast_in_dim3A_500, %concatenate3A_494, %concatenate3A_498 : vector<512x128xi1>, vector<512x128xi32>
    %min3A_502 = arith.minimumf %select_n3A_464, %select_n3A_490 : vector<512x128xf32>
    %max3A_503 = arith.maximumf %select_n3A_464, %select_n3A_490 : vector<512x128xf32>
    %broadcast_in_dim3A_504 = vector.shape_cast %ne3A_479 : vector<512x1xi1> to vector<512x1xi1>
    %broadcast_in_dim3A_505 = vector.broadcast %broadcast_in_dim3A_504 : vector<512x1xi1> to vector<512x128xi1>
    %select_n3A_506 = arith.select %broadcast_in_dim3A_505, %min3A_502, %max3A_503 : vector<512x128xi1>, vector<512x128xf32>
    %eq3A_507 = arith.cmpf oeq, %select_n3A_506, %select_n3A_464 : vector<512x128xf32>
    %select_n3A_508 = arith.select %eq3A_507, %select_n3A_466, %select_n3A_501 : vector<512x128xi1>, vector<512x128xi32>
    %and3A_509 = arith.constant 4 : i32
    %and3A_510 = vector.broadcast %and3A_509 : i32 to vector<512x1xi32>
    %and3A_511 = arith.andi %iota3A_12, %and3A_510 : vector<512x1xi32>
    %ne3A_512 = arith.constant 0 : i32
    %ne3A_513 = vector.broadcast %ne3A_512 : i32 to vector<512x1xi32>
    %ne3A_514 = arith.cmpi ne, %and3A_511, %ne3A_513 : vector<512x1xi32>
    %and3A_515 = arith.constant 32 : i32
    %and3A_516 = vector.broadcast %and3A_515 : i32 to vector<512x1xi32>
    %and3A_517 = arith.andi %iota3A_12, %and3A_516 : vector<512x1xi32>
    %eq3A_518 = arith.constant 0 : i32
    %eq3A_519 = vector.broadcast %eq3A_518 : i32 to vector<512x1xi32>
    %eq3A_520 = arith.cmpi eq, %and3A_517, %eq3A_519 : vector<512x1xi32>
    %ne3A_521 = arith.xori %eq3A_520, %ne3A_514 : vector<512x1xi1>
    %broadcast_in_dim3A_522 = arith.constant 0.000000e+00 : f32
    %broadcast_in_dim3A_523 = vector.broadcast %broadcast_in_dim3A_522 : f32 to vector<4x128xf32>
    %slice3A_524 = vector.extract_strided_slice %select_n3A_506 {offsets = [0, 0], sizes = [508, 128], strides = [1, 1]} : vector<512x128xf32> to vector<508x128xf32>
    %concatenate3A_525 = tpu.concatenate %broadcast_in_dim3A_523, %slice3A_524 in 0 : vector<4x128xf32>, vector<508x128xf32> -> vector<512x128xf32>
    %broadcast_in_dim3A_526 = arith.constant 0.000000e+00 : f32
    %broadcast_in_dim3A_527 = vector.broadcast %broadcast_in_dim3A_526 : f32 to vector<4x128xf32>
    %slice3A_528 = vector.extract_strided_slice %select_n3A_506 {offsets = [4, 0], sizes = [508, 128], strides = [1, 1]} : vector<512x128xf32> to vector<508x128xf32>
    %concatenate3A_529 = tpu.concatenate %slice3A_528, %broadcast_in_dim3A_527 in 0 : vector<508x128xf32>, vector<4x128xf32> -> vector<512x128xf32>
    %broadcast_in_dim3A_530 = vector.shape_cast %ne3A_514 : vector<512x1xi1> to vector<512x1xi1>
    %broadcast_in_dim3A_531 = vector.broadcast %broadcast_in_dim3A_530 : vector<512x1xi1> to vector<512x128xi1>
    %select_n3A_532 = arith.select %broadcast_in_dim3A_531, %concatenate3A_525, %concatenate3A_529 : vector<512x128xi1>, vector<512x128xf32>
    %broadcast_in_dim3A_533 = arith.constant 0 : i32
    %broadcast_in_dim3A_534 = vector.broadcast %broadcast_in_dim3A_533 : i32 to vector<4x128xi32>
    %slice3A_535 = vector.extract_strided_slice %select_n3A_508 {offsets = [0, 0], sizes = [508, 128], strides = [1, 1]} : vector<512x128xi32> to vector<508x128xi32>
    %concatenate3A_536 = tpu.concatenate %broadcast_in_dim3A_534, %slice3A_535 in 0 : vector<4x128xi32>, vector<508x128xi32> -> vector<512x128xi32>
    %broadcast_in_dim3A_537 = arith.constant 0 : i32
    %broadcast_in_dim3A_538 = vector.broadcast %broadcast_in_dim3A_537 : i32 to vector<4x128xi32>
    %slice3A_539 = vector.extract_strided_slice %select_n3A_508 {offsets = [4, 0], sizes = [508, 128], strides = [1, 1]} : vector<512x128xi32> to vector<508x128xi32>
    %concatenate3A_540 = tpu.concatenate %slice3A_539, %broadcast_in_dim3A_538 in 0 : vector<508x128xi32>, vector<4x128xi32> -> vector<512x128xi32>
    %broadcast_in_dim3A_541 = vector.shape_cast %ne3A_514 : vector<512x1xi1> to vector<512x1xi1>
    %broadcast_in_dim3A_542 = vector.broadcast %broadcast_in_dim3A_541 : vector<512x1xi1> to vector<512x128xi1>
    %select_n3A_543 = arith.select %broadcast_in_dim3A_542, %concatenate3A_536, %concatenate3A_540 : vector<512x128xi1>, vector<512x128xi32>
    %min3A_544 = arith.minimumf %select_n3A_506, %select_n3A_532 : vector<512x128xf32>
    %max3A_545 = arith.maximumf %select_n3A_506, %select_n3A_532 : vector<512x128xf32>
    %broadcast_in_dim3A_546 = vector.shape_cast %ne3A_521 : vector<512x1xi1> to vector<512x1xi1>
    %broadcast_in_dim3A_547 = vector.broadcast %broadcast_in_dim3A_546 : vector<512x1xi1> to vector<512x128xi1>
    %select_n3A_548 = arith.select %broadcast_in_dim3A_547, %min3A_544, %max3A_545 : vector<512x128xi1>, vector<512x128xf32>
    %eq3A_549 = arith.cmpf oeq, %select_n3A_548, %select_n3A_506 : vector<512x128xf32>
    %select_n3A_550 = arith.select %eq3A_549, %select_n3A_508, %select_n3A_543 : vector<512x128xi1>, vector<512x128xi32>
    %and3A_551 = arith.constant 2 : i32
    %and3A_552 = vector.broadcast %and3A_551 : i32 to vector<512x1xi32>
    %and3A_553 = arith.andi %iota3A_12, %and3A_552 : vector<512x1xi32>
    %ne3A_554 = arith.constant 0 : i32
    %ne3A_555 = vector.broadcast %ne3A_554 : i32 to vector<512x1xi32>
    %ne3A_556 = arith.cmpi ne, %and3A_553, %ne3A_555 : vector<512x1xi32>
    %and3A_557 = arith.constant 32 : i32
    %and3A_558 = vector.broadcast %and3A_557 : i32 to vector<512x1xi32>
    %and3A_559 = arith.andi %iota3A_12, %and3A_558 : vector<512x1xi32>
    %eq3A_560 = arith.constant 0 : i32
    %eq3A_561 = vector.broadcast %eq3A_560 : i32 to vector<512x1xi32>
    %eq3A_562 = arith.cmpi eq, %and3A_559, %eq3A_561 : vector<512x1xi32>
    %ne3A_563 = arith.xori %eq3A_562, %ne3A_556 : vector<512x1xi1>
    %broadcast_in_dim3A_564 = arith.constant 0.000000e+00 : f32
    %broadcast_in_dim3A_565 = vector.broadcast %broadcast_in_dim3A_564 : f32 to vector<2x128xf32>
    %slice3A_566 = vector.extract_strided_slice %select_n3A_548 {offsets = [0, 0], sizes = [510, 128], strides = [1, 1]} : vector<512x128xf32> to vector<510x128xf32>
    %concatenate3A_567 = tpu.concatenate %broadcast_in_dim3A_565, %slice3A_566 in 0 : vector<2x128xf32>, vector<510x128xf32> -> vector<512x128xf32>
    %broadcast_in_dim3A_568 = arith.constant 0.000000e+00 : f32
    %broadcast_in_dim3A_569 = vector.broadcast %broadcast_in_dim3A_568 : f32 to vector<2x128xf32>
    %slice3A_570 = vector.extract_strided_slice %select_n3A_548 {offsets = [2, 0], sizes = [510, 128], strides = [1, 1]} : vector<512x128xf32> to vector<510x128xf32>
    %concatenate3A_571 = tpu.concatenate %slice3A_570, %broadcast_in_dim3A_569 in 0 : vector<510x128xf32>, vector<2x128xf32> -> vector<512x128xf32>
    %broadcast_in_dim3A_572 = vector.shape_cast %ne3A_556 : vector<512x1xi1> to vector<512x1xi1>
    %broadcast_in_dim3A_573 = vector.broadcast %broadcast_in_dim3A_572 : vector<512x1xi1> to vector<512x128xi1>
    %select_n3A_574 = arith.select %broadcast_in_dim3A_573, %concatenate3A_567, %concatenate3A_571 : vector<512x128xi1>, vector<512x128xf32>
    %broadcast_in_dim3A_575 = arith.constant 0 : i32
    %broadcast_in_dim3A_576 = vector.broadcast %broadcast_in_dim3A_575 : i32 to vector<2x128xi32>
    %slice3A_577 = vector.extract_strided_slice %select_n3A_550 {offsets = [0, 0], sizes = [510, 128], strides = [1, 1]} : vector<512x128xi32> to vector<510x128xi32>
    %concatenate3A_578 = tpu.concatenate %broadcast_in_dim3A_576, %slice3A_577 in 0 : vector<2x128xi32>, vector<510x128xi32> -> vector<512x128xi32>
    %broadcast_in_dim3A_579 = arith.constant 0 : i32
    %broadcast_in_dim3A_580 = vector.broadcast %broadcast_in_dim3A_579 : i32 to vector<2x128xi32>
    %slice3A_581 = vector.extract_strided_slice %select_n3A_550 {offsets = [2, 0], sizes = [510, 128], strides = [1, 1]} : vector<512x128xi32> to vector<510x128xi32>
    %concatenate3A_582 = tpu.concatenate %slice3A_581, %broadcast_in_dim3A_580 in 0 : vector<510x128xi32>, vector<2x128xi32> -> vector<512x128xi32>
    %broadcast_in_dim3A_583 = vector.shape_cast %ne3A_556 : vector<512x1xi1> to vector<512x1xi1>
    %broadcast_in_dim3A_584 = vector.broadcast %broadcast_in_dim3A_583 : vector<512x1xi1> to vector<512x128xi1>
    %select_n3A_585 = arith.select %broadcast_in_dim3A_584, %concatenate3A_578, %concatenate3A_582 : vector<512x128xi1>, vector<512x128xi32>
    %min3A_586 = arith.minimumf %select_n3A_548, %select_n3A_574 : vector<512x128xf32>
    %max3A_587 = arith.maximumf %select_n3A_548, %select_n3A_574 : vector<512x128xf32>
    %broadcast_in_dim3A_588 = vector.shape_cast %ne3A_563 : vector<512x1xi1> to vector<512x1xi1>
    %broadcast_in_dim3A_589 = vector.broadcast %broadcast_in_dim3A_588 : vector<512x1xi1> to vector<512x128xi1>
    %select_n3A_590 = arith.select %broadcast_in_dim3A_589, %min3A_586, %max3A_587 : vector<512x128xi1>, vector<512x128xf32>
    %eq3A_591 = arith.cmpf oeq, %select_n3A_590, %select_n3A_548 : vector<512x128xf32>
    %select_n3A_592 = arith.select %eq3A_591, %select_n3A_550, %select_n3A_585 : vector<512x128xi1>, vector<512x128xi32>
    %and3A_593 = arith.constant 1 : i32
    %and3A_594 = vector.broadcast %and3A_593 : i32 to vector<512x1xi32>
    %and3A_595 = arith.andi %iota3A_12, %and3A_594 : vector<512x1xi32>
    %ne3A_596 = arith.constant 0 : i32
    %ne3A_597 = vector.broadcast %ne3A_596 : i32 to vector<512x1xi32>
    %ne3A_598 = arith.cmpi ne, %and3A_595, %ne3A_597 : vector<512x1xi32>
    %and3A_599 = arith.constant 32 : i32
    %and3A_600 = vector.broadcast %and3A_599 : i32 to vector<512x1xi32>
    %and3A_601 = arith.andi %iota3A_12, %and3A_600 : vector<512x1xi32>
    %eq3A_602 = arith.constant 0 : i32
    %eq3A_603 = vector.broadcast %eq3A_602 : i32 to vector<512x1xi32>
    %eq3A_604 = arith.cmpi eq, %and3A_601, %eq3A_603 : vector<512x1xi32>
    %ne3A_605 = arith.xori %eq3A_604, %ne3A_598 : vector<512x1xi1>
    %broadcast_in_dim3A_606 = arith.constant 0.000000e+00 : f32
    %broadcast_in_dim3A_607 = vector.broadcast %broadcast_in_dim3A_606 : f32 to vector<1x128xf32>
    %slice3A_608 = vector.extract_strided_slice %select_n3A_590 {offsets = [0, 0], sizes = [511, 128], strides = [1, 1]} : vector<512x128xf32> to vector<511x128xf32>
    %concatenate3A_609 = tpu.concatenate %broadcast_in_dim3A_607, %slice3A_608 in 0 : vector<1x128xf32>, vector<511x128xf32> -> vector<512x128xf32>
    %broadcast_in_dim3A_610 = arith.constant 0.000000e+00 : f32
    %broadcast_in_dim3A_611 = vector.broadcast %broadcast_in_dim3A_610 : f32 to vector<1x128xf32>
    %slice3A_612 = vector.extract_strided_slice %select_n3A_590 {offsets = [1, 0], sizes = [511, 128], strides = [1, 1]} : vector<512x128xf32> to vector<511x128xf32>
    %concatenate3A_613 = tpu.concatenate %slice3A_612, %broadcast_in_dim3A_611 in 0 : vector<511x128xf32>, vector<1x128xf32> -> vector<512x128xf32>
    %broadcast_in_dim3A_614 = vector.shape_cast %ne3A_598 : vector<512x1xi1> to vector<512x1xi1>
    %broadcast_in_dim3A_615 = vector.broadcast %broadcast_in_dim3A_614 : vector<512x1xi1> to vector<512x128xi1>
    %select_n3A_616 = arith.select %broadcast_in_dim3A_615, %concatenate3A_609, %concatenate3A_613 : vector<512x128xi1>, vector<512x128xf32>
    %broadcast_in_dim3A_617 = arith.constant 0 : i32
    %broadcast_in_dim3A_618 = vector.broadcast %broadcast_in_dim3A_617 : i32 to vector<1x128xi32>
    %slice3A_619 = vector.extract_strided_slice %select_n3A_592 {offsets = [0, 0], sizes = [511, 128], strides = [1, 1]} : vector<512x128xi32> to vector<511x128xi32>
    %concatenate3A_620 = tpu.concatenate %broadcast_in_dim3A_618, %slice3A_619 in 0 : vector<1x128xi32>, vector<511x128xi32> -> vector<512x128xi32>
    %broadcast_in_dim3A_621 = arith.constant 0 : i32
    %broadcast_in_dim3A_622 = vector.broadcast %broadcast_in_dim3A_621 : i32 to vector<1x128xi32>
    %slice3A_623 = vector.extract_strided_slice %select_n3A_592 {offsets = [1, 0], sizes = [511, 128], strides = [1, 1]} : vector<512x128xi32> to vector<511x128xi32>
    %concatenate3A_624 = tpu.concatenate %slice3A_623, %broadcast_in_dim3A_622 in 0 : vector<511x128xi32>, vector<1x128xi32> -> vector<512x128xi32>
    %broadcast_in_dim3A_625 = vector.shape_cast %ne3A_598 : vector<512x1xi1> to vector<512x1xi1>
    %broadcast_in_dim3A_626 = vector.broadcast %broadcast_in_dim3A_625 : vector<512x1xi1> to vector<512x128xi1>
    %select_n3A_627 = arith.select %broadcast_in_dim3A_626, %concatenate3A_620, %concatenate3A_624 : vector<512x128xi1>, vector<512x128xi32>
    %min3A_628 = arith.minimumf %select_n3A_590, %select_n3A_616 : vector<512x128xf32>
    %max3A_629 = arith.maximumf %select_n3A_590, %select_n3A_616 : vector<512x128xf32>
    %broadcast_in_dim3A_630 = vector.shape_cast %ne3A_605 : vector<512x1xi1> to vector<512x1xi1>
    %broadcast_in_dim3A_631 = vector.broadcast %broadcast_in_dim3A_630 : vector<512x1xi1> to vector<512x128xi1>
    %select_n3A_632 = arith.select %broadcast_in_dim3A_631, %min3A_628, %max3A_629 : vector<512x128xi1>, vector<512x128xf32>
    %eq3A_633 = arith.cmpf oeq, %select_n3A_632, %select_n3A_590 : vector<512x128xf32>
    %select_n3A_634 = arith.select %eq3A_633, %select_n3A_592, %select_n3A_627 : vector<512x128xi1>, vector<512x128xi32>
    %and3A_635 = arith.constant 32 : i32
    %and3A_636 = vector.broadcast %and3A_635 : i32 to vector<512x1xi32>
    %and3A_637 = arith.andi %iota3A_12, %and3A_636 : vector<512x1xi32>
    %ne3A_638 = arith.constant 0 : i32
    %ne3A_639 = vector.broadcast %ne3A_638 : i32 to vector<512x1xi32>
    %ne3A_640 = arith.cmpi ne, %and3A_637, %ne3A_639 : vector<512x1xi32>
    %and3A_641 = arith.constant 64 : i32
    %and3A_642 = vector.broadcast %and3A_641 : i32 to vector<512x1xi32>
    %and3A_643 = arith.andi %iota3A_12, %and3A_642 : vector<512x1xi32>
    %eq3A_644 = arith.constant 0 : i32
    %eq3A_645 = vector.broadcast %eq3A_644 : i32 to vector<512x1xi32>
    %eq3A_646 = arith.cmpi eq, %and3A_643, %eq3A_645 : vector<512x1xi32>
    %ne3A_647 = arith.xori %eq3A_646, %ne3A_640 : vector<512x1xi1>
    %broadcast_in_dim3A_648 = arith.constant 0.000000e+00 : f32
    %broadcast_in_dim3A_649 = vector.broadcast %broadcast_in_dim3A_648 : f32 to vector<32x128xf32>
    %slice3A_650 = vector.extract_strided_slice %select_n3A_632 {offsets = [0, 0], sizes = [480, 128], strides = [1, 1]} : vector<512x128xf32> to vector<480x128xf32>
    %concatenate3A_651 = tpu.concatenate %broadcast_in_dim3A_649, %slice3A_650 in 0 : vector<32x128xf32>, vector<480x128xf32> -> vector<512x128xf32>
    %broadcast_in_dim3A_652 = arith.constant 0.000000e+00 : f32
    %broadcast_in_dim3A_653 = vector.broadcast %broadcast_in_dim3A_652 : f32 to vector<32x128xf32>
    %slice3A_654 = vector.extract_strided_slice %select_n3A_632 {offsets = [32, 0], sizes = [480, 128], strides = [1, 1]} : vector<512x128xf32> to vector<480x128xf32>
    %concatenate3A_655 = tpu.concatenate %slice3A_654, %broadcast_in_dim3A_653 in 0 : vector<480x128xf32>, vector<32x128xf32> -> vector<512x128xf32>
    %broadcast_in_dim3A_656 = vector.shape_cast %ne3A_640 : vector<512x1xi1> to vector<512x1xi1>
    %broadcast_in_dim3A_657 = vector.broadcast %broadcast_in_dim3A_656 : vector<512x1xi1> to vector<512x128xi1>
    %select_n3A_658 = arith.select %broadcast_in_dim3A_657, %concatenate3A_651, %concatenate3A_655 : vector<512x128xi1>, vector<512x128xf32>
    %broadcast_in_dim3A_659 = arith.constant 0 : i32
    %broadcast_in_dim3A_660 = vector.broadcast %broadcast_in_dim3A_659 : i32 to vector<32x128xi32>
    %slice3A_661 = vector.extract_strided_slice %select_n3A_634 {offsets = [0, 0], sizes = [480, 128], strides = [1, 1]} : vector<512x128xi32> to vector<480x128xi32>
    %concatenate3A_662 = tpu.concatenate %broadcast_in_dim3A_660, %slice3A_661 in 0 : vector<32x128xi32>, vector<480x128xi32> -> vector<512x128xi32>
    %broadcast_in_dim3A_663 = arith.constant 0 : i32
    %broadcast_in_dim3A_664 = vector.broadcast %broadcast_in_dim3A_663 : i32 to vector<32x128xi32>
    %slice3A_665 = vector.extract_strided_slice %select_n3A_634 {offsets = [32, 0], sizes = [480, 128], strides = [1, 1]} : vector<512x128xi32> to vector<480x128xi32>
    %concatenate3A_666 = tpu.concatenate %slice3A_665, %broadcast_in_dim3A_664 in 0 : vector<480x128xi32>, vector<32x128xi32> -> vector<512x128xi32>
    %broadcast_in_dim3A_667 = vector.shape_cast %ne3A_640 : vector<512x1xi1> to vector<512x1xi1>
    %broadcast_in_dim3A_668 = vector.broadcast %broadcast_in_dim3A_667 : vector<512x1xi1> to vector<512x128xi1>
    %select_n3A_669 = arith.select %broadcast_in_dim3A_668, %concatenate3A_662, %concatenate3A_666 : vector<512x128xi1>, vector<512x128xi32>
    %min3A_670 = arith.minimumf %select_n3A_632, %select_n3A_658 : vector<512x128xf32>
    %max3A_671 = arith.maximumf %select_n3A_632, %select_n3A_658 : vector<512x128xf32>
    %broadcast_in_dim3A_672 = vector.shape_cast %ne3A_647 : vector<512x1xi1> to vector<512x1xi1>
    %broadcast_in_dim3A_673 = vector.broadcast %broadcast_in_dim3A_672 : vector<512x1xi1> to vector<512x128xi1>
    %select_n3A_674 = arith.select %broadcast_in_dim3A_673, %min3A_670, %max3A_671 : vector<512x128xi1>, vector<512x128xf32>
    %eq3A_675 = arith.cmpf oeq, %select_n3A_674, %select_n3A_632 : vector<512x128xf32>
    %select_n3A_676 = arith.select %eq3A_675, %select_n3A_634, %select_n3A_669 : vector<512x128xi1>, vector<512x128xi32>
    %and3A_677 = arith.constant 16 : i32
    %and3A_678 = vector.broadcast %and3A_677 : i32 to vector<512x1xi32>
    %and3A_679 = arith.andi %iota3A_12, %and3A_678 : vector<512x1xi32>
    %ne3A_680 = arith.constant 0 : i32
    %ne3A_681 = vector.broadcast %ne3A_680 : i32 to vector<512x1xi32>
    %ne3A_682 = arith.cmpi ne, %and3A_679, %ne3A_681 : vector<512x1xi32>
    %and3A_683 = arith.constant 64 : i32
    %and3A_684 = vector.broadcast %and3A_683 : i32 to vector<512x1xi32>
    %and3A_685 = arith.andi %iota3A_12, %and3A_684 : vector<512x1xi32>
    %eq3A_686 = arith.constant 0 : i32
    %eq3A_687 = vector.broadcast %eq3A_686 : i32 to vector<512x1xi32>
    %eq3A_688 = arith.cmpi eq, %and3A_685, %eq3A_687 : vector<512x1xi32>
    %ne3A_689 = arith.xori %eq3A_688, %ne3A_682 : vector<512x1xi1>
    %broadcast_in_dim3A_690 = arith.constant 0.000000e+00 : f32
    %broadcast_in_dim3A_691 = vector.broadcast %broadcast_in_dim3A_690 : f32 to vector<16x128xf32>
    %slice3A_692 = vector.extract_strided_slice %select_n3A_674 {offsets = [0, 0], sizes = [496, 128], strides = [1, 1]} : vector<512x128xf32> to vector<496x128xf32>
    %concatenate3A_693 = tpu.concatenate %broadcast_in_dim3A_691, %slice3A_692 in 0 : vector<16x128xf32>, vector<496x128xf32> -> vector<512x128xf32>
    %broadcast_in_dim3A_694 = arith.constant 0.000000e+00 : f32
    %broadcast_in_dim3A_695 = vector.broadcast %broadcast_in_dim3A_694 : f32 to vector<16x128xf32>
    %slice3A_696 = vector.extract_strided_slice %select_n3A_674 {offsets = [16, 0], sizes = [496, 128], strides = [1, 1]} : vector<512x128xf32> to vector<496x128xf32>
    %concatenate3A_697 = tpu.concatenate %slice3A_696, %broadcast_in_dim3A_695 in 0 : vector<496x128xf32>, vector<16x128xf32> -> vector<512x128xf32>
    %broadcast_in_dim3A_698 = vector.shape_cast %ne3A_682 : vector<512x1xi1> to vector<512x1xi1>
    %broadcast_in_dim3A_699 = vector.broadcast %broadcast_in_dim3A_698 : vector<512x1xi1> to vector<512x128xi1>
    %select_n3A_700 = arith.select %broadcast_in_dim3A_699, %concatenate3A_693, %concatenate3A_697 : vector<512x128xi1>, vector<512x128xf32>
    %broadcast_in_dim3A_701 = arith.constant 0 : i32
    %broadcast_in_dim3A_702 = vector.broadcast %broadcast_in_dim3A_701 : i32 to vector<16x128xi32>
    %slice3A_703 = vector.extract_strided_slice %select_n3A_676 {offsets = [0, 0], sizes = [496, 128], strides = [1, 1]} : vector<512x128xi32> to vector<496x128xi32>
    %concatenate3A_704 = tpu.concatenate %broadcast_in_dim3A_702, %slice3A_703 in 0 : vector<16x128xi32>, vector<496x128xi32> -> vector<512x128xi32>
    %broadcast_in_dim3A_705 = arith.constant 0 : i32
    %broadcast_in_dim3A_706 = vector.broadcast %broadcast_in_dim3A_705 : i32 to vector<16x128xi32>
    %slice3A_707 = vector.extract_strided_slice %select_n3A_676 {offsets = [16, 0], sizes = [496, 128], strides = [1, 1]} : vector<512x128xi32> to vector<496x128xi32>
    %concatenate3A_708 = tpu.concatenate %slice3A_707, %broadcast_in_dim3A_706 in 0 : vector<496x128xi32>, vector<16x128xi32> -> vector<512x128xi32>
    %broadcast_in_dim3A_709 = vector.shape_cast %ne3A_682 : vector<512x1xi1> to vector<512x1xi1>
    %broadcast_in_dim3A_710 = vector.broadcast %broadcast_in_dim3A_709 : vector<512x1xi1> to vector<512x128xi1>
    %select_n3A_711 = arith.select %broadcast_in_dim3A_710, %concatenate3A_704, %concatenate3A_708 : vector<512x128xi1>, vector<512x128xi32>
    %min3A_712 = arith.minimumf %select_n3A_674, %select_n3A_700 : vector<512x128xf32>
    %max3A_713 = arith.maximumf %select_n3A_674, %select_n3A_700 : vector<512x128xf32>
    %broadcast_in_dim3A_714 = vector.shape_cast %ne3A_689 : vector<512x1xi1> to vector<512x1xi1>
    %broadcast_in_dim3A_715 = vector.broadcast %broadcast_in_dim3A_714 : vector<512x1xi1> to vector<512x128xi1>
    %select_n3A_716 = arith.select %broadcast_in_dim3A_715, %min3A_712, %max3A_713 : vector<512x128xi1>, vector<512x128xf32>
    %eq3A_717 = arith.cmpf oeq, %select_n3A_716, %select_n3A_674 : vector<512x128xf32>
    %select_n3A_718 = arith.select %eq3A_717, %select_n3A_676, %select_n3A_711 : vector<512x128xi1>, vector<512x128xi32>
    %and3A_719 = arith.constant 8 : i32
    %and3A_720 = vector.broadcast %and3A_719 : i32 to vector<512x1xi32>
    %and3A_721 = arith.andi %iota3A_12, %and3A_720 : vector<512x1xi32>
    %ne3A_722 = arith.constant 0 : i32
    %ne3A_723 = vector.broadcast %ne3A_722 : i32 to vector<512x1xi32>
    %ne3A_724 = arith.cmpi ne, %and3A_721, %ne3A_723 : vector<512x1xi32>
    %and3A_725 = arith.constant 64 : i32
    %and3A_726 = vector.broadcast %and3A_725 : i32 to vector<512x1xi32>
    %and3A_727 = arith.andi %iota3A_12, %and3A_726 : vector<512x1xi32>
    %eq3A_728 = arith.constant 0 : i32
    %eq3A_729 = vector.broadcast %eq3A_728 : i32 to vector<512x1xi32>
    %eq3A_730 = arith.cmpi eq, %and3A_727, %eq3A_729 : vector<512x1xi32>
    %ne3A_731 = arith.xori %eq3A_730, %ne3A_724 : vector<512x1xi1>
    %broadcast_in_dim3A_732 = arith.constant 0.000000e+00 : f32
    %broadcast_in_dim3A_733 = vector.broadcast %broadcast_in_dim3A_732 : f32 to vector<8x128xf32>
    %slice3A_734 = vector.extract_strided_slice %select_n3A_716 {offsets = [0, 0], sizes = [504, 128], strides = [1, 1]} : vector<512x128xf32> to vector<504x128xf32>
    %concatenate3A_735 = tpu.concatenate %broadcast_in_dim3A_733, %slice3A_734 in 0 : vector<8x128xf32>, vector<504x128xf32> -> vector<512x128xf32>
    %broadcast_in_dim3A_736 = arith.constant 0.000000e+00 : f32
    %broadcast_in_dim3A_737 = vector.broadcast %broadcast_in_dim3A_736 : f32 to vector<8x128xf32>
    %slice3A_738 = vector.extract_strided_slice %select_n3A_716 {offsets = [8, 0], sizes = [504, 128], strides = [1, 1]} : vector<512x128xf32> to vector<504x128xf32>
    %concatenate3A_739 = tpu.concatenate %slice3A_738, %broadcast_in_dim3A_737 in 0 : vector<504x128xf32>, vector<8x128xf32> -> vector<512x128xf32>
    %broadcast_in_dim3A_740 = vector.shape_cast %ne3A_724 : vector<512x1xi1> to vector<512x1xi1>
    %broadcast_in_dim3A_741 = vector.broadcast %broadcast_in_dim3A_740 : vector<512x1xi1> to vector<512x128xi1>
    %select_n3A_742 = arith.select %broadcast_in_dim3A_741, %concatenate3A_735, %concatenate3A_739 : vector<512x128xi1>, vector<512x128xf32>
    %broadcast_in_dim3A_743 = arith.constant 0 : i32
    %broadcast_in_dim3A_744 = vector.broadcast %broadcast_in_dim3A_743 : i32 to vector<8x128xi32>
    %slice3A_745 = vector.extract_strided_slice %select_n3A_718 {offsets = [0, 0], sizes = [504, 128], strides = [1, 1]} : vector<512x128xi32> to vector<504x128xi32>
    %concatenate3A_746 = tpu.concatenate %broadcast_in_dim3A_744, %slice3A_745 in 0 : vector<8x128xi32>, vector<504x128xi32> -> vector<512x128xi32>
    %broadcast_in_dim3A_747 = arith.constant 0 : i32
    %broadcast_in_dim3A_748 = vector.broadcast %broadcast_in_dim3A_747 : i32 to vector<8x128xi32>
    %slice3A_749 = vector.extract_strided_slice %select_n3A_718 {offsets = [8, 0], sizes = [504, 128], strides = [1, 1]} : vector<512x128xi32> to vector<504x128xi32>
    %concatenate3A_750 = tpu.concatenate %slice3A_749, %broadcast_in_dim3A_748 in 0 : vector<504x128xi32>, vector<8x128xi32> -> vector<512x128xi32>
    %broadcast_in_dim3A_751 = vector.shape_cast %ne3A_724 : vector<512x1xi1> to vector<512x1xi1>
    %broadcast_in_dim3A_752 = vector.broadcast %broadcast_in_dim3A_751 : vector<512x1xi1> to vector<512x128xi1>
    %select_n3A_753 = arith.select %broadcast_in_dim3A_752, %concatenate3A_746, %concatenate3A_750 : vector<512x128xi1>, vector<512x128xi32>
    %min3A_754 = arith.minimumf %select_n3A_716, %select_n3A_742 : vector<512x128xf32>
    %max3A_755 = arith.maximumf %select_n3A_716, %select_n3A_742 : vector<512x128xf32>
    %broadcast_in_dim3A_756 = vector.shape_cast %ne3A_731 : vector<512x1xi1> to vector<512x1xi1>
    %broadcast_in_dim3A_757 = vector.broadcast %broadcast_in_dim3A_756 : vector<512x1xi1> to vector<512x128xi1>
    %select_n3A_758 = arith.select %broadcast_in_dim3A_757, %min3A_754, %max3A_755 : vector<512x128xi1>, vector<512x128xf32>
    %eq3A_759 = arith.cmpf oeq, %select_n3A_758, %select_n3A_716 : vector<512x128xf32>
    %select_n3A_760 = arith.select %eq3A_759, %select_n3A_718, %select_n3A_753 : vector<512x128xi1>, vector<512x128xi32>
    %and3A_761 = arith.constant 4 : i32
    %and3A_762 = vector.broadcast %and3A_761 : i32 to vector<512x1xi32>
    %and3A_763 = arith.andi %iota3A_12, %and3A_762 : vector<512x1xi32>
    %ne3A_764 = arith.constant 0 : i32
    %ne3A_765 = vector.broadcast %ne3A_764 : i32 to vector<512x1xi32>
    %ne3A_766 = arith.cmpi ne, %and3A_763, %ne3A_765 : vector<512x1xi32>
    %and3A_767 = arith.constant 64 : i32
    %and3A_768 = vector.broadcast %and3A_767 : i32 to vector<512x1xi32>
    %and3A_769 = arith.andi %iota3A_12, %and3A_768 : vector<512x1xi32>
    %eq3A_770 = arith.constant 0 : i32
    %eq3A_771 = vector.broadcast %eq3A_770 : i32 to vector<512x1xi32>
    %eq3A_772 = arith.cmpi eq, %and3A_769, %eq3A_771 : vector<512x1xi32>
    %ne3A_773 = arith.xori %eq3A_772, %ne3A_766 : vector<512x1xi1>
    %broadcast_in_dim3A_774 = arith.constant 0.000000e+00 : f32
    %broadcast_in_dim3A_775 = vector.broadcast %broadcast_in_dim3A_774 : f32 to vector<4x128xf32>
    %slice3A_776 = vector.extract_strided_slice %select_n3A_758 {offsets = [0, 0], sizes = [508, 128], strides = [1, 1]} : vector<512x128xf32> to vector<508x128xf32>
    %concatenate3A_777 = tpu.concatenate %broadcast_in_dim3A_775, %slice3A_776 in 0 : vector<4x128xf32>, vector<508x128xf32> -> vector<512x128xf32>
    %broadcast_in_dim3A_778 = arith.constant 0.000000e+00 : f32
    %broadcast_in_dim3A_779 = vector.broadcast %broadcast_in_dim3A_778 : f32 to vector<4x128xf32>
    %slice3A_780 = vector.extract_strided_slice %select_n3A_758 {offsets = [4, 0], sizes = [508, 128], strides = [1, 1]} : vector<512x128xf32> to vector<508x128xf32>
    %concatenate3A_781 = tpu.concatenate %slice3A_780, %broadcast_in_dim3A_779 in 0 : vector<508x128xf32>, vector<4x128xf32> -> vector<512x128xf32>
    %broadcast_in_dim3A_782 = vector.shape_cast %ne3A_766 : vector<512x1xi1> to vector<512x1xi1>
    %broadcast_in_dim3A_783 = vector.broadcast %broadcast_in_dim3A_782 : vector<512x1xi1> to vector<512x128xi1>
    %select_n3A_784 = arith.select %broadcast_in_dim3A_783, %concatenate3A_777, %concatenate3A_781 : vector<512x128xi1>, vector<512x128xf32>
    %broadcast_in_dim3A_785 = arith.constant 0 : i32
    %broadcast_in_dim3A_786 = vector.broadcast %broadcast_in_dim3A_785 : i32 to vector<4x128xi32>
    %slice3A_787 = vector.extract_strided_slice %select_n3A_760 {offsets = [0, 0], sizes = [508, 128], strides = [1, 1]} : vector<512x128xi32> to vector<508x128xi32>
    %concatenate3A_788 = tpu.concatenate %broadcast_in_dim3A_786, %slice3A_787 in 0 : vector<4x128xi32>, vector<508x128xi32> -> vector<512x128xi32>
    %broadcast_in_dim3A_789 = arith.constant 0 : i32
    %broadcast_in_dim3A_790 = vector.broadcast %broadcast_in_dim3A_789 : i32 to vector<4x128xi32>
    %slice3A_791 = vector.extract_strided_slice %select_n3A_760 {offsets = [4, 0], sizes = [508, 128], strides = [1, 1]} : vector<512x128xi32> to vector<508x128xi32>
    %concatenate3A_792 = tpu.concatenate %slice3A_791, %broadcast_in_dim3A_790 in 0 : vector<508x128xi32>, vector<4x128xi32> -> vector<512x128xi32>
    %broadcast_in_dim3A_793 = vector.shape_cast %ne3A_766 : vector<512x1xi1> to vector<512x1xi1>
    %broadcast_in_dim3A_794 = vector.broadcast %broadcast_in_dim3A_793 : vector<512x1xi1> to vector<512x128xi1>
    %select_n3A_795 = arith.select %broadcast_in_dim3A_794, %concatenate3A_788, %concatenate3A_792 : vector<512x128xi1>, vector<512x128xi32>
    %min3A_796 = arith.minimumf %select_n3A_758, %select_n3A_784 : vector<512x128xf32>
    %max3A_797 = arith.maximumf %select_n3A_758, %select_n3A_784 : vector<512x128xf32>
    %broadcast_in_dim3A_798 = vector.shape_cast %ne3A_773 : vector<512x1xi1> to vector<512x1xi1>
    %broadcast_in_dim3A_799 = vector.broadcast %broadcast_in_dim3A_798 : vector<512x1xi1> to vector<512x128xi1>
    %select_n3A_800 = arith.select %broadcast_in_dim3A_799, %min3A_796, %max3A_797 : vector<512x128xi1>, vector<512x128xf32>
    %eq3A_801 = arith.cmpf oeq, %select_n3A_800, %select_n3A_758 : vector<512x128xf32>
    %select_n3A_802 = arith.select %eq3A_801, %select_n3A_760, %select_n3A_795 : vector<512x128xi1>, vector<512x128xi32>
    %and3A_803 = arith.constant 2 : i32
    %and3A_804 = vector.broadcast %and3A_803 : i32 to vector<512x1xi32>
    %and3A_805 = arith.andi %iota3A_12, %and3A_804 : vector<512x1xi32>
    %ne3A_806 = arith.constant 0 : i32
    %ne3A_807 = vector.broadcast %ne3A_806 : i32 to vector<512x1xi32>
    %ne3A_808 = arith.cmpi ne, %and3A_805, %ne3A_807 : vector<512x1xi32>
    %and3A_809 = arith.constant 64 : i32
    %and3A_810 = vector.broadcast %and3A_809 : i32 to vector<512x1xi32>
    %and3A_811 = arith.andi %iota3A_12, %and3A_810 : vector<512x1xi32>
    %eq3A_812 = arith.constant 0 : i32
    %eq3A_813 = vector.broadcast %eq3A_812 : i32 to vector<512x1xi32>
    %eq3A_814 = arith.cmpi eq, %and3A_811, %eq3A_813 : vector<512x1xi32>
    %ne3A_815 = arith.xori %eq3A_814, %ne3A_808 : vector<512x1xi1>
    %broadcast_in_dim3A_816 = arith.constant 0.000000e+00 : f32
    %broadcast_in_dim3A_817 = vector.broadcast %broadcast_in_dim3A_816 : f32 to vector<2x128xf32>
    %slice3A_818 = vector.extract_strided_slice %select_n3A_800 {offsets = [0, 0], sizes = [510, 128], strides = [1, 1]} : vector<512x128xf32> to vector<510x128xf32>
    %concatenate3A_819 = tpu.concatenate %broadcast_in_dim3A_817, %slice3A_818 in 0 : vector<2x128xf32>, vector<510x128xf32> -> vector<512x128xf32>
    %broadcast_in_dim3A_820 = arith.constant 0.000000e+00 : f32
    %broadcast_in_dim3A_821 = vector.broadcast %broadcast_in_dim3A_820 : f32 to vector<2x128xf32>
    %slice3A_822 = vector.extract_strided_slice %select_n3A_800 {offsets = [2, 0], sizes = [510, 128], strides = [1, 1]} : vector<512x128xf32> to vector<510x128xf32>
    %concatenate3A_823 = tpu.concatenate %slice3A_822, %broadcast_in_dim3A_821 in 0 : vector<510x128xf32>, vector<2x128xf32> -> vector<512x128xf32>
    %broadcast_in_dim3A_824 = vector.shape_cast %ne3A_808 : vector<512x1xi1> to vector<512x1xi1>
    %broadcast_in_dim3A_825 = vector.broadcast %broadcast_in_dim3A_824 : vector<512x1xi1> to vector<512x128xi1>
    %select_n3A_826 = arith.select %broadcast_in_dim3A_825, %concatenate3A_819, %concatenate3A_823 : vector<512x128xi1>, vector<512x128xf32>
    %broadcast_in_dim3A_827 = arith.constant 0 : i32
    %broadcast_in_dim3A_828 = vector.broadcast %broadcast_in_dim3A_827 : i32 to vector<2x128xi32>
    %slice3A_829 = vector.extract_strided_slice %select_n3A_802 {offsets = [0, 0], sizes = [510, 128], strides = [1, 1]} : vector<512x128xi32> to vector<510x128xi32>
    %concatenate3A_830 = tpu.concatenate %broadcast_in_dim3A_828, %slice3A_829 in 0 : vector<2x128xi32>, vector<510x128xi32> -> vector<512x128xi32>
    %broadcast_in_dim3A_831 = arith.constant 0 : i32
    %broadcast_in_dim3A_832 = vector.broadcast %broadcast_in_dim3A_831 : i32 to vector<2x128xi32>
    %slice3A_833 = vector.extract_strided_slice %select_n3A_802 {offsets = [2, 0], sizes = [510, 128], strides = [1, 1]} : vector<512x128xi32> to vector<510x128xi32>
    %concatenate3A_834 = tpu.concatenate %slice3A_833, %broadcast_in_dim3A_832 in 0 : vector<510x128xi32>, vector<2x128xi32> -> vector<512x128xi32>
    %broadcast_in_dim3A_835 = vector.shape_cast %ne3A_808 : vector<512x1xi1> to vector<512x1xi1>
    %broadcast_in_dim3A_836 = vector.broadcast %broadcast_in_dim3A_835 : vector<512x1xi1> to vector<512x128xi1>
    %select_n3A_837 = arith.select %broadcast_in_dim3A_836, %concatenate3A_830, %concatenate3A_834 : vector<512x128xi1>, vector<512x128xi32>
    %min3A_838 = arith.minimumf %select_n3A_800, %select_n3A_826 : vector<512x128xf32>
    %max3A_839 = arith.maximumf %select_n3A_800, %select_n3A_826 : vector<512x128xf32>
    %broadcast_in_dim3A_840 = vector.shape_cast %ne3A_815 : vector<512x1xi1> to vector<512x1xi1>
    %broadcast_in_dim3A_841 = vector.broadcast %broadcast_in_dim3A_840 : vector<512x1xi1> to vector<512x128xi1>
    %select_n3A_842 = arith.select %broadcast_in_dim3A_841, %min3A_838, %max3A_839 : vector<512x128xi1>, vector<512x128xf32>
    %eq3A_843 = arith.cmpf oeq, %select_n3A_842, %select_n3A_800 : vector<512x128xf32>
    %select_n3A_844 = arith.select %eq3A_843, %select_n3A_802, %select_n3A_837 : vector<512x128xi1>, vector<512x128xi32>
    %and3A_845 = arith.constant 1 : i32
    %and3A_846 = vector.broadcast %and3A_845 : i32 to vector<512x1xi32>
    %and3A_847 = arith.andi %iota3A_12, %and3A_846 : vector<512x1xi32>
    %ne3A_848 = arith.constant 0 : i32
    %ne3A_849 = vector.broadcast %ne3A_848 : i32 to vector<512x1xi32>
    %ne3A_850 = arith.cmpi ne, %and3A_847, %ne3A_849 : vector<512x1xi32>
    %and3A_851 = arith.constant 64 : i32
    %and3A_852 = vector.broadcast %and3A_851 : i32 to vector<512x1xi32>
    %and3A_853 = arith.andi %iota3A_12, %and3A_852 : vector<512x1xi32>
    %eq3A_854 = arith.constant 0 : i32
    %eq3A_855 = vector.broadcast %eq3A_854 : i32 to vector<512x1xi32>
    %eq3A_856 = arith.cmpi eq, %and3A_853, %eq3A_855 : vector<512x1xi32>
    %ne3A_857 = arith.xori %eq3A_856, %ne3A_850 : vector<512x1xi1>
    %broadcast_in_dim3A_858 = arith.constant 0.000000e+00 : f32
    %broadcast_in_dim3A_859 = vector.broadcast %broadcast_in_dim3A_858 : f32 to vector<1x128xf32>
    %slice3A_860 = vector.extract_strided_slice %select_n3A_842 {offsets = [0, 0], sizes = [511, 128], strides = [1, 1]} : vector<512x128xf32> to vector<511x128xf32>
    %concatenate3A_861 = tpu.concatenate %broadcast_in_dim3A_859, %slice3A_860 in 0 : vector<1x128xf32>, vector<511x128xf32> -> vector<512x128xf32>
    %broadcast_in_dim3A_862 = arith.constant 0.000000e+00 : f32
    %broadcast_in_dim3A_863 = vector.broadcast %broadcast_in_dim3A_862 : f32 to vector<1x128xf32>
    %slice3A_864 = vector.extract_strided_slice %select_n3A_842 {offsets = [1, 0], sizes = [511, 128], strides = [1, 1]} : vector<512x128xf32> to vector<511x128xf32>
    %concatenate3A_865 = tpu.concatenate %slice3A_864, %broadcast_in_dim3A_863 in 0 : vector<511x128xf32>, vector<1x128xf32> -> vector<512x128xf32>
    %broadcast_in_dim3A_866 = vector.shape_cast %ne3A_850 : vector<512x1xi1> to vector<512x1xi1>
    %broadcast_in_dim3A_867 = vector.broadcast %broadcast_in_dim3A_866 : vector<512x1xi1> to vector<512x128xi1>
    %select_n3A_868 = arith.select %broadcast_in_dim3A_867, %concatenate3A_861, %concatenate3A_865 : vector<512x128xi1>, vector<512x128xf32>
    %broadcast_in_dim3A_869 = arith.constant 0 : i32
    %broadcast_in_dim3A_870 = vector.broadcast %broadcast_in_dim3A_869 : i32 to vector<1x128xi32>
    %slice3A_871 = vector.extract_strided_slice %select_n3A_844 {offsets = [0, 0], sizes = [511, 128], strides = [1, 1]} : vector<512x128xi32> to vector<511x128xi32>
    %concatenate3A_872 = tpu.concatenate %broadcast_in_dim3A_870, %slice3A_871 in 0 : vector<1x128xi32>, vector<511x128xi32> -> vector<512x128xi32>
    %broadcast_in_dim3A_873 = arith.constant 0 : i32
    %broadcast_in_dim3A_874 = vector.broadcast %broadcast_in_dim3A_873 : i32 to vector<1x128xi32>
    %slice3A_875 = vector.extract_strided_slice %select_n3A_844 {offsets = [1, 0], sizes = [511, 128], strides = [1, 1]} : vector<512x128xi32> to vector<511x128xi32>
    %concatenate3A_876 = tpu.concatenate %slice3A_875, %broadcast_in_dim3A_874 in 0 : vector<511x128xi32>, vector<1x128xi32> -> vector<512x128xi32>
    %broadcast_in_dim3A_877 = vector.shape_cast %ne3A_850 : vector<512x1xi1> to vector<512x1xi1>
    %broadcast_in_dim3A_878 = vector.broadcast %broadcast_in_dim3A_877 : vector<512x1xi1> to vector<512x128xi1>
    %select_n3A_879 = arith.select %broadcast_in_dim3A_878, %concatenate3A_872, %concatenate3A_876 : vector<512x128xi1>, vector<512x128xi32>
    %min3A_880 = arith.minimumf %select_n3A_842, %select_n3A_868 : vector<512x128xf32>
    %max3A_881 = arith.maximumf %select_n3A_842, %select_n3A_868 : vector<512x128xf32>
    %broadcast_in_dim3A_882 = vector.shape_cast %ne3A_857 : vector<512x1xi1> to vector<512x1xi1>
    %broadcast_in_dim3A_883 = vector.broadcast %broadcast_in_dim3A_882 : vector<512x1xi1> to vector<512x128xi1>
    %select_n3A_884 = arith.select %broadcast_in_dim3A_883, %min3A_880, %max3A_881 : vector<512x128xi1>, vector<512x128xf32>
    %eq3A_885 = arith.cmpf oeq, %select_n3A_884, %select_n3A_842 : vector<512x128xf32>
    %select_n3A_886 = arith.select %eq3A_885, %select_n3A_844, %select_n3A_879 : vector<512x128xi1>, vector<512x128xi32>
    %and3A_887 = arith.constant 64 : i32
    %and3A_888 = vector.broadcast %and3A_887 : i32 to vector<512x1xi32>
    %and3A_889 = arith.andi %iota3A_12, %and3A_888 : vector<512x1xi32>
    %ne3A_890 = arith.constant 0 : i32
    %ne3A_891 = vector.broadcast %ne3A_890 : i32 to vector<512x1xi32>
    %ne3A_892 = arith.cmpi ne, %and3A_889, %ne3A_891 : vector<512x1xi32>
    %and3A_893 = arith.constant 128 : i32
    %and3A_894 = vector.broadcast %and3A_893 : i32 to vector<512x1xi32>
    %and3A_895 = arith.andi %iota3A_12, %and3A_894 : vector<512x1xi32>
    %eq3A_896 = arith.constant 0 : i32
    %eq3A_897 = vector.broadcast %eq3A_896 : i32 to vector<512x1xi32>
    %eq3A_898 = arith.cmpi eq, %and3A_895, %eq3A_897 : vector<512x1xi32>
    %ne3A_899 = arith.xori %eq3A_898, %ne3A_892 : vector<512x1xi1>
    %broadcast_in_dim3A_900 = arith.constant 0.000000e+00 : f32
    %broadcast_in_dim3A_901 = vector.broadcast %broadcast_in_dim3A_900 : f32 to vector<64x128xf32>
    %slice3A_902 = vector.extract_strided_slice %select_n3A_884 {offsets = [0, 0], sizes = [448, 128], strides = [1, 1]} : vector<512x128xf32> to vector<448x128xf32>
    %concatenate3A_903 = tpu.concatenate %broadcast_in_dim3A_901, %slice3A_902 in 0 : vector<64x128xf32>, vector<448x128xf32> -> vector<512x128xf32>
    %broadcast_in_dim3A_904 = arith.constant 0.000000e+00 : f32
    %broadcast_in_dim3A_905 = vector.broadcast %broadcast_in_dim3A_904 : f32 to vector<64x128xf32>
    %slice3A_906 = vector.extract_strided_slice %select_n3A_884 {offsets = [64, 0], sizes = [448, 128], strides = [1, 1]} : vector<512x128xf32> to vector<448x128xf32>
    %concatenate3A_907 = tpu.concatenate %slice3A_906, %broadcast_in_dim3A_905 in 0 : vector<448x128xf32>, vector<64x128xf32> -> vector<512x128xf32>
    %broadcast_in_dim3A_908 = vector.shape_cast %ne3A_892 : vector<512x1xi1> to vector<512x1xi1>
    %broadcast_in_dim3A_909 = vector.broadcast %broadcast_in_dim3A_908 : vector<512x1xi1> to vector<512x128xi1>
    %select_n3A_910 = arith.select %broadcast_in_dim3A_909, %concatenate3A_903, %concatenate3A_907 : vector<512x128xi1>, vector<512x128xf32>
    %broadcast_in_dim3A_911 = arith.constant 0 : i32
    %broadcast_in_dim3A_912 = vector.broadcast %broadcast_in_dim3A_911 : i32 to vector<64x128xi32>
    %slice3A_913 = vector.extract_strided_slice %select_n3A_886 {offsets = [0, 0], sizes = [448, 128], strides = [1, 1]} : vector<512x128xi32> to vector<448x128xi32>
    %concatenate3A_914 = tpu.concatenate %broadcast_in_dim3A_912, %slice3A_913 in 0 : vector<64x128xi32>, vector<448x128xi32> -> vector<512x128xi32>
    %broadcast_in_dim3A_915 = arith.constant 0 : i32
    %broadcast_in_dim3A_916 = vector.broadcast %broadcast_in_dim3A_915 : i32 to vector<64x128xi32>
    %slice3A_917 = vector.extract_strided_slice %select_n3A_886 {offsets = [64, 0], sizes = [448, 128], strides = [1, 1]} : vector<512x128xi32> to vector<448x128xi32>
    %concatenate3A_918 = tpu.concatenate %slice3A_917, %broadcast_in_dim3A_916 in 0 : vector<448x128xi32>, vector<64x128xi32> -> vector<512x128xi32>
    %broadcast_in_dim3A_919 = vector.shape_cast %ne3A_892 : vector<512x1xi1> to vector<512x1xi1>
    %broadcast_in_dim3A_920 = vector.broadcast %broadcast_in_dim3A_919 : vector<512x1xi1> to vector<512x128xi1>
    %select_n3A_921 = arith.select %broadcast_in_dim3A_920, %concatenate3A_914, %concatenate3A_918 : vector<512x128xi1>, vector<512x128xi32>
    %min3A_922 = arith.minimumf %select_n3A_884, %select_n3A_910 : vector<512x128xf32>
    %max3A_923 = arith.maximumf %select_n3A_884, %select_n3A_910 : vector<512x128xf32>
    %broadcast_in_dim3A_924 = vector.shape_cast %ne3A_899 : vector<512x1xi1> to vector<512x1xi1>
    %broadcast_in_dim3A_925 = vector.broadcast %broadcast_in_dim3A_924 : vector<512x1xi1> to vector<512x128xi1>
    %select_n3A_926 = arith.select %broadcast_in_dim3A_925, %min3A_922, %max3A_923 : vector<512x128xi1>, vector<512x128xf32>
    %eq3A_927 = arith.cmpf oeq, %select_n3A_926, %select_n3A_884 : vector<512x128xf32>
    %select_n3A_928 = arith.select %eq3A_927, %select_n3A_886, %select_n3A_921 : vector<512x128xi1>, vector<512x128xi32>
    %and3A_929 = arith.constant 32 : i32
    %and3A_930 = vector.broadcast %and3A_929 : i32 to vector<512x1xi32>
    %and3A_931 = arith.andi %iota3A_12, %and3A_930 : vector<512x1xi32>
    %ne3A_932 = arith.constant 0 : i32
    %ne3A_933 = vector.broadcast %ne3A_932 : i32 to vector<512x1xi32>
    %ne3A_934 = arith.cmpi ne, %and3A_931, %ne3A_933 : vector<512x1xi32>
    %and3A_935 = arith.constant 128 : i32
    %and3A_936 = vector.broadcast %and3A_935 : i32 to vector<512x1xi32>
    %and3A_937 = arith.andi %iota3A_12, %and3A_936 : vector<512x1xi32>
    %eq3A_938 = arith.constant 0 : i32
    %eq3A_939 = vector.broadcast %eq3A_938 : i32 to vector<512x1xi32>
    %eq3A_940 = arith.cmpi eq, %and3A_937, %eq3A_939 : vector<512x1xi32>
    %ne3A_941 = arith.xori %eq3A_940, %ne3A_934 : vector<512x1xi1>
    %broadcast_in_dim3A_942 = arith.constant 0.000000e+00 : f32
    %broadcast_in_dim3A_943 = vector.broadcast %broadcast_in_dim3A_942 : f32 to vector<32x128xf32>
    %slice3A_944 = vector.extract_strided_slice %select_n3A_926 {offsets = [0, 0], sizes = [480, 128], strides = [1, 1]} : vector<512x128xf32> to vector<480x128xf32>
    %concatenate3A_945 = tpu.concatenate %broadcast_in_dim3A_943, %slice3A_944 in 0 : vector<32x128xf32>, vector<480x128xf32> -> vector<512x128xf32>
    %broadcast_in_dim3A_946 = arith.constant 0.000000e+00 : f32
    %broadcast_in_dim3A_947 = vector.broadcast %broadcast_in_dim3A_946 : f32 to vector<32x128xf32>
    %slice3A_948 = vector.extract_strided_slice %select_n3A_926 {offsets = [32, 0], sizes = [480, 128], strides = [1, 1]} : vector<512x128xf32> to vector<480x128xf32>
    %concatenate3A_949 = tpu.concatenate %slice3A_948, %broadcast_in_dim3A_947 in 0 : vector<480x128xf32>, vector<32x128xf32> -> vector<512x128xf32>
    %broadcast_in_dim3A_950 = vector.shape_cast %ne3A_934 : vector<512x1xi1> to vector<512x1xi1>
    %broadcast_in_dim3A_951 = vector.broadcast %broadcast_in_dim3A_950 : vector<512x1xi1> to vector<512x128xi1>
    %select_n3A_952 = arith.select %broadcast_in_dim3A_951, %concatenate3A_945, %concatenate3A_949 : vector<512x128xi1>, vector<512x128xf32>
    %broadcast_in_dim3A_953 = arith.constant 0 : i32
    %broadcast_in_dim3A_954 = vector.broadcast %broadcast_in_dim3A_953 : i32 to vector<32x128xi32>
    %slice3A_955 = vector.extract_strided_slice %select_n3A_928 {offsets = [0, 0], sizes = [480, 128], strides = [1, 1]} : vector<512x128xi32> to vector<480x128xi32>
    %concatenate3A_956 = tpu.concatenate %broadcast_in_dim3A_954, %slice3A_955 in 0 : vector<32x128xi32>, vector<480x128xi32> -> vector<512x128xi32>
    %broadcast_in_dim3A_957 = arith.constant 0 : i32
    %broadcast_in_dim3A_958 = vector.broadcast %broadcast_in_dim3A_957 : i32 to vector<32x128xi32>
    %slice3A_959 = vector.extract_strided_slice %select_n3A_928 {offsets = [32, 0], sizes = [480, 128], strides = [1, 1]} : vector<512x128xi32> to vector<480x128xi32>
    %concatenate3A_960 = tpu.concatenate %slice3A_959, %broadcast_in_dim3A_958 in 0 : vector<480x128xi32>, vector<32x128xi32> -> vector<512x128xi32>
    %broadcast_in_dim3A_961 = vector.shape_cast %ne3A_934 : vector<512x1xi1> to vector<512x1xi1>
    %broadcast_in_dim3A_962 = vector.broadcast %broadcast_in_dim3A_961 : vector<512x1xi1> to vector<512x128xi1>
    %select_n3A_963 = arith.select %broadcast_in_dim3A_962, %concatenate3A_956, %concatenate3A_960 : vector<512x128xi1>, vector<512x128xi32>
    %min3A_964 = arith.minimumf %select_n3A_926, %select_n3A_952 : vector<512x128xf32>
    %max3A_965 = arith.maximumf %select_n3A_926, %select_n3A_952 : vector<512x128xf32>
    %broadcast_in_dim3A_966 = vector.shape_cast %ne3A_941 : vector<512x1xi1> to vector<512x1xi1>
    %broadcast_in_dim3A_967 = vector.broadcast %broadcast_in_dim3A_966 : vector<512x1xi1> to vector<512x128xi1>
    %select_n3A_968 = arith.select %broadcast_in_dim3A_967, %min3A_964, %max3A_965 : vector<512x128xi1>, vector<512x128xf32>
    %eq3A_969 = arith.cmpf oeq, %select_n3A_968, %select_n3A_926 : vector<512x128xf32>
    %select_n3A_970 = arith.select %eq3A_969, %select_n3A_928, %select_n3A_963 : vector<512x128xi1>, vector<512x128xi32>
    %and3A_971 = arith.constant 16 : i32
    %and3A_972 = vector.broadcast %and3A_971 : i32 to vector<512x1xi32>
    %and3A_973 = arith.andi %iota3A_12, %and3A_972 : vector<512x1xi32>
    %ne3A_974 = arith.constant 0 : i32
    %ne3A_975 = vector.broadcast %ne3A_974 : i32 to vector<512x1xi32>
    %ne3A_976 = arith.cmpi ne, %and3A_973, %ne3A_975 : vector<512x1xi32>
    %and3A_977 = arith.constant 128 : i32
    %and3A_978 = vector.broadcast %and3A_977 : i32 to vector<512x1xi32>
    %and3A_979 = arith.andi %iota3A_12, %and3A_978 : vector<512x1xi32>
    %eq3A_980 = arith.constant 0 : i32
    %eq3A_981 = vector.broadcast %eq3A_980 : i32 to vector<512x1xi32>
    %eq3A_982 = arith.cmpi eq, %and3A_979, %eq3A_981 : vector<512x1xi32>
    %ne3A_983 = arith.xori %eq3A_982, %ne3A_976 : vector<512x1xi1>
    %broadcast_in_dim3A_984 = arith.constant 0.000000e+00 : f32
    %broadcast_in_dim3A_985 = vector.broadcast %broadcast_in_dim3A_984 : f32 to vector<16x128xf32>
    %slice3A_986 = vector.extract_strided_slice %select_n3A_968 {offsets = [0, 0], sizes = [496, 128], strides = [1, 1]} : vector<512x128xf32> to vector<496x128xf32>
    %concatenate3A_987 = tpu.concatenate %broadcast_in_dim3A_985, %slice3A_986 in 0 : vector<16x128xf32>, vector<496x128xf32> -> vector<512x128xf32>
    %broadcast_in_dim3A_988 = arith.constant 0.000000e+00 : f32
    %broadcast_in_dim3A_989 = vector.broadcast %broadcast_in_dim3A_988 : f32 to vector<16x128xf32>
    %slice3A_990 = vector.extract_strided_slice %select_n3A_968 {offsets = [16, 0], sizes = [496, 128], strides = [1, 1]} : vector<512x128xf32> to vector<496x128xf32>
    %concatenate3A_991 = tpu.concatenate %slice3A_990, %broadcast_in_dim3A_989 in 0 : vector<496x128xf32>, vector<16x128xf32> -> vector<512x128xf32>
    %broadcast_in_dim3A_992 = vector.shape_cast %ne3A_976 : vector<512x1xi1> to vector<512x1xi1>
    %broadcast_in_dim3A_993 = vector.broadcast %broadcast_in_dim3A_992 : vector<512x1xi1> to vector<512x128xi1>
    %select_n3A_994 = arith.select %broadcast_in_dim3A_993, %concatenate3A_987, %concatenate3A_991 : vector<512x128xi1>, vector<512x128xf32>
    %broadcast_in_dim3A_995 = arith.constant 0 : i32
    %broadcast_in_dim3A_996 = vector.broadcast %broadcast_in_dim3A_995 : i32 to vector<16x128xi32>
    %slice3A_997 = vector.extract_strided_slice %select_n3A_970 {offsets = [0, 0], sizes = [496, 128], strides = [1, 1]} : vector<512x128xi32> to vector<496x128xi32>
    %concatenate3A_998 = tpu.concatenate %broadcast_in_dim3A_996, %slice3A_997 in 0 : vector<16x128xi32>, vector<496x128xi32> -> vector<512x128xi32>
    %broadcast_in_dim3A_999 = arith.constant 0 : i32
    %broadcast_in_dim3A_1000 = vector.broadcast %broadcast_in_dim3A_999 : i32 to vector<16x128xi32>
    %slice3A_1001 = vector.extract_strided_slice %select_n3A_970 {offsets = [16, 0], sizes = [496, 128], strides = [1, 1]} : vector<512x128xi32> to vector<496x128xi32>
    %concatenate3A_1002 = tpu.concatenate %slice3A_1001, %broadcast_in_dim3A_1000 in 0 : vector<496x128xi32>, vector<16x128xi32> -> vector<512x128xi32>
    %broadcast_in_dim3A_1003 = vector.shape_cast %ne3A_976 : vector<512x1xi1> to vector<512x1xi1>
    %broadcast_in_dim3A_1004 = vector.broadcast %broadcast_in_dim3A_1003 : vector<512x1xi1> to vector<512x128xi1>
    %select_n3A_1005 = arith.select %broadcast_in_dim3A_1004, %concatenate3A_998, %concatenate3A_1002 : vector<512x128xi1>, vector<512x128xi32>
    %min3A_1006 = arith.minimumf %select_n3A_968, %select_n3A_994 : vector<512x128xf32>
    %max3A_1007 = arith.maximumf %select_n3A_968, %select_n3A_994 : vector<512x128xf32>
    %broadcast_in_dim3A_1008 = vector.shape_cast %ne3A_983 : vector<512x1xi1> to vector<512x1xi1>
    %broadcast_in_dim3A_1009 = vector.broadcast %broadcast_in_dim3A_1008 : vector<512x1xi1> to vector<512x128xi1>
    %select_n3A_1010 = arith.select %broadcast_in_dim3A_1009, %min3A_1006, %max3A_1007 : vector<512x128xi1>, vector<512x128xf32>
    %eq3A_1011 = arith.cmpf oeq, %select_n3A_1010, %select_n3A_968 : vector<512x128xf32>
    %select_n3A_1012 = arith.select %eq3A_1011, %select_n3A_970, %select_n3A_1005 : vector<512x128xi1>, vector<512x128xi32>
    %and3A_1013 = arith.constant 8 : i32
    %and3A_1014 = vector.broadcast %and3A_1013 : i32 to vector<512x1xi32>
    %and3A_1015 = arith.andi %iota3A_12, %and3A_1014 : vector<512x1xi32>
    %ne3A_1016 = arith.constant 0 : i32
    %ne3A_1017 = vector.broadcast %ne3A_1016 : i32 to vector<512x1xi32>
    %ne3A_1018 = arith.cmpi ne, %and3A_1015, %ne3A_1017 : vector<512x1xi32>
    %and3A_1019 = arith.constant 128 : i32
    %and3A_1020 = vector.broadcast %and3A_1019 : i32 to vector<512x1xi32>
    %and3A_1021 = arith.andi %iota3A_12, %and3A_1020 : vector<512x1xi32>
    %eq3A_1022 = arith.constant 0 : i32
    %eq3A_1023 = vector.broadcast %eq3A_1022 : i32 to vector<512x1xi32>
    %eq3A_1024 = arith.cmpi eq, %and3A_1021, %eq3A_1023 : vector<512x1xi32>
    %ne3A_1025 = arith.xori %eq3A_1024, %ne3A_1018 : vector<512x1xi1>
    %broadcast_in_dim3A_1026 = arith.constant 0.000000e+00 : f32
    %broadcast_in_dim3A_1027 = vector.broadcast %broadcast_in_dim3A_1026 : f32 to vector<8x128xf32>
    %slice3A_1028 = vector.extract_strided_slice %select_n3A_1010 {offsets = [0, 0], sizes = [504, 128], strides = [1, 1]} : vector<512x128xf32> to vector<504x128xf32>
    %concatenate3A_1029 = tpu.concatenate %broadcast_in_dim3A_1027, %slice3A_1028 in 0 : vector<8x128xf32>, vector<504x128xf32> -> vector<512x128xf32>
    %broadcast_in_dim3A_1030 = arith.constant 0.000000e+00 : f32
    %broadcast_in_dim3A_1031 = vector.broadcast %broadcast_in_dim3A_1030 : f32 to vector<8x128xf32>
    %slice3A_1032 = vector.extract_strided_slice %select_n3A_1010 {offsets = [8, 0], sizes = [504, 128], strides = [1, 1]} : vector<512x128xf32> to vector<504x128xf32>
    %concatenate3A_1033 = tpu.concatenate %slice3A_1032, %broadcast_in_dim3A_1031 in 0 : vector<504x128xf32>, vector<8x128xf32> -> vector<512x128xf32>
    %broadcast_in_dim3A_1034 = vector.shape_cast %ne3A_1018 : vector<512x1xi1> to vector<512x1xi1>
    %broadcast_in_dim3A_1035 = vector.broadcast %broadcast_in_dim3A_1034 : vector<512x1xi1> to vector<512x128xi1>
    %select_n3A_1036 = arith.select %broadcast_in_dim3A_1035, %concatenate3A_1029, %concatenate3A_1033 : vector<512x128xi1>, vector<512x128xf32>
    %broadcast_in_dim3A_1037 = arith.constant 0 : i32
    %broadcast_in_dim3A_1038 = vector.broadcast %broadcast_in_dim3A_1037 : i32 to vector<8x128xi32>
    %slice3A_1039 = vector.extract_strided_slice %select_n3A_1012 {offsets = [0, 0], sizes = [504, 128], strides = [1, 1]} : vector<512x128xi32> to vector<504x128xi32>
    %concatenate3A_1040 = tpu.concatenate %broadcast_in_dim3A_1038, %slice3A_1039 in 0 : vector<8x128xi32>, vector<504x128xi32> -> vector<512x128xi32>
    %broadcast_in_dim3A_1041 = arith.constant 0 : i32
    %broadcast_in_dim3A_1042 = vector.broadcast %broadcast_in_dim3A_1041 : i32 to vector<8x128xi32>
    %slice3A_1043 = vector.extract_strided_slice %select_n3A_1012 {offsets = [8, 0], sizes = [504, 128], strides = [1, 1]} : vector<512x128xi32> to vector<504x128xi32>
    %concatenate3A_1044 = tpu.concatenate %slice3A_1043, %broadcast_in_dim3A_1042 in 0 : vector<504x128xi32>, vector<8x128xi32> -> vector<512x128xi32>
    %broadcast_in_dim3A_1045 = vector.shape_cast %ne3A_1018 : vector<512x1xi1> to vector<512x1xi1>
    %broadcast_in_dim3A_1046 = vector.broadcast %broadcast_in_dim3A_1045 : vector<512x1xi1> to vector<512x128xi1>
    %select_n3A_1047 = arith.select %broadcast_in_dim3A_1046, %concatenate3A_1040, %concatenate3A_1044 : vector<512x128xi1>, vector<512x128xi32>
    %min3A_1048 = arith.minimumf %select_n3A_1010, %select_n3A_1036 : vector<512x128xf32>
    %max3A_1049 = arith.maximumf %select_n3A_1010, %select_n3A_1036 : vector<512x128xf32>
    %broadcast_in_dim3A_1050 = vector.shape_cast %ne3A_1025 : vector<512x1xi1> to vector<512x1xi1>
    %broadcast_in_dim3A_1051 = vector.broadcast %broadcast_in_dim3A_1050 : vector<512x1xi1> to vector<512x128xi1>
    %select_n3A_1052 = arith.select %broadcast_in_dim3A_1051, %min3A_1048, %max3A_1049 : vector<512x128xi1>, vector<512x128xf32>
    %eq3A_1053 = arith.cmpf oeq, %select_n3A_1052, %select_n3A_1010 : vector<512x128xf32>
    %select_n3A_1054 = arith.select %eq3A_1053, %select_n3A_1012, %select_n3A_1047 : vector<512x128xi1>, vector<512x128xi32>
    %and3A_1055 = arith.constant 4 : i32
    %and3A_1056 = vector.broadcast %and3A_1055 : i32 to vector<512x1xi32>
    %and3A_1057 = arith.andi %iota3A_12, %and3A_1056 : vector<512x1xi32>
    %ne3A_1058 = arith.constant 0 : i32
    %ne3A_1059 = vector.broadcast %ne3A_1058 : i32 to vector<512x1xi32>
    %ne3A_1060 = arith.cmpi ne, %and3A_1057, %ne3A_1059 : vector<512x1xi32>
    %and3A_1061 = arith.constant 128 : i32
    %and3A_1062 = vector.broadcast %and3A_1061 : i32 to vector<512x1xi32>
    %and3A_1063 = arith.andi %iota3A_12, %and3A_1062 : vector<512x1xi32>
    %eq3A_1064 = arith.constant 0 : i32
    %eq3A_1065 = vector.broadcast %eq3A_1064 : i32 to vector<512x1xi32>
    %eq3A_1066 = arith.cmpi eq, %and3A_1063, %eq3A_1065 : vector<512x1xi32>
    %ne3A_1067 = arith.xori %eq3A_1066, %ne3A_1060 : vector<512x1xi1>
    %broadcast_in_dim3A_1068 = arith.constant 0.000000e+00 : f32
    %broadcast_in_dim3A_1069 = vector.broadcast %broadcast_in_dim3A_1068 : f32 to vector<4x128xf32>
    %slice3A_1070 = vector.extract_strided_slice %select_n3A_1052 {offsets = [0, 0], sizes = [508, 128], strides = [1, 1]} : vector<512x128xf32> to vector<508x128xf32>
    %concatenate3A_1071 = tpu.concatenate %broadcast_in_dim3A_1069, %slice3A_1070 in 0 : vector<4x128xf32>, vector<508x128xf32> -> vector<512x128xf32>
    %broadcast_in_dim3A_1072 = arith.constant 0.000000e+00 : f32
    %broadcast_in_dim3A_1073 = vector.broadcast %broadcast_in_dim3A_1072 : f32 to vector<4x128xf32>
    %slice3A_1074 = vector.extract_strided_slice %select_n3A_1052 {offsets = [4, 0], sizes = [508, 128], strides = [1, 1]} : vector<512x128xf32> to vector<508x128xf32>
    %concatenate3A_1075 = tpu.concatenate %slice3A_1074, %broadcast_in_dim3A_1073 in 0 : vector<508x128xf32>, vector<4x128xf32> -> vector<512x128xf32>
    %broadcast_in_dim3A_1076 = vector.shape_cast %ne3A_1060 : vector<512x1xi1> to vector<512x1xi1>
    %broadcast_in_dim3A_1077 = vector.broadcast %broadcast_in_dim3A_1076 : vector<512x1xi1> to vector<512x128xi1>
    %select_n3A_1078 = arith.select %broadcast_in_dim3A_1077, %concatenate3A_1071, %concatenate3A_1075 : vector<512x128xi1>, vector<512x128xf32>
    %broadcast_in_dim3A_1079 = arith.constant 0 : i32
    %broadcast_in_dim3A_1080 = vector.broadcast %broadcast_in_dim3A_1079 : i32 to vector<4x128xi32>
    %slice3A_1081 = vector.extract_strided_slice %select_n3A_1054 {offsets = [0, 0], sizes = [508, 128], strides = [1, 1]} : vector<512x128xi32> to vector<508x128xi32>
    %concatenate3A_1082 = tpu.concatenate %broadcast_in_dim3A_1080, %slice3A_1081 in 0 : vector<4x128xi32>, vector<508x128xi32> -> vector<512x128xi32>
    %broadcast_in_dim3A_1083 = arith.constant 0 : i32
    %broadcast_in_dim3A_1084 = vector.broadcast %broadcast_in_dim3A_1083 : i32 to vector<4x128xi32>
    %slice3A_1085 = vector.extract_strided_slice %select_n3A_1054 {offsets = [4, 0], sizes = [508, 128], strides = [1, 1]} : vector<512x128xi32> to vector<508x128xi32>
    %concatenate3A_1086 = tpu.concatenate %slice3A_1085, %broadcast_in_dim3A_1084 in 0 : vector<508x128xi32>, vector<4x128xi32> -> vector<512x128xi32>
    %broadcast_in_dim3A_1087 = vector.shape_cast %ne3A_1060 : vector<512x1xi1> to vector<512x1xi1>
    %broadcast_in_dim3A_1088 = vector.broadcast %broadcast_in_dim3A_1087 : vector<512x1xi1> to vector<512x128xi1>
    %select_n3A_1089 = arith.select %broadcast_in_dim3A_1088, %concatenate3A_1082, %concatenate3A_1086 : vector<512x128xi1>, vector<512x128xi32>
    %min3A_1090 = arith.minimumf %select_n3A_1052, %select_n3A_1078 : vector<512x128xf32>
    %max3A_1091 = arith.maximumf %select_n3A_1052, %select_n3A_1078 : vector<512x128xf32>
    %broadcast_in_dim3A_1092 = vector.shape_cast %ne3A_1067 : vector<512x1xi1> to vector<512x1xi1>
    %broadcast_in_dim3A_1093 = vector.broadcast %broadcast_in_dim3A_1092 : vector<512x1xi1> to vector<512x128xi1>
    %select_n3A_1094 = arith.select %broadcast_in_dim3A_1093, %min3A_1090, %max3A_1091 : vector<512x128xi1>, vector<512x128xf32>
    %eq3A_1095 = arith.cmpf oeq, %select_n3A_1094, %select_n3A_1052 : vector<512x128xf32>
    %select_n3A_1096 = arith.select %eq3A_1095, %select_n3A_1054, %select_n3A_1089 : vector<512x128xi1>, vector<512x128xi32>
    %and3A_1097 = arith.constant 2 : i32
    %and3A_1098 = vector.broadcast %and3A_1097 : i32 to vector<512x1xi32>
    %and3A_1099 = arith.andi %iota3A_12, %and3A_1098 : vector<512x1xi32>
    %ne3A_1100 = arith.constant 0 : i32
    %ne3A_1101 = vector.broadcast %ne3A_1100 : i32 to vector<512x1xi32>
    %ne3A_1102 = arith.cmpi ne, %and3A_1099, %ne3A_1101 : vector<512x1xi32>
    %and3A_1103 = arith.constant 128 : i32
    %and3A_1104 = vector.broadcast %and3A_1103 : i32 to vector<512x1xi32>
    %and3A_1105 = arith.andi %iota3A_12, %and3A_1104 : vector<512x1xi32>
    %eq3A_1106 = arith.constant 0 : i32
    %eq3A_1107 = vector.broadcast %eq3A_1106 : i32 to vector<512x1xi32>
    %eq3A_1108 = arith.cmpi eq, %and3A_1105, %eq3A_1107 : vector<512x1xi32>
    %ne3A_1109 = arith.xori %eq3A_1108, %ne3A_1102 : vector<512x1xi1>
    %broadcast_in_dim3A_1110 = arith.constant 0.000000e+00 : f32
    %broadcast_in_dim3A_1111 = vector.broadcast %broadcast_in_dim3A_1110 : f32 to vector<2x128xf32>
    %slice3A_1112 = vector.extract_strided_slice %select_n3A_1094 {offsets = [0, 0], sizes = [510, 128], strides = [1, 1]} : vector<512x128xf32> to vector<510x128xf32>
    %concatenate3A_1113 = tpu.concatenate %broadcast_in_dim3A_1111, %slice3A_1112 in 0 : vector<2x128xf32>, vector<510x128xf32> -> vector<512x128xf32>
    %broadcast_in_dim3A_1114 = arith.constant 0.000000e+00 : f32
    %broadcast_in_dim3A_1115 = vector.broadcast %broadcast_in_dim3A_1114 : f32 to vector<2x128xf32>
    %slice3A_1116 = vector.extract_strided_slice %select_n3A_1094 {offsets = [2, 0], sizes = [510, 128], strides = [1, 1]} : vector<512x128xf32> to vector<510x128xf32>
    %concatenate3A_1117 = tpu.concatenate %slice3A_1116, %broadcast_in_dim3A_1115 in 0 : vector<510x128xf32>, vector<2x128xf32> -> vector<512x128xf32>
    %broadcast_in_dim3A_1118 = vector.shape_cast %ne3A_1102 : vector<512x1xi1> to vector<512x1xi1>
    %broadcast_in_dim3A_1119 = vector.broadcast %broadcast_in_dim3A_1118 : vector<512x1xi1> to vector<512x128xi1>
    %select_n3A_1120 = arith.select %broadcast_in_dim3A_1119, %concatenate3A_1113, %concatenate3A_1117 : vector<512x128xi1>, vector<512x128xf32>
    %broadcast_in_dim3A_1121 = arith.constant 0 : i32
    %broadcast_in_dim3A_1122 = vector.broadcast %broadcast_in_dim3A_1121 : i32 to vector<2x128xi32>
    %slice3A_1123 = vector.extract_strided_slice %select_n3A_1096 {offsets = [0, 0], sizes = [510, 128], strides = [1, 1]} : vector<512x128xi32> to vector<510x128xi32>
    %concatenate3A_1124 = tpu.concatenate %broadcast_in_dim3A_1122, %slice3A_1123 in 0 : vector<2x128xi32>, vector<510x128xi32> -> vector<512x128xi32>
    %broadcast_in_dim3A_1125 = arith.constant 0 : i32
    %broadcast_in_dim3A_1126 = vector.broadcast %broadcast_in_dim3A_1125 : i32 to vector<2x128xi32>
    %slice3A_1127 = vector.extract_strided_slice %select_n3A_1096 {offsets = [2, 0], sizes = [510, 128], strides = [1, 1]} : vector<512x128xi32> to vector<510x128xi32>
    %concatenate3A_1128 = tpu.concatenate %slice3A_1127, %broadcast_in_dim3A_1126 in 0 : vector<510x128xi32>, vector<2x128xi32> -> vector<512x128xi32>
    %broadcast_in_dim3A_1129 = vector.shape_cast %ne3A_1102 : vector<512x1xi1> to vector<512x1xi1>
    %broadcast_in_dim3A_1130 = vector.broadcast %broadcast_in_dim3A_1129 : vector<512x1xi1> to vector<512x128xi1>
    %select_n3A_1131 = arith.select %broadcast_in_dim3A_1130, %concatenate3A_1124, %concatenate3A_1128 : vector<512x128xi1>, vector<512x128xi32>
    %min3A_1132 = arith.minimumf %select_n3A_1094, %select_n3A_1120 : vector<512x128xf32>
    %max3A_1133 = arith.maximumf %select_n3A_1094, %select_n3A_1120 : vector<512x128xf32>
    %broadcast_in_dim3A_1134 = vector.shape_cast %ne3A_1109 : vector<512x1xi1> to vector<512x1xi1>
    %broadcast_in_dim3A_1135 = vector.broadcast %broadcast_in_dim3A_1134 : vector<512x1xi1> to vector<512x128xi1>
    %select_n3A_1136 = arith.select %broadcast_in_dim3A_1135, %min3A_1132, %max3A_1133 : vector<512x128xi1>, vector<512x128xf32>
    %eq3A_1137 = arith.cmpf oeq, %select_n3A_1136, %select_n3A_1094 : vector<512x128xf32>
    %select_n3A_1138 = arith.select %eq3A_1137, %select_n3A_1096, %select_n3A_1131 : vector<512x128xi1>, vector<512x128xi32>
    %and3A_1139 = arith.constant 1 : i32
    %and3A_1140 = vector.broadcast %and3A_1139 : i32 to vector<512x1xi32>
    %and3A_1141 = arith.andi %iota3A_12, %and3A_1140 : vector<512x1xi32>
    %ne3A_1142 = arith.constant 0 : i32
    %ne3A_1143 = vector.broadcast %ne3A_1142 : i32 to vector<512x1xi32>
    %ne3A_1144 = arith.cmpi ne, %and3A_1141, %ne3A_1143 : vector<512x1xi32>
    %and3A_1145 = arith.constant 128 : i32
    %and3A_1146 = vector.broadcast %and3A_1145 : i32 to vector<512x1xi32>
    %and3A_1147 = arith.andi %iota3A_12, %and3A_1146 : vector<512x1xi32>
    %eq3A_1148 = arith.constant 0 : i32
    %eq3A_1149 = vector.broadcast %eq3A_1148 : i32 to vector<512x1xi32>
    %eq3A_1150 = arith.cmpi eq, %and3A_1147, %eq3A_1149 : vector<512x1xi32>
    %ne3A_1151 = arith.xori %eq3A_1150, %ne3A_1144 : vector<512x1xi1>
    %broadcast_in_dim3A_1152 = arith.constant 0.000000e+00 : f32
    %broadcast_in_dim3A_1153 = vector.broadcast %broadcast_in_dim3A_1152 : f32 to vector<1x128xf32>
    %slice3A_1154 = vector.extract_strided_slice %select_n3A_1136 {offsets = [0, 0], sizes = [511, 128], strides = [1, 1]} : vector<512x128xf32> to vector<511x128xf32>
    %concatenate3A_1155 = tpu.concatenate %broadcast_in_dim3A_1153, %slice3A_1154 in 0 : vector<1x128xf32>, vector<511x128xf32> -> vector<512x128xf32>
    %broadcast_in_dim3A_1156 = arith.constant 0.000000e+00 : f32
    %broadcast_in_dim3A_1157 = vector.broadcast %broadcast_in_dim3A_1156 : f32 to vector<1x128xf32>
    %slice3A_1158 = vector.extract_strided_slice %select_n3A_1136 {offsets = [1, 0], sizes = [511, 128], strides = [1, 1]} : vector<512x128xf32> to vector<511x128xf32>
    %concatenate3A_1159 = tpu.concatenate %slice3A_1158, %broadcast_in_dim3A_1157 in 0 : vector<511x128xf32>, vector<1x128xf32> -> vector<512x128xf32>
    %broadcast_in_dim3A_1160 = vector.shape_cast %ne3A_1144 : vector<512x1xi1> to vector<512x1xi1>
    %broadcast_in_dim3A_1161 = vector.broadcast %broadcast_in_dim3A_1160 : vector<512x1xi1> to vector<512x128xi1>
    %select_n3A_1162 = arith.select %broadcast_in_dim3A_1161, %concatenate3A_1155, %concatenate3A_1159 : vector<512x128xi1>, vector<512x128xf32>
    %broadcast_in_dim3A_1163 = arith.constant 0 : i32
    %broadcast_in_dim3A_1164 = vector.broadcast %broadcast_in_dim3A_1163 : i32 to vector<1x128xi32>
    %slice3A_1165 = vector.extract_strided_slice %select_n3A_1138 {offsets = [0, 0], sizes = [511, 128], strides = [1, 1]} : vector<512x128xi32> to vector<511x128xi32>
    %concatenate3A_1166 = tpu.concatenate %broadcast_in_dim3A_1164, %slice3A_1165 in 0 : vector<1x128xi32>, vector<511x128xi32> -> vector<512x128xi32>
    %broadcast_in_dim3A_1167 = arith.constant 0 : i32
    %broadcast_in_dim3A_1168 = vector.broadcast %broadcast_in_dim3A_1167 : i32 to vector<1x128xi32>
    %slice3A_1169 = vector.extract_strided_slice %select_n3A_1138 {offsets = [1, 0], sizes = [511, 128], strides = [1, 1]} : vector<512x128xi32> to vector<511x128xi32>
    %concatenate3A_1170 = tpu.concatenate %slice3A_1169, %broadcast_in_dim3A_1168 in 0 : vector<511x128xi32>, vector<1x128xi32> -> vector<512x128xi32>
    %broadcast_in_dim3A_1171 = vector.shape_cast %ne3A_1144 : vector<512x1xi1> to vector<512x1xi1>
    %broadcast_in_dim3A_1172 = vector.broadcast %broadcast_in_dim3A_1171 : vector<512x1xi1> to vector<512x128xi1>
    %select_n3A_1173 = arith.select %broadcast_in_dim3A_1172, %concatenate3A_1166, %concatenate3A_1170 : vector<512x128xi1>, vector<512x128xi32>
    %min3A_1174 = arith.minimumf %select_n3A_1136, %select_n3A_1162 : vector<512x128xf32>
    %max3A_1175 = arith.maximumf %select_n3A_1136, %select_n3A_1162 : vector<512x128xf32>
    %broadcast_in_dim3A_1176 = vector.shape_cast %ne3A_1151 : vector<512x1xi1> to vector<512x1xi1>
    %broadcast_in_dim3A_1177 = vector.broadcast %broadcast_in_dim3A_1176 : vector<512x1xi1> to vector<512x128xi1>
    %select_n3A_1178 = arith.select %broadcast_in_dim3A_1177, %min3A_1174, %max3A_1175 : vector<512x128xi1>, vector<512x128xf32>
    %eq3A_1179 = arith.cmpf oeq, %select_n3A_1178, %select_n3A_1136 : vector<512x128xf32>
    %select_n3A_1180 = arith.select %eq3A_1179, %select_n3A_1138, %select_n3A_1173 : vector<512x128xi1>, vector<512x128xi32>
    %and3A_1181 = arith.constant 128 : i32
    %and3A_1182 = vector.broadcast %and3A_1181 : i32 to vector<512x1xi32>
    %and3A_1183 = arith.andi %iota3A_12, %and3A_1182 : vector<512x1xi32>
    %ne3A_1184 = arith.constant 0 : i32
    %ne3A_1185 = vector.broadcast %ne3A_1184 : i32 to vector<512x1xi32>
    %ne3A_1186 = arith.cmpi ne, %and3A_1183, %ne3A_1185 : vector<512x1xi32>
    %and3A_1187 = arith.constant 256 : i32
    %and3A_1188 = vector.broadcast %and3A_1187 : i32 to vector<512x1xi32>
    %and3A_1189 = arith.andi %iota3A_12, %and3A_1188 : vector<512x1xi32>
    %eq3A_1190 = arith.constant 0 : i32
    %eq3A_1191 = vector.broadcast %eq3A_1190 : i32 to vector<512x1xi32>
    %eq3A_1192 = arith.cmpi eq, %and3A_1189, %eq3A_1191 : vector<512x1xi32>
    %ne3A_1193 = arith.xori %eq3A_1192, %ne3A_1186 : vector<512x1xi1>
    %broadcast_in_dim3A_1194 = arith.constant 0.000000e+00 : f32
    %broadcast_in_dim3A_1195 = vector.broadcast %broadcast_in_dim3A_1194 : f32 to vector<128x128xf32>
    %slice3A_1196 = vector.extract_strided_slice %select_n3A_1178 {offsets = [0, 0], sizes = [384, 128], strides = [1, 1]} : vector<512x128xf32> to vector<384x128xf32>
    %concatenate3A_1197 = tpu.concatenate %broadcast_in_dim3A_1195, %slice3A_1196 in 0 : vector<128x128xf32>, vector<384x128xf32> -> vector<512x128xf32>
    %broadcast_in_dim3A_1198 = arith.constant 0.000000e+00 : f32
    %broadcast_in_dim3A_1199 = vector.broadcast %broadcast_in_dim3A_1198 : f32 to vector<128x128xf32>
    %slice3A_1200 = vector.extract_strided_slice %select_n3A_1178 {offsets = [128, 0], sizes = [384, 128], strides = [1, 1]} : vector<512x128xf32> to vector<384x128xf32>
    %concatenate3A_1201 = tpu.concatenate %slice3A_1200, %broadcast_in_dim3A_1199 in 0 : vector<384x128xf32>, vector<128x128xf32> -> vector<512x128xf32>
    %broadcast_in_dim3A_1202 = vector.shape_cast %ne3A_1186 : vector<512x1xi1> to vector<512x1xi1>
    %broadcast_in_dim3A_1203 = vector.broadcast %broadcast_in_dim3A_1202 : vector<512x1xi1> to vector<512x128xi1>
    %select_n3A_1204 = arith.select %broadcast_in_dim3A_1203, %concatenate3A_1197, %concatenate3A_1201 : vector<512x128xi1>, vector<512x128xf32>
    %broadcast_in_dim3A_1205 = arith.constant 0 : i32
    %broadcast_in_dim3A_1206 = vector.broadcast %broadcast_in_dim3A_1205 : i32 to vector<128x128xi32>
    %slice3A_1207 = vector.extract_strided_slice %select_n3A_1180 {offsets = [0, 0], sizes = [384, 128], strides = [1, 1]} : vector<512x128xi32> to vector<384x128xi32>
    %concatenate3A_1208 = tpu.concatenate %broadcast_in_dim3A_1206, %slice3A_1207 in 0 : vector<128x128xi32>, vector<384x128xi32> -> vector<512x128xi32>
    %broadcast_in_dim3A_1209 = arith.constant 0 : i32
    %broadcast_in_dim3A_1210 = vector.broadcast %broadcast_in_dim3A_1209 : i32 to vector<128x128xi32>
    %slice3A_1211 = vector.extract_strided_slice %select_n3A_1180 {offsets = [128, 0], sizes = [384, 128], strides = [1, 1]} : vector<512x128xi32> to vector<384x128xi32>
    %concatenate3A_1212 = tpu.concatenate %slice3A_1211, %broadcast_in_dim3A_1210 in 0 : vector<384x128xi32>, vector<128x128xi32> -> vector<512x128xi32>
    %broadcast_in_dim3A_1213 = vector.shape_cast %ne3A_1186 : vector<512x1xi1> to vector<512x1xi1>
    %broadcast_in_dim3A_1214 = vector.broadcast %broadcast_in_dim3A_1213 : vector<512x1xi1> to vector<512x128xi1>
    %select_n3A_1215 = arith.select %broadcast_in_dim3A_1214, %concatenate3A_1208, %concatenate3A_1212 : vector<512x128xi1>, vector<512x128xi32>
    %min3A_1216 = arith.minimumf %select_n3A_1178, %select_n3A_1204 : vector<512x128xf32>
    %max3A_1217 = arith.maximumf %select_n3A_1178, %select_n3A_1204 : vector<512x128xf32>
    %broadcast_in_dim3A_1218 = vector.shape_cast %ne3A_1193 : vector<512x1xi1> to vector<512x1xi1>
    %broadcast_in_dim3A_1219 = vector.broadcast %broadcast_in_dim3A_1218 : vector<512x1xi1> to vector<512x128xi1>
    %select_n3A_1220 = arith.select %broadcast_in_dim3A_1219, %min3A_1216, %max3A_1217 : vector<512x128xi1>, vector<512x128xf32>
    %eq3A_1221 = arith.cmpf oeq, %select_n3A_1220, %select_n3A_1178 : vector<512x128xf32>
    %select_n3A_1222 = arith.select %eq3A_1221, %select_n3A_1180, %select_n3A_1215 : vector<512x128xi1>, vector<512x128xi32>
    %and3A_1223 = arith.constant 64 : i32
    %and3A_1224 = vector.broadcast %and3A_1223 : i32 to vector<512x1xi32>
    %and3A_1225 = arith.andi %iota3A_12, %and3A_1224 : vector<512x1xi32>
    %ne3A_1226 = arith.constant 0 : i32
    %ne3A_1227 = vector.broadcast %ne3A_1226 : i32 to vector<512x1xi32>
    %ne3A_1228 = arith.cmpi ne, %and3A_1225, %ne3A_1227 : vector<512x1xi32>
    %and3A_1229 = arith.constant 256 : i32
    %and3A_1230 = vector.broadcast %and3A_1229 : i32 to vector<512x1xi32>
    %and3A_1231 = arith.andi %iota3A_12, %and3A_1230 : vector<512x1xi32>
    %eq3A_1232 = arith.constant 0 : i32
    %eq3A_1233 = vector.broadcast %eq3A_1232 : i32 to vector<512x1xi32>
    %eq3A_1234 = arith.cmpi eq, %and3A_1231, %eq3A_1233 : vector<512x1xi32>
    %ne3A_1235 = arith.xori %eq3A_1234, %ne3A_1228 : vector<512x1xi1>
    %broadcast_in_dim3A_1236 = arith.constant 0.000000e+00 : f32
    %broadcast_in_dim3A_1237 = vector.broadcast %broadcast_in_dim3A_1236 : f32 to vector<64x128xf32>
    %slice3A_1238 = vector.extract_strided_slice %select_n3A_1220 {offsets = [0, 0], sizes = [448, 128], strides = [1, 1]} : vector<512x128xf32> to vector<448x128xf32>
    %concatenate3A_1239 = tpu.concatenate %broadcast_in_dim3A_1237, %slice3A_1238 in 0 : vector<64x128xf32>, vector<448x128xf32> -> vector<512x128xf32>
    %broadcast_in_dim3A_1240 = arith.constant 0.000000e+00 : f32
    %broadcast_in_dim3A_1241 = vector.broadcast %broadcast_in_dim3A_1240 : f32 to vector<64x128xf32>
    %slice3A_1242 = vector.extract_strided_slice %select_n3A_1220 {offsets = [64, 0], sizes = [448, 128], strides = [1, 1]} : vector<512x128xf32> to vector<448x128xf32>
    %concatenate3A_1243 = tpu.concatenate %slice3A_1242, %broadcast_in_dim3A_1241 in 0 : vector<448x128xf32>, vector<64x128xf32> -> vector<512x128xf32>
    %broadcast_in_dim3A_1244 = vector.shape_cast %ne3A_1228 : vector<512x1xi1> to vector<512x1xi1>
    %broadcast_in_dim3A_1245 = vector.broadcast %broadcast_in_dim3A_1244 : vector<512x1xi1> to vector<512x128xi1>
    %select_n3A_1246 = arith.select %broadcast_in_dim3A_1245, %concatenate3A_1239, %concatenate3A_1243 : vector<512x128xi1>, vector<512x128xf32>
    %broadcast_in_dim3A_1247 = arith.constant 0 : i32
    %broadcast_in_dim3A_1248 = vector.broadcast %broadcast_in_dim3A_1247 : i32 to vector<64x128xi32>
    %slice3A_1249 = vector.extract_strided_slice %select_n3A_1222 {offsets = [0, 0], sizes = [448, 128], strides = [1, 1]} : vector<512x128xi32> to vector<448x128xi32>
    %concatenate3A_1250 = tpu.concatenate %broadcast_in_dim3A_1248, %slice3A_1249 in 0 : vector<64x128xi32>, vector<448x128xi32> -> vector<512x128xi32>
    %broadcast_in_dim3A_1251 = arith.constant 0 : i32
    %broadcast_in_dim3A_1252 = vector.broadcast %broadcast_in_dim3A_1251 : i32 to vector<64x128xi32>
    %slice3A_1253 = vector.extract_strided_slice %select_n3A_1222 {offsets = [64, 0], sizes = [448, 128], strides = [1, 1]} : vector<512x128xi32> to vector<448x128xi32>
    %concatenate3A_1254 = tpu.concatenate %slice3A_1253, %broadcast_in_dim3A_1252 in 0 : vector<448x128xi32>, vector<64x128xi32> -> vector<512x128xi32>
    %broadcast_in_dim3A_1255 = vector.shape_cast %ne3A_1228 : vector<512x1xi1> to vector<512x1xi1>
    %broadcast_in_dim3A_1256 = vector.broadcast %broadcast_in_dim3A_1255 : vector<512x1xi1> to vector<512x128xi1>
    %select_n3A_1257 = arith.select %broadcast_in_dim3A_1256, %concatenate3A_1250, %concatenate3A_1254 : vector<512x128xi1>, vector<512x128xi32>
    %min3A_1258 = arith.minimumf %select_n3A_1220, %select_n3A_1246 : vector<512x128xf32>
    %max3A_1259 = arith.maximumf %select_n3A_1220, %select_n3A_1246 : vector<512x128xf32>
    %broadcast_in_dim3A_1260 = vector.shape_cast %ne3A_1235 : vector<512x1xi1> to vector<512x1xi1>
    %broadcast_in_dim3A_1261 = vector.broadcast %broadcast_in_dim3A_1260 : vector<512x1xi1> to vector<512x128xi1>
    %select_n3A_1262 = arith.select %broadcast_in_dim3A_1261, %min3A_1258, %max3A_1259 : vector<512x128xi1>, vector<512x128xf32>
    %eq3A_1263 = arith.cmpf oeq, %select_n3A_1262, %select_n3A_1220 : vector<512x128xf32>
    %select_n3A_1264 = arith.select %eq3A_1263, %select_n3A_1222, %select_n3A_1257 : vector<512x128xi1>, vector<512x128xi32>
    %and3A_1265 = arith.constant 32 : i32
    %and3A_1266 = vector.broadcast %and3A_1265 : i32 to vector<512x1xi32>
    %and3A_1267 = arith.andi %iota3A_12, %and3A_1266 : vector<512x1xi32>
    %ne3A_1268 = arith.constant 0 : i32
    %ne3A_1269 = vector.broadcast %ne3A_1268 : i32 to vector<512x1xi32>
    %ne3A_1270 = arith.cmpi ne, %and3A_1267, %ne3A_1269 : vector<512x1xi32>
    %and3A_1271 = arith.constant 256 : i32
    %and3A_1272 = vector.broadcast %and3A_1271 : i32 to vector<512x1xi32>
    %and3A_1273 = arith.andi %iota3A_12, %and3A_1272 : vector<512x1xi32>
    %eq3A_1274 = arith.constant 0 : i32
    %eq3A_1275 = vector.broadcast %eq3A_1274 : i32 to vector<512x1xi32>
    %eq3A_1276 = arith.cmpi eq, %and3A_1273, %eq3A_1275 : vector<512x1xi32>
    %ne3A_1277 = arith.xori %eq3A_1276, %ne3A_1270 : vector<512x1xi1>
    %broadcast_in_dim3A_1278 = arith.constant 0.000000e+00 : f32
    %broadcast_in_dim3A_1279 = vector.broadcast %broadcast_in_dim3A_1278 : f32 to vector<32x128xf32>
    %slice3A_1280 = vector.extract_strided_slice %select_n3A_1262 {offsets = [0, 0], sizes = [480, 128], strides = [1, 1]} : vector<512x128xf32> to vector<480x128xf32>
    %concatenate3A_1281 = tpu.concatenate %broadcast_in_dim3A_1279, %slice3A_1280 in 0 : vector<32x128xf32>, vector<480x128xf32> -> vector<512x128xf32>
    %broadcast_in_dim3A_1282 = arith.constant 0.000000e+00 : f32
    %broadcast_in_dim3A_1283 = vector.broadcast %broadcast_in_dim3A_1282 : f32 to vector<32x128xf32>
    %slice3A_1284 = vector.extract_strided_slice %select_n3A_1262 {offsets = [32, 0], sizes = [480, 128], strides = [1, 1]} : vector<512x128xf32> to vector<480x128xf32>
    %concatenate3A_1285 = tpu.concatenate %slice3A_1284, %broadcast_in_dim3A_1283 in 0 : vector<480x128xf32>, vector<32x128xf32> -> vector<512x128xf32>
    %broadcast_in_dim3A_1286 = vector.shape_cast %ne3A_1270 : vector<512x1xi1> to vector<512x1xi1>
    %broadcast_in_dim3A_1287 = vector.broadcast %broadcast_in_dim3A_1286 : vector<512x1xi1> to vector<512x128xi1>
    %select_n3A_1288 = arith.select %broadcast_in_dim3A_1287, %concatenate3A_1281, %concatenate3A_1285 : vector<512x128xi1>, vector<512x128xf32>
    %broadcast_in_dim3A_1289 = arith.constant 0 : i32
    %broadcast_in_dim3A_1290 = vector.broadcast %broadcast_in_dim3A_1289 : i32 to vector<32x128xi32>
    %slice3A_1291 = vector.extract_strided_slice %select_n3A_1264 {offsets = [0, 0], sizes = [480, 128], strides = [1, 1]} : vector<512x128xi32> to vector<480x128xi32>
    %concatenate3A_1292 = tpu.concatenate %broadcast_in_dim3A_1290, %slice3A_1291 in 0 : vector<32x128xi32>, vector<480x128xi32> -> vector<512x128xi32>
    %broadcast_in_dim3A_1293 = arith.constant 0 : i32
    %broadcast_in_dim3A_1294 = vector.broadcast %broadcast_in_dim3A_1293 : i32 to vector<32x128xi32>
    %slice3A_1295 = vector.extract_strided_slice %select_n3A_1264 {offsets = [32, 0], sizes = [480, 128], strides = [1, 1]} : vector<512x128xi32> to vector<480x128xi32>
    %concatenate3A_1296 = tpu.concatenate %slice3A_1295, %broadcast_in_dim3A_1294 in 0 : vector<480x128xi32>, vector<32x128xi32> -> vector<512x128xi32>
    %broadcast_in_dim3A_1297 = vector.shape_cast %ne3A_1270 : vector<512x1xi1> to vector<512x1xi1>
    %broadcast_in_dim3A_1298 = vector.broadcast %broadcast_in_dim3A_1297 : vector<512x1xi1> to vector<512x128xi1>
    %select_n3A_1299 = arith.select %broadcast_in_dim3A_1298, %concatenate3A_1292, %concatenate3A_1296 : vector<512x128xi1>, vector<512x128xi32>
    %min3A_1300 = arith.minimumf %select_n3A_1262, %select_n3A_1288 : vector<512x128xf32>
    %max3A_1301 = arith.maximumf %select_n3A_1262, %select_n3A_1288 : vector<512x128xf32>
    %broadcast_in_dim3A_1302 = vector.shape_cast %ne3A_1277 : vector<512x1xi1> to vector<512x1xi1>
    %broadcast_in_dim3A_1303 = vector.broadcast %broadcast_in_dim3A_1302 : vector<512x1xi1> to vector<512x128xi1>
    %select_n3A_1304 = arith.select %broadcast_in_dim3A_1303, %min3A_1300, %max3A_1301 : vector<512x128xi1>, vector<512x128xf32>
    %eq3A_1305 = arith.cmpf oeq, %select_n3A_1304, %select_n3A_1262 : vector<512x128xf32>
    %select_n3A_1306 = arith.select %eq3A_1305, %select_n3A_1264, %select_n3A_1299 : vector<512x128xi1>, vector<512x128xi32>
    %and3A_1307 = arith.constant 16 : i32
    %and3A_1308 = vector.broadcast %and3A_1307 : i32 to vector<512x1xi32>
    %and3A_1309 = arith.andi %iota3A_12, %and3A_1308 : vector<512x1xi32>
    %ne3A_1310 = arith.constant 0 : i32
    %ne3A_1311 = vector.broadcast %ne3A_1310 : i32 to vector<512x1xi32>
    %ne3A_1312 = arith.cmpi ne, %and3A_1309, %ne3A_1311 : vector<512x1xi32>
    %and3A_1313 = arith.constant 256 : i32
    %and3A_1314 = vector.broadcast %and3A_1313 : i32 to vector<512x1xi32>
    %and3A_1315 = arith.andi %iota3A_12, %and3A_1314 : vector<512x1xi32>
    %eq3A_1316 = arith.constant 0 : i32
    %eq3A_1317 = vector.broadcast %eq3A_1316 : i32 to vector<512x1xi32>
    %eq3A_1318 = arith.cmpi eq, %and3A_1315, %eq3A_1317 : vector<512x1xi32>
    %ne3A_1319 = arith.xori %eq3A_1318, %ne3A_1312 : vector<512x1xi1>
    %broadcast_in_dim3A_1320 = arith.constant 0.000000e+00 : f32
    %broadcast_in_dim3A_1321 = vector.broadcast %broadcast_in_dim3A_1320 : f32 to vector<16x128xf32>
    %slice3A_1322 = vector.extract_strided_slice %select_n3A_1304 {offsets = [0, 0], sizes = [496, 128], strides = [1, 1]} : vector<512x128xf32> to vector<496x128xf32>
    %concatenate3A_1323 = tpu.concatenate %broadcast_in_dim3A_1321, %slice3A_1322 in 0 : vector<16x128xf32>, vector<496x128xf32> -> vector<512x128xf32>
    %broadcast_in_dim3A_1324 = arith.constant 0.000000e+00 : f32
    %broadcast_in_dim3A_1325 = vector.broadcast %broadcast_in_dim3A_1324 : f32 to vector<16x128xf32>
    %slice3A_1326 = vector.extract_strided_slice %select_n3A_1304 {offsets = [16, 0], sizes = [496, 128], strides = [1, 1]} : vector<512x128xf32> to vector<496x128xf32>
    %concatenate3A_1327 = tpu.concatenate %slice3A_1326, %broadcast_in_dim3A_1325 in 0 : vector<496x128xf32>, vector<16x128xf32> -> vector<512x128xf32>
    %broadcast_in_dim3A_1328 = vector.shape_cast %ne3A_1312 : vector<512x1xi1> to vector<512x1xi1>
    %broadcast_in_dim3A_1329 = vector.broadcast %broadcast_in_dim3A_1328 : vector<512x1xi1> to vector<512x128xi1>
    %select_n3A_1330 = arith.select %broadcast_in_dim3A_1329, %concatenate3A_1323, %concatenate3A_1327 : vector<512x128xi1>, vector<512x128xf32>
    %broadcast_in_dim3A_1331 = arith.constant 0 : i32
    %broadcast_in_dim3A_1332 = vector.broadcast %broadcast_in_dim3A_1331 : i32 to vector<16x128xi32>
    %slice3A_1333 = vector.extract_strided_slice %select_n3A_1306 {offsets = [0, 0], sizes = [496, 128], strides = [1, 1]} : vector<512x128xi32> to vector<496x128xi32>
    %concatenate3A_1334 = tpu.concatenate %broadcast_in_dim3A_1332, %slice3A_1333 in 0 : vector<16x128xi32>, vector<496x128xi32> -> vector<512x128xi32>
    %broadcast_in_dim3A_1335 = arith.constant 0 : i32
    %broadcast_in_dim3A_1336 = vector.broadcast %broadcast_in_dim3A_1335 : i32 to vector<16x128xi32>
    %slice3A_1337 = vector.extract_strided_slice %select_n3A_1306 {offsets = [16, 0], sizes = [496, 128], strides = [1, 1]} : vector<512x128xi32> to vector<496x128xi32>
    %concatenate3A_1338 = tpu.concatenate %slice3A_1337, %broadcast_in_dim3A_1336 in 0 : vector<496x128xi32>, vector<16x128xi32> -> vector<512x128xi32>
    %broadcast_in_dim3A_1339 = vector.shape_cast %ne3A_1312 : vector<512x1xi1> to vector<512x1xi1>
    %broadcast_in_dim3A_1340 = vector.broadcast %broadcast_in_dim3A_1339 : vector<512x1xi1> to vector<512x128xi1>
    %select_n3A_1341 = arith.select %broadcast_in_dim3A_1340, %concatenate3A_1334, %concatenate3A_1338 : vector<512x128xi1>, vector<512x128xi32>
    %min3A_1342 = arith.minimumf %select_n3A_1304, %select_n3A_1330 : vector<512x128xf32>
    %max3A_1343 = arith.maximumf %select_n3A_1304, %select_n3A_1330 : vector<512x128xf32>
    %broadcast_in_dim3A_1344 = vector.shape_cast %ne3A_1319 : vector<512x1xi1> to vector<512x1xi1>
    %broadcast_in_dim3A_1345 = vector.broadcast %broadcast_in_dim3A_1344 : vector<512x1xi1> to vector<512x128xi1>
    %select_n3A_1346 = arith.select %broadcast_in_dim3A_1345, %min3A_1342, %max3A_1343 : vector<512x128xi1>, vector<512x128xf32>
    %eq3A_1347 = arith.cmpf oeq, %select_n3A_1346, %select_n3A_1304 : vector<512x128xf32>
    %select_n3A_1348 = arith.select %eq3A_1347, %select_n3A_1306, %select_n3A_1341 : vector<512x128xi1>, vector<512x128xi32>
    %and3A_1349 = arith.constant 8 : i32
    %and3A_1350 = vector.broadcast %and3A_1349 : i32 to vector<512x1xi32>
    %and3A_1351 = arith.andi %iota3A_12, %and3A_1350 : vector<512x1xi32>
    %ne3A_1352 = arith.constant 0 : i32
    %ne3A_1353 = vector.broadcast %ne3A_1352 : i32 to vector<512x1xi32>
    %ne3A_1354 = arith.cmpi ne, %and3A_1351, %ne3A_1353 : vector<512x1xi32>
    %and3A_1355 = arith.constant 256 : i32
    %and3A_1356 = vector.broadcast %and3A_1355 : i32 to vector<512x1xi32>
    %and3A_1357 = arith.andi %iota3A_12, %and3A_1356 : vector<512x1xi32>
    %eq3A_1358 = arith.constant 0 : i32
    %eq3A_1359 = vector.broadcast %eq3A_1358 : i32 to vector<512x1xi32>
    %eq3A_1360 = arith.cmpi eq, %and3A_1357, %eq3A_1359 : vector<512x1xi32>
    %ne3A_1361 = arith.xori %eq3A_1360, %ne3A_1354 : vector<512x1xi1>
    %broadcast_in_dim3A_1362 = arith.constant 0.000000e+00 : f32
    %broadcast_in_dim3A_1363 = vector.broadcast %broadcast_in_dim3A_1362 : f32 to vector<8x128xf32>
    %slice3A_1364 = vector.extract_strided_slice %select_n3A_1346 {offsets = [0, 0], sizes = [504, 128], strides = [1, 1]} : vector<512x128xf32> to vector<504x128xf32>
    %concatenate3A_1365 = tpu.concatenate %broadcast_in_dim3A_1363, %slice3A_1364 in 0 : vector<8x128xf32>, vector<504x128xf32> -> vector<512x128xf32>
    %broadcast_in_dim3A_1366 = arith.constant 0.000000e+00 : f32
    %broadcast_in_dim3A_1367 = vector.broadcast %broadcast_in_dim3A_1366 : f32 to vector<8x128xf32>
    %slice3A_1368 = vector.extract_strided_slice %select_n3A_1346 {offsets = [8, 0], sizes = [504, 128], strides = [1, 1]} : vector<512x128xf32> to vector<504x128xf32>
    %concatenate3A_1369 = tpu.concatenate %slice3A_1368, %broadcast_in_dim3A_1367 in 0 : vector<504x128xf32>, vector<8x128xf32> -> vector<512x128xf32>
    %broadcast_in_dim3A_1370 = vector.shape_cast %ne3A_1354 : vector<512x1xi1> to vector<512x1xi1>
    %broadcast_in_dim3A_1371 = vector.broadcast %broadcast_in_dim3A_1370 : vector<512x1xi1> to vector<512x128xi1>
    %select_n3A_1372 = arith.select %broadcast_in_dim3A_1371, %concatenate3A_1365, %concatenate3A_1369 : vector<512x128xi1>, vector<512x128xf32>
    %broadcast_in_dim3A_1373 = arith.constant 0 : i32
    %broadcast_in_dim3A_1374 = vector.broadcast %broadcast_in_dim3A_1373 : i32 to vector<8x128xi32>
    %slice3A_1375 = vector.extract_strided_slice %select_n3A_1348 {offsets = [0, 0], sizes = [504, 128], strides = [1, 1]} : vector<512x128xi32> to vector<504x128xi32>
    %concatenate3A_1376 = tpu.concatenate %broadcast_in_dim3A_1374, %slice3A_1375 in 0 : vector<8x128xi32>, vector<504x128xi32> -> vector<512x128xi32>
    %broadcast_in_dim3A_1377 = arith.constant 0 : i32
    %broadcast_in_dim3A_1378 = vector.broadcast %broadcast_in_dim3A_1377 : i32 to vector<8x128xi32>
    %slice3A_1379 = vector.extract_strided_slice %select_n3A_1348 {offsets = [8, 0], sizes = [504, 128], strides = [1, 1]} : vector<512x128xi32> to vector<504x128xi32>
    %concatenate3A_1380 = tpu.concatenate %slice3A_1379, %broadcast_in_dim3A_1378 in 0 : vector<504x128xi32>, vector<8x128xi32> -> vector<512x128xi32>
    %broadcast_in_dim3A_1381 = vector.shape_cast %ne3A_1354 : vector<512x1xi1> to vector<512x1xi1>
    %broadcast_in_dim3A_1382 = vector.broadcast %broadcast_in_dim3A_1381 : vector<512x1xi1> to vector<512x128xi1>
    %select_n3A_1383 = arith.select %broadcast_in_dim3A_1382, %concatenate3A_1376, %concatenate3A_1380 : vector<512x128xi1>, vector<512x128xi32>
    %min3A_1384 = arith.minimumf %select_n3A_1346, %select_n3A_1372 : vector<512x128xf32>
    %max3A_1385 = arith.maximumf %select_n3A_1346, %select_n3A_1372 : vector<512x128xf32>
    %broadcast_in_dim3A_1386 = vector.shape_cast %ne3A_1361 : vector<512x1xi1> to vector<512x1xi1>
    %broadcast_in_dim3A_1387 = vector.broadcast %broadcast_in_dim3A_1386 : vector<512x1xi1> to vector<512x128xi1>
    %select_n3A_1388 = arith.select %broadcast_in_dim3A_1387, %min3A_1384, %max3A_1385 : vector<512x128xi1>, vector<512x128xf32>
    %eq3A_1389 = arith.cmpf oeq, %select_n3A_1388, %select_n3A_1346 : vector<512x128xf32>
    %select_n3A_1390 = arith.select %eq3A_1389, %select_n3A_1348, %select_n3A_1383 : vector<512x128xi1>, vector<512x128xi32>
    %and3A_1391 = arith.constant 4 : i32
    %and3A_1392 = vector.broadcast %and3A_1391 : i32 to vector<512x1xi32>
    %and3A_1393 = arith.andi %iota3A_12, %and3A_1392 : vector<512x1xi32>
    %ne3A_1394 = arith.constant 0 : i32
    %ne3A_1395 = vector.broadcast %ne3A_1394 : i32 to vector<512x1xi32>
    %ne3A_1396 = arith.cmpi ne, %and3A_1393, %ne3A_1395 : vector<512x1xi32>
    %and3A_1397 = arith.constant 256 : i32
    %and3A_1398 = vector.broadcast %and3A_1397 : i32 to vector<512x1xi32>
    %and3A_1399 = arith.andi %iota3A_12, %and3A_1398 : vector<512x1xi32>
    %eq3A_1400 = arith.constant 0 : i32
    %eq3A_1401 = vector.broadcast %eq3A_1400 : i32 to vector<512x1xi32>
    %eq3A_1402 = arith.cmpi eq, %and3A_1399, %eq3A_1401 : vector<512x1xi32>
    %ne3A_1403 = arith.xori %eq3A_1402, %ne3A_1396 : vector<512x1xi1>
    %broadcast_in_dim3A_1404 = arith.constant 0.000000e+00 : f32
    %broadcast_in_dim3A_1405 = vector.broadcast %broadcast_in_dim3A_1404 : f32 to vector<4x128xf32>
    %slice3A_1406 = vector.extract_strided_slice %select_n3A_1388 {offsets = [0, 0], sizes = [508, 128], strides = [1, 1]} : vector<512x128xf32> to vector<508x128xf32>
    %concatenate3A_1407 = tpu.concatenate %broadcast_in_dim3A_1405, %slice3A_1406 in 0 : vector<4x128xf32>, vector<508x128xf32> -> vector<512x128xf32>
    %broadcast_in_dim3A_1408 = arith.constant 0.000000e+00 : f32
    %broadcast_in_dim3A_1409 = vector.broadcast %broadcast_in_dim3A_1408 : f32 to vector<4x128xf32>
    %slice3A_1410 = vector.extract_strided_slice %select_n3A_1388 {offsets = [4, 0], sizes = [508, 128], strides = [1, 1]} : vector<512x128xf32> to vector<508x128xf32>
    %concatenate3A_1411 = tpu.concatenate %slice3A_1410, %broadcast_in_dim3A_1409 in 0 : vector<508x128xf32>, vector<4x128xf32> -> vector<512x128xf32>
    %broadcast_in_dim3A_1412 = vector.shape_cast %ne3A_1396 : vector<512x1xi1> to vector<512x1xi1>
    %broadcast_in_dim3A_1413 = vector.broadcast %broadcast_in_dim3A_1412 : vector<512x1xi1> to vector<512x128xi1>
    %select_n3A_1414 = arith.select %broadcast_in_dim3A_1413, %concatenate3A_1407, %concatenate3A_1411 : vector<512x128xi1>, vector<512x128xf32>
    %broadcast_in_dim3A_1415 = arith.constant 0 : i32
    %broadcast_in_dim3A_1416 = vector.broadcast %broadcast_in_dim3A_1415 : i32 to vector<4x128xi32>
    %slice3A_1417 = vector.extract_strided_slice %select_n3A_1390 {offsets = [0, 0], sizes = [508, 128], strides = [1, 1]} : vector<512x128xi32> to vector<508x128xi32>
    %concatenate3A_1418 = tpu.concatenate %broadcast_in_dim3A_1416, %slice3A_1417 in 0 : vector<4x128xi32>, vector<508x128xi32> -> vector<512x128xi32>
    %broadcast_in_dim3A_1419 = arith.constant 0 : i32
    %broadcast_in_dim3A_1420 = vector.broadcast %broadcast_in_dim3A_1419 : i32 to vector<4x128xi32>
    %slice3A_1421 = vector.extract_strided_slice %select_n3A_1390 {offsets = [4, 0], sizes = [508, 128], strides = [1, 1]} : vector<512x128xi32> to vector<508x128xi32>
    %concatenate3A_1422 = tpu.concatenate %slice3A_1421, %broadcast_in_dim3A_1420 in 0 : vector<508x128xi32>, vector<4x128xi32> -> vector<512x128xi32>
    %broadcast_in_dim3A_1423 = vector.shape_cast %ne3A_1396 : vector<512x1xi1> to vector<512x1xi1>
    %broadcast_in_dim3A_1424 = vector.broadcast %broadcast_in_dim3A_1423 : vector<512x1xi1> to vector<512x128xi1>
    %select_n3A_1425 = arith.select %broadcast_in_dim3A_1424, %concatenate3A_1418, %concatenate3A_1422 : vector<512x128xi1>, vector<512x128xi32>
    %min3A_1426 = arith.minimumf %select_n3A_1388, %select_n3A_1414 : vector<512x128xf32>
    %max3A_1427 = arith.maximumf %select_n3A_1388, %select_n3A_1414 : vector<512x128xf32>
    %broadcast_in_dim3A_1428 = vector.shape_cast %ne3A_1403 : vector<512x1xi1> to vector<512x1xi1>
    %broadcast_in_dim3A_1429 = vector.broadcast %broadcast_in_dim3A_1428 : vector<512x1xi1> to vector<512x128xi1>
    %select_n3A_1430 = arith.select %broadcast_in_dim3A_1429, %min3A_1426, %max3A_1427 : vector<512x128xi1>, vector<512x128xf32>
    %eq3A_1431 = arith.cmpf oeq, %select_n3A_1430, %select_n3A_1388 : vector<512x128xf32>
    %select_n3A_1432 = arith.select %eq3A_1431, %select_n3A_1390, %select_n3A_1425 : vector<512x128xi1>, vector<512x128xi32>
    %and3A_1433 = arith.constant 2 : i32
    %and3A_1434 = vector.broadcast %and3A_1433 : i32 to vector<512x1xi32>
    %and3A_1435 = arith.andi %iota3A_12, %and3A_1434 : vector<512x1xi32>
    %ne3A_1436 = arith.constant 0 : i32
    %ne3A_1437 = vector.broadcast %ne3A_1436 : i32 to vector<512x1xi32>
    %ne3A_1438 = arith.cmpi ne, %and3A_1435, %ne3A_1437 : vector<512x1xi32>
    %and3A_1439 = arith.constant 256 : i32
    %and3A_1440 = vector.broadcast %and3A_1439 : i32 to vector<512x1xi32>
    %and3A_1441 = arith.andi %iota3A_12, %and3A_1440 : vector<512x1xi32>
    %eq3A_1442 = arith.constant 0 : i32
    %eq3A_1443 = vector.broadcast %eq3A_1442 : i32 to vector<512x1xi32>
    %eq3A_1444 = arith.cmpi eq, %and3A_1441, %eq3A_1443 : vector<512x1xi32>
    %ne3A_1445 = arith.xori %eq3A_1444, %ne3A_1438 : vector<512x1xi1>
    %broadcast_in_dim3A_1446 = arith.constant 0.000000e+00 : f32
    %broadcast_in_dim3A_1447 = vector.broadcast %broadcast_in_dim3A_1446 : f32 to vector<2x128xf32>
    %slice3A_1448 = vector.extract_strided_slice %select_n3A_1430 {offsets = [0, 0], sizes = [510, 128], strides = [1, 1]} : vector<512x128xf32> to vector<510x128xf32>
    %concatenate3A_1449 = tpu.concatenate %broadcast_in_dim3A_1447, %slice3A_1448 in 0 : vector<2x128xf32>, vector<510x128xf32> -> vector<512x128xf32>
    %broadcast_in_dim3A_1450 = arith.constant 0.000000e+00 : f32
    %broadcast_in_dim3A_1451 = vector.broadcast %broadcast_in_dim3A_1450 : f32 to vector<2x128xf32>
    %slice3A_1452 = vector.extract_strided_slice %select_n3A_1430 {offsets = [2, 0], sizes = [510, 128], strides = [1, 1]} : vector<512x128xf32> to vector<510x128xf32>
    %concatenate3A_1453 = tpu.concatenate %slice3A_1452, %broadcast_in_dim3A_1451 in 0 : vector<510x128xf32>, vector<2x128xf32> -> vector<512x128xf32>
    %broadcast_in_dim3A_1454 = vector.shape_cast %ne3A_1438 : vector<512x1xi1> to vector<512x1xi1>
    %broadcast_in_dim3A_1455 = vector.broadcast %broadcast_in_dim3A_1454 : vector<512x1xi1> to vector<512x128xi1>
    %select_n3A_1456 = arith.select %broadcast_in_dim3A_1455, %concatenate3A_1449, %concatenate3A_1453 : vector<512x128xi1>, vector<512x128xf32>
    %broadcast_in_dim3A_1457 = arith.constant 0 : i32
    %broadcast_in_dim3A_1458 = vector.broadcast %broadcast_in_dim3A_1457 : i32 to vector<2x128xi32>
    %slice3A_1459 = vector.extract_strided_slice %select_n3A_1432 {offsets = [0, 0], sizes = [510, 128], strides = [1, 1]} : vector<512x128xi32> to vector<510x128xi32>
    %concatenate3A_1460 = tpu.concatenate %broadcast_in_dim3A_1458, %slice3A_1459 in 0 : vector<2x128xi32>, vector<510x128xi32> -> vector<512x128xi32>
    %broadcast_in_dim3A_1461 = arith.constant 0 : i32
    %broadcast_in_dim3A_1462 = vector.broadcast %broadcast_in_dim3A_1461 : i32 to vector<2x128xi32>
    %slice3A_1463 = vector.extract_strided_slice %select_n3A_1432 {offsets = [2, 0], sizes = [510, 128], strides = [1, 1]} : vector<512x128xi32> to vector<510x128xi32>
    %concatenate3A_1464 = tpu.concatenate %slice3A_1463, %broadcast_in_dim3A_1462 in 0 : vector<510x128xi32>, vector<2x128xi32> -> vector<512x128xi32>
    %broadcast_in_dim3A_1465 = vector.shape_cast %ne3A_1438 : vector<512x1xi1> to vector<512x1xi1>
    %broadcast_in_dim3A_1466 = vector.broadcast %broadcast_in_dim3A_1465 : vector<512x1xi1> to vector<512x128xi1>
    %select_n3A_1467 = arith.select %broadcast_in_dim3A_1466, %concatenate3A_1460, %concatenate3A_1464 : vector<512x128xi1>, vector<512x128xi32>
    %min3A_1468 = arith.minimumf %select_n3A_1430, %select_n3A_1456 : vector<512x128xf32>
    %max3A_1469 = arith.maximumf %select_n3A_1430, %select_n3A_1456 : vector<512x128xf32>
    %broadcast_in_dim3A_1470 = vector.shape_cast %ne3A_1445 : vector<512x1xi1> to vector<512x1xi1>
    %broadcast_in_dim3A_1471 = vector.broadcast %broadcast_in_dim3A_1470 : vector<512x1xi1> to vector<512x128xi1>
    %select_n3A_1472 = arith.select %broadcast_in_dim3A_1471, %min3A_1468, %max3A_1469 : vector<512x128xi1>, vector<512x128xf32>
    %eq3A_1473 = arith.cmpf oeq, %select_n3A_1472, %select_n3A_1430 : vector<512x128xf32>
    %select_n3A_1474 = arith.select %eq3A_1473, %select_n3A_1432, %select_n3A_1467 : vector<512x128xi1>, vector<512x128xi32>
    %and3A_1475 = arith.constant 1 : i32
    %and3A_1476 = vector.broadcast %and3A_1475 : i32 to vector<512x1xi32>
    %and3A_1477 = arith.andi %iota3A_12, %and3A_1476 : vector<512x1xi32>
    %ne3A_1478 = arith.constant 0 : i32
    %ne3A_1479 = vector.broadcast %ne3A_1478 : i32 to vector<512x1xi32>
    %ne3A_1480 = arith.cmpi ne, %and3A_1477, %ne3A_1479 : vector<512x1xi32>
    %and3A_1481 = arith.constant 256 : i32
    %and3A_1482 = vector.broadcast %and3A_1481 : i32 to vector<512x1xi32>
    %and3A_1483 = arith.andi %iota3A_12, %and3A_1482 : vector<512x1xi32>
    %eq3A_1484 = arith.constant 0 : i32
    %eq3A_1485 = vector.broadcast %eq3A_1484 : i32 to vector<512x1xi32>
    %eq3A_1486 = arith.cmpi eq, %and3A_1483, %eq3A_1485 : vector<512x1xi32>
    %ne3A_1487 = arith.xori %eq3A_1486, %ne3A_1480 : vector<512x1xi1>
    %broadcast_in_dim3A_1488 = arith.constant 0.000000e+00 : f32
    %broadcast_in_dim3A_1489 = vector.broadcast %broadcast_in_dim3A_1488 : f32 to vector<1x128xf32>
    %slice3A_1490 = vector.extract_strided_slice %select_n3A_1472 {offsets = [0, 0], sizes = [511, 128], strides = [1, 1]} : vector<512x128xf32> to vector<511x128xf32>
    %concatenate3A_1491 = tpu.concatenate %broadcast_in_dim3A_1489, %slice3A_1490 in 0 : vector<1x128xf32>, vector<511x128xf32> -> vector<512x128xf32>
    %broadcast_in_dim3A_1492 = arith.constant 0.000000e+00 : f32
    %broadcast_in_dim3A_1493 = vector.broadcast %broadcast_in_dim3A_1492 : f32 to vector<1x128xf32>
    %slice3A_1494 = vector.extract_strided_slice %select_n3A_1472 {offsets = [1, 0], sizes = [511, 128], strides = [1, 1]} : vector<512x128xf32> to vector<511x128xf32>
    %concatenate3A_1495 = tpu.concatenate %slice3A_1494, %broadcast_in_dim3A_1493 in 0 : vector<511x128xf32>, vector<1x128xf32> -> vector<512x128xf32>
    %broadcast_in_dim3A_1496 = vector.shape_cast %ne3A_1480 : vector<512x1xi1> to vector<512x1xi1>
    %broadcast_in_dim3A_1497 = vector.broadcast %broadcast_in_dim3A_1496 : vector<512x1xi1> to vector<512x128xi1>
    %select_n3A_1498 = arith.select %broadcast_in_dim3A_1497, %concatenate3A_1491, %concatenate3A_1495 : vector<512x128xi1>, vector<512x128xf32>
    %broadcast_in_dim3A_1499 = arith.constant 0 : i32
    %broadcast_in_dim3A_1500 = vector.broadcast %broadcast_in_dim3A_1499 : i32 to vector<1x128xi32>
    %slice3A_1501 = vector.extract_strided_slice %select_n3A_1474 {offsets = [0, 0], sizes = [511, 128], strides = [1, 1]} : vector<512x128xi32> to vector<511x128xi32>
    %concatenate3A_1502 = tpu.concatenate %broadcast_in_dim3A_1500, %slice3A_1501 in 0 : vector<1x128xi32>, vector<511x128xi32> -> vector<512x128xi32>
    %broadcast_in_dim3A_1503 = arith.constant 0 : i32
    %broadcast_in_dim3A_1504 = vector.broadcast %broadcast_in_dim3A_1503 : i32 to vector<1x128xi32>
    %slice3A_1505 = vector.extract_strided_slice %select_n3A_1474 {offsets = [1, 0], sizes = [511, 128], strides = [1, 1]} : vector<512x128xi32> to vector<511x128xi32>
    %concatenate3A_1506 = tpu.concatenate %slice3A_1505, %broadcast_in_dim3A_1504 in 0 : vector<511x128xi32>, vector<1x128xi32> -> vector<512x128xi32>
    %broadcast_in_dim3A_1507 = vector.shape_cast %ne3A_1480 : vector<512x1xi1> to vector<512x1xi1>
    %broadcast_in_dim3A_1508 = vector.broadcast %broadcast_in_dim3A_1507 : vector<512x1xi1> to vector<512x128xi1>
    %select_n3A_1509 = arith.select %broadcast_in_dim3A_1508, %concatenate3A_1502, %concatenate3A_1506 : vector<512x128xi1>, vector<512x128xi32>
    %min3A_1510 = arith.minimumf %select_n3A_1472, %select_n3A_1498 : vector<512x128xf32>
    %max3A_1511 = arith.maximumf %select_n3A_1472, %select_n3A_1498 : vector<512x128xf32>
    %broadcast_in_dim3A_1512 = vector.shape_cast %ne3A_1487 : vector<512x1xi1> to vector<512x1xi1>
    %broadcast_in_dim3A_1513 = vector.broadcast %broadcast_in_dim3A_1512 : vector<512x1xi1> to vector<512x128xi1>
    %select_n3A_1514 = arith.select %broadcast_in_dim3A_1513, %min3A_1510, %max3A_1511 : vector<512x128xi1>, vector<512x128xf32>
    %eq3A_1515 = arith.cmpf oeq, %select_n3A_1514, %select_n3A_1472 : vector<512x128xf32>
    %select_n3A_1516 = arith.select %eq3A_1515, %select_n3A_1474, %select_n3A_1509 : vector<512x128xi1>, vector<512x128xi32>
    %and3A_1517 = arith.constant 256 : i32
    %and3A_1518 = vector.broadcast %and3A_1517 : i32 to vector<512x1xi32>
    %and3A_1519 = arith.andi %iota3A_12, %and3A_1518 : vector<512x1xi32>
    %ne3A_1520 = arith.constant 0 : i32
    %ne3A_1521 = vector.broadcast %ne3A_1520 : i32 to vector<512x1xi32>
    %ne3A_1522 = arith.cmpi ne, %and3A_1519, %ne3A_1521 : vector<512x1xi32>
    %and3A_1523 = arith.constant 512 : i32
    %and3A_1524 = vector.broadcast %and3A_1523 : i32 to vector<512x1xi32>
    %and3A_1525 = arith.andi %iota3A_12, %and3A_1524 : vector<512x1xi32>
    %eq3A_1526 = arith.constant 0 : i32
    %eq3A_1527 = vector.broadcast %eq3A_1526 : i32 to vector<512x1xi32>
    %eq3A_1528 = arith.cmpi eq, %and3A_1525, %eq3A_1527 : vector<512x1xi32>
    %ne3A_1529 = arith.xori %eq3A_1528, %ne3A_1522 : vector<512x1xi1>
    %broadcast_in_dim3A_1530 = arith.constant 0.000000e+00 : f32
    %broadcast_in_dim3A_1531 = vector.broadcast %broadcast_in_dim3A_1530 : f32 to vector<256x128xf32>
    %slice3A_1532 = vector.extract_strided_slice %select_n3A_1514 {offsets = [0, 0], sizes = [256, 128], strides = [1, 1]} : vector<512x128xf32> to vector<256x128xf32>
    %concatenate3A_1533 = tpu.concatenate %broadcast_in_dim3A_1531, %slice3A_1532 in 0 : vector<256x128xf32>, vector<256x128xf32> -> vector<512x128xf32>
    %broadcast_in_dim3A_1534 = arith.constant 0.000000e+00 : f32
    %broadcast_in_dim3A_1535 = vector.broadcast %broadcast_in_dim3A_1534 : f32 to vector<256x128xf32>
    %slice3A_1536 = vector.extract_strided_slice %select_n3A_1514 {offsets = [256, 0], sizes = [256, 128], strides = [1, 1]} : vector<512x128xf32> to vector<256x128xf32>
    %concatenate3A_1537 = tpu.concatenate %slice3A_1536, %broadcast_in_dim3A_1535 in 0 : vector<256x128xf32>, vector<256x128xf32> -> vector<512x128xf32>
    %broadcast_in_dim3A_1538 = vector.shape_cast %ne3A_1522 : vector<512x1xi1> to vector<512x1xi1>
    %broadcast_in_dim3A_1539 = vector.broadcast %broadcast_in_dim3A_1538 : vector<512x1xi1> to vector<512x128xi1>
    %select_n3A_1540 = arith.select %broadcast_in_dim3A_1539, %concatenate3A_1533, %concatenate3A_1537 : vector<512x128xi1>, vector<512x128xf32>
    %broadcast_in_dim3A_1541 = arith.constant 0 : i32
    %broadcast_in_dim3A_1542 = vector.broadcast %broadcast_in_dim3A_1541 : i32 to vector<256x128xi32>
    %slice3A_1543 = vector.extract_strided_slice %select_n3A_1516 {offsets = [0, 0], sizes = [256, 128], strides = [1, 1]} : vector<512x128xi32> to vector<256x128xi32>
    %concatenate3A_1544 = tpu.concatenate %broadcast_in_dim3A_1542, %slice3A_1543 in 0 : vector<256x128xi32>, vector<256x128xi32> -> vector<512x128xi32>
    %broadcast_in_dim3A_1545 = arith.constant 0 : i32
    %broadcast_in_dim3A_1546 = vector.broadcast %broadcast_in_dim3A_1545 : i32 to vector<256x128xi32>
    %slice3A_1547 = vector.extract_strided_slice %select_n3A_1516 {offsets = [256, 0], sizes = [256, 128], strides = [1, 1]} : vector<512x128xi32> to vector<256x128xi32>
    %concatenate3A_1548 = tpu.concatenate %slice3A_1547, %broadcast_in_dim3A_1546 in 0 : vector<256x128xi32>, vector<256x128xi32> -> vector<512x128xi32>
    %broadcast_in_dim3A_1549 = vector.shape_cast %ne3A_1522 : vector<512x1xi1> to vector<512x1xi1>
    %broadcast_in_dim3A_1550 = vector.broadcast %broadcast_in_dim3A_1549 : vector<512x1xi1> to vector<512x128xi1>
    %select_n3A_1551 = arith.select %broadcast_in_dim3A_1550, %concatenate3A_1544, %concatenate3A_1548 : vector<512x128xi1>, vector<512x128xi32>
    %min3A_1552 = arith.minimumf %select_n3A_1514, %select_n3A_1540 : vector<512x128xf32>
    %max3A_1553 = arith.maximumf %select_n3A_1514, %select_n3A_1540 : vector<512x128xf32>
    %broadcast_in_dim3A_1554 = vector.shape_cast %ne3A_1529 : vector<512x1xi1> to vector<512x1xi1>
    %broadcast_in_dim3A_1555 = vector.broadcast %broadcast_in_dim3A_1554 : vector<512x1xi1> to vector<512x128xi1>
    %select_n3A_1556 = arith.select %broadcast_in_dim3A_1555, %min3A_1552, %max3A_1553 : vector<512x128xi1>, vector<512x128xf32>
    %eq3A_1557 = arith.cmpf oeq, %select_n3A_1556, %select_n3A_1514 : vector<512x128xf32>
    %select_n3A_1558 = arith.select %eq3A_1557, %select_n3A_1516, %select_n3A_1551 : vector<512x128xi1>, vector<512x128xi32>
    %and3A_1559 = arith.constant 128 : i32
    %and3A_1560 = vector.broadcast %and3A_1559 : i32 to vector<512x1xi32>
    %and3A_1561 = arith.andi %iota3A_12, %and3A_1560 : vector<512x1xi32>
    %ne3A_1562 = arith.constant 0 : i32
    %ne3A_1563 = vector.broadcast %ne3A_1562 : i32 to vector<512x1xi32>
    %ne3A_1564 = arith.cmpi ne, %and3A_1561, %ne3A_1563 : vector<512x1xi32>
    %and3A_1565 = arith.constant 512 : i32
    %and3A_1566 = vector.broadcast %and3A_1565 : i32 to vector<512x1xi32>
    %and3A_1567 = arith.andi %iota3A_12, %and3A_1566 : vector<512x1xi32>
    %eq3A_1568 = arith.constant 0 : i32
    %eq3A_1569 = vector.broadcast %eq3A_1568 : i32 to vector<512x1xi32>
    %eq3A_1570 = arith.cmpi eq, %and3A_1567, %eq3A_1569 : vector<512x1xi32>
    %ne3A_1571 = arith.xori %eq3A_1570, %ne3A_1564 : vector<512x1xi1>
    %broadcast_in_dim3A_1572 = arith.constant 0.000000e+00 : f32
    %broadcast_in_dim3A_1573 = vector.broadcast %broadcast_in_dim3A_1572 : f32 to vector<128x128xf32>
    %slice3A_1574 = vector.extract_strided_slice %select_n3A_1556 {offsets = [0, 0], sizes = [384, 128], strides = [1, 1]} : vector<512x128xf32> to vector<384x128xf32>
    %concatenate3A_1575 = tpu.concatenate %broadcast_in_dim3A_1573, %slice3A_1574 in 0 : vector<128x128xf32>, vector<384x128xf32> -> vector<512x128xf32>
    %broadcast_in_dim3A_1576 = arith.constant 0.000000e+00 : f32
    %broadcast_in_dim3A_1577 = vector.broadcast %broadcast_in_dim3A_1576 : f32 to vector<128x128xf32>
    %slice3A_1578 = vector.extract_strided_slice %select_n3A_1556 {offsets = [128, 0], sizes = [384, 128], strides = [1, 1]} : vector<512x128xf32> to vector<384x128xf32>
    %concatenate3A_1579 = tpu.concatenate %slice3A_1578, %broadcast_in_dim3A_1577 in 0 : vector<384x128xf32>, vector<128x128xf32> -> vector<512x128xf32>
    %broadcast_in_dim3A_1580 = vector.shape_cast %ne3A_1564 : vector<512x1xi1> to vector<512x1xi1>
    %broadcast_in_dim3A_1581 = vector.broadcast %broadcast_in_dim3A_1580 : vector<512x1xi1> to vector<512x128xi1>
    %select_n3A_1582 = arith.select %broadcast_in_dim3A_1581, %concatenate3A_1575, %concatenate3A_1579 : vector<512x128xi1>, vector<512x128xf32>
    %broadcast_in_dim3A_1583 = arith.constant 0 : i32
    %broadcast_in_dim3A_1584 = vector.broadcast %broadcast_in_dim3A_1583 : i32 to vector<128x128xi32>
    %slice3A_1585 = vector.extract_strided_slice %select_n3A_1558 {offsets = [0, 0], sizes = [384, 128], strides = [1, 1]} : vector<512x128xi32> to vector<384x128xi32>
    %concatenate3A_1586 = tpu.concatenate %broadcast_in_dim3A_1584, %slice3A_1585 in 0 : vector<128x128xi32>, vector<384x128xi32> -> vector<512x128xi32>
    %broadcast_in_dim3A_1587 = arith.constant 0 : i32
    %broadcast_in_dim3A_1588 = vector.broadcast %broadcast_in_dim3A_1587 : i32 to vector<128x128xi32>
    %slice3A_1589 = vector.extract_strided_slice %select_n3A_1558 {offsets = [128, 0], sizes = [384, 128], strides = [1, 1]} : vector<512x128xi32> to vector<384x128xi32>
    %concatenate3A_1590 = tpu.concatenate %slice3A_1589, %broadcast_in_dim3A_1588 in 0 : vector<384x128xi32>, vector<128x128xi32> -> vector<512x128xi32>
    %broadcast_in_dim3A_1591 = vector.shape_cast %ne3A_1564 : vector<512x1xi1> to vector<512x1xi1>
    %broadcast_in_dim3A_1592 = vector.broadcast %broadcast_in_dim3A_1591 : vector<512x1xi1> to vector<512x128xi1>
    %select_n3A_1593 = arith.select %broadcast_in_dim3A_1592, %concatenate3A_1586, %concatenate3A_1590 : vector<512x128xi1>, vector<512x128xi32>
    %min3A_1594 = arith.minimumf %select_n3A_1556, %select_n3A_1582 : vector<512x128xf32>
    %max3A_1595 = arith.maximumf %select_n3A_1556, %select_n3A_1582 : vector<512x128xf32>
    %broadcast_in_dim3A_1596 = vector.shape_cast %ne3A_1571 : vector<512x1xi1> to vector<512x1xi1>
    %broadcast_in_dim3A_1597 = vector.broadcast %broadcast_in_dim3A_1596 : vector<512x1xi1> to vector<512x128xi1>
    %select_n3A_1598 = arith.select %broadcast_in_dim3A_1597, %min3A_1594, %max3A_1595 : vector<512x128xi1>, vector<512x128xf32>
    %eq3A_1599 = arith.cmpf oeq, %select_n3A_1598, %select_n3A_1556 : vector<512x128xf32>
    %select_n3A_1600 = arith.select %eq3A_1599, %select_n3A_1558, %select_n3A_1593 : vector<512x128xi1>, vector<512x128xi32>
    %and3A_1601 = arith.constant 64 : i32
    %and3A_1602 = vector.broadcast %and3A_1601 : i32 to vector<512x1xi32>
    %and3A_1603 = arith.andi %iota3A_12, %and3A_1602 : vector<512x1xi32>
    %ne3A_1604 = arith.constant 0 : i32
    %ne3A_1605 = vector.broadcast %ne3A_1604 : i32 to vector<512x1xi32>
    %ne3A_1606 = arith.cmpi ne, %and3A_1603, %ne3A_1605 : vector<512x1xi32>
    %and3A_1607 = arith.constant 512 : i32
    %and3A_1608 = vector.broadcast %and3A_1607 : i32 to vector<512x1xi32>
    %and3A_1609 = arith.andi %iota3A_12, %and3A_1608 : vector<512x1xi32>
    %eq3A_1610 = arith.constant 0 : i32
    %eq3A_1611 = vector.broadcast %eq3A_1610 : i32 to vector<512x1xi32>
    %eq3A_1612 = arith.cmpi eq, %and3A_1609, %eq3A_1611 : vector<512x1xi32>
    %ne3A_1613 = arith.xori %eq3A_1612, %ne3A_1606 : vector<512x1xi1>
    %broadcast_in_dim3A_1614 = arith.constant 0.000000e+00 : f32
    %broadcast_in_dim3A_1615 = vector.broadcast %broadcast_in_dim3A_1614 : f32 to vector<64x128xf32>
    %slice3A_1616 = vector.extract_strided_slice %select_n3A_1598 {offsets = [0, 0], sizes = [448, 128], strides = [1, 1]} : vector<512x128xf32> to vector<448x128xf32>
    %concatenate3A_1617 = tpu.concatenate %broadcast_in_dim3A_1615, %slice3A_1616 in 0 : vector<64x128xf32>, vector<448x128xf32> -> vector<512x128xf32>
    %broadcast_in_dim3A_1618 = arith.constant 0.000000e+00 : f32
    %broadcast_in_dim3A_1619 = vector.broadcast %broadcast_in_dim3A_1618 : f32 to vector<64x128xf32>
    %slice3A_1620 = vector.extract_strided_slice %select_n3A_1598 {offsets = [64, 0], sizes = [448, 128], strides = [1, 1]} : vector<512x128xf32> to vector<448x128xf32>
    %concatenate3A_1621 = tpu.concatenate %slice3A_1620, %broadcast_in_dim3A_1619 in 0 : vector<448x128xf32>, vector<64x128xf32> -> vector<512x128xf32>
    %broadcast_in_dim3A_1622 = vector.shape_cast %ne3A_1606 : vector<512x1xi1> to vector<512x1xi1>
    %broadcast_in_dim3A_1623 = vector.broadcast %broadcast_in_dim3A_1622 : vector<512x1xi1> to vector<512x128xi1>
    %select_n3A_1624 = arith.select %broadcast_in_dim3A_1623, %concatenate3A_1617, %concatenate3A_1621 : vector<512x128xi1>, vector<512x128xf32>
    %broadcast_in_dim3A_1625 = arith.constant 0 : i32
    %broadcast_in_dim3A_1626 = vector.broadcast %broadcast_in_dim3A_1625 : i32 to vector<64x128xi32>
    %slice3A_1627 = vector.extract_strided_slice %select_n3A_1600 {offsets = [0, 0], sizes = [448, 128], strides = [1, 1]} : vector<512x128xi32> to vector<448x128xi32>
    %concatenate3A_1628 = tpu.concatenate %broadcast_in_dim3A_1626, %slice3A_1627 in 0 : vector<64x128xi32>, vector<448x128xi32> -> vector<512x128xi32>
    %broadcast_in_dim3A_1629 = arith.constant 0 : i32
    %broadcast_in_dim3A_1630 = vector.broadcast %broadcast_in_dim3A_1629 : i32 to vector<64x128xi32>
    %slice3A_1631 = vector.extract_strided_slice %select_n3A_1600 {offsets = [64, 0], sizes = [448, 128], strides = [1, 1]} : vector<512x128xi32> to vector<448x128xi32>
    %concatenate3A_1632 = tpu.concatenate %slice3A_1631, %broadcast_in_dim3A_1630 in 0 : vector<448x128xi32>, vector<64x128xi32> -> vector<512x128xi32>
    %broadcast_in_dim3A_1633 = vector.shape_cast %ne3A_1606 : vector<512x1xi1> to vector<512x1xi1>
    %broadcast_in_dim3A_1634 = vector.broadcast %broadcast_in_dim3A_1633 : vector<512x1xi1> to vector<512x128xi1>
    %select_n3A_1635 = arith.select %broadcast_in_dim3A_1634, %concatenate3A_1628, %concatenate3A_1632 : vector<512x128xi1>, vector<512x128xi32>
    %min3A_1636 = arith.minimumf %select_n3A_1598, %select_n3A_1624 : vector<512x128xf32>
    %max3A_1637 = arith.maximumf %select_n3A_1598, %select_n3A_1624 : vector<512x128xf32>
    %broadcast_in_dim3A_1638 = vector.shape_cast %ne3A_1613 : vector<512x1xi1> to vector<512x1xi1>
    %broadcast_in_dim3A_1639 = vector.broadcast %broadcast_in_dim3A_1638 : vector<512x1xi1> to vector<512x128xi1>
    %select_n3A_1640 = arith.select %broadcast_in_dim3A_1639, %min3A_1636, %max3A_1637 : vector<512x128xi1>, vector<512x128xf32>
    %eq3A_1641 = arith.cmpf oeq, %select_n3A_1640, %select_n3A_1598 : vector<512x128xf32>
    %select_n3A_1642 = arith.select %eq3A_1641, %select_n3A_1600, %select_n3A_1635 : vector<512x128xi1>, vector<512x128xi32>
    %and3A_1643 = arith.constant 32 : i32
    %and3A_1644 = vector.broadcast %and3A_1643 : i32 to vector<512x1xi32>
    %and3A_1645 = arith.andi %iota3A_12, %and3A_1644 : vector<512x1xi32>
    %ne3A_1646 = arith.constant 0 : i32
    %ne3A_1647 = vector.broadcast %ne3A_1646 : i32 to vector<512x1xi32>
    %ne3A_1648 = arith.cmpi ne, %and3A_1645, %ne3A_1647 : vector<512x1xi32>
    %and3A_1649 = arith.constant 512 : i32
    %and3A_1650 = vector.broadcast %and3A_1649 : i32 to vector<512x1xi32>
    %and3A_1651 = arith.andi %iota3A_12, %and3A_1650 : vector<512x1xi32>
    %eq3A_1652 = arith.constant 0 : i32
    %eq3A_1653 = vector.broadcast %eq3A_1652 : i32 to vector<512x1xi32>
    %eq3A_1654 = arith.cmpi eq, %and3A_1651, %eq3A_1653 : vector<512x1xi32>
    %ne3A_1655 = arith.xori %eq3A_1654, %ne3A_1648 : vector<512x1xi1>
    %broadcast_in_dim3A_1656 = arith.constant 0.000000e+00 : f32
    %broadcast_in_dim3A_1657 = vector.broadcast %broadcast_in_dim3A_1656 : f32 to vector<32x128xf32>
    %slice3A_1658 = vector.extract_strided_slice %select_n3A_1640 {offsets = [0, 0], sizes = [480, 128], strides = [1, 1]} : vector<512x128xf32> to vector<480x128xf32>
    %concatenate3A_1659 = tpu.concatenate %broadcast_in_dim3A_1657, %slice3A_1658 in 0 : vector<32x128xf32>, vector<480x128xf32> -> vector<512x128xf32>
    %broadcast_in_dim3A_1660 = arith.constant 0.000000e+00 : f32
    %broadcast_in_dim3A_1661 = vector.broadcast %broadcast_in_dim3A_1660 : f32 to vector<32x128xf32>
    %slice3A_1662 = vector.extract_strided_slice %select_n3A_1640 {offsets = [32, 0], sizes = [480, 128], strides = [1, 1]} : vector<512x128xf32> to vector<480x128xf32>
    %concatenate3A_1663 = tpu.concatenate %slice3A_1662, %broadcast_in_dim3A_1661 in 0 : vector<480x128xf32>, vector<32x128xf32> -> vector<512x128xf32>
    %broadcast_in_dim3A_1664 = vector.shape_cast %ne3A_1648 : vector<512x1xi1> to vector<512x1xi1>
    %broadcast_in_dim3A_1665 = vector.broadcast %broadcast_in_dim3A_1664 : vector<512x1xi1> to vector<512x128xi1>
    %select_n3A_1666 = arith.select %broadcast_in_dim3A_1665, %concatenate3A_1659, %concatenate3A_1663 : vector<512x128xi1>, vector<512x128xf32>
    %broadcast_in_dim3A_1667 = arith.constant 0 : i32
    %broadcast_in_dim3A_1668 = vector.broadcast %broadcast_in_dim3A_1667 : i32 to vector<32x128xi32>
    %slice3A_1669 = vector.extract_strided_slice %select_n3A_1642 {offsets = [0, 0], sizes = [480, 128], strides = [1, 1]} : vector<512x128xi32> to vector<480x128xi32>
    %concatenate3A_1670 = tpu.concatenate %broadcast_in_dim3A_1668, %slice3A_1669 in 0 : vector<32x128xi32>, vector<480x128xi32> -> vector<512x128xi32>
    %broadcast_in_dim3A_1671 = arith.constant 0 : i32
    %broadcast_in_dim3A_1672 = vector.broadcast %broadcast_in_dim3A_1671 : i32 to vector<32x128xi32>
    %slice3A_1673 = vector.extract_strided_slice %select_n3A_1642 {offsets = [32, 0], sizes = [480, 128], strides = [1, 1]} : vector<512x128xi32> to vector<480x128xi32>
    %concatenate3A_1674 = tpu.concatenate %slice3A_1673, %broadcast_in_dim3A_1672 in 0 : vector<480x128xi32>, vector<32x128xi32> -> vector<512x128xi32>
    %broadcast_in_dim3A_1675 = vector.shape_cast %ne3A_1648 : vector<512x1xi1> to vector<512x1xi1>
    %broadcast_in_dim3A_1676 = vector.broadcast %broadcast_in_dim3A_1675 : vector<512x1xi1> to vector<512x128xi1>
    %select_n3A_1677 = arith.select %broadcast_in_dim3A_1676, %concatenate3A_1670, %concatenate3A_1674 : vector<512x128xi1>, vector<512x128xi32>
    %min3A_1678 = arith.minimumf %select_n3A_1640, %select_n3A_1666 : vector<512x128xf32>
    %max3A_1679 = arith.maximumf %select_n3A_1640, %select_n3A_1666 : vector<512x128xf32>
    %broadcast_in_dim3A_1680 = vector.shape_cast %ne3A_1655 : vector<512x1xi1> to vector<512x1xi1>
    %broadcast_in_dim3A_1681 = vector.broadcast %broadcast_in_dim3A_1680 : vector<512x1xi1> to vector<512x128xi1>
    %select_n3A_1682 = arith.select %broadcast_in_dim3A_1681, %min3A_1678, %max3A_1679 : vector<512x128xi1>, vector<512x128xf32>
    %eq3A_1683 = arith.cmpf oeq, %select_n3A_1682, %select_n3A_1640 : vector<512x128xf32>
    %select_n3A_1684 = arith.select %eq3A_1683, %select_n3A_1642, %select_n3A_1677 : vector<512x128xi1>, vector<512x128xi32>
    %and3A_1685 = arith.constant 16 : i32
    %and3A_1686 = vector.broadcast %and3A_1685 : i32 to vector<512x1xi32>
    %and3A_1687 = arith.andi %iota3A_12, %and3A_1686 : vector<512x1xi32>
    %ne3A_1688 = arith.constant 0 : i32
    %ne3A_1689 = vector.broadcast %ne3A_1688 : i32 to vector<512x1xi32>
    %ne3A_1690 = arith.cmpi ne, %and3A_1687, %ne3A_1689 : vector<512x1xi32>
    %and3A_1691 = arith.constant 512 : i32
    %and3A_1692 = vector.broadcast %and3A_1691 : i32 to vector<512x1xi32>
    %and3A_1693 = arith.andi %iota3A_12, %and3A_1692 : vector<512x1xi32>
    %eq3A_1694 = arith.constant 0 : i32
    %eq3A_1695 = vector.broadcast %eq3A_1694 : i32 to vector<512x1xi32>
    %eq3A_1696 = arith.cmpi eq, %and3A_1693, %eq3A_1695 : vector<512x1xi32>
    %ne3A_1697 = arith.xori %eq3A_1696, %ne3A_1690 : vector<512x1xi1>
    %broadcast_in_dim3A_1698 = arith.constant 0.000000e+00 : f32
    %broadcast_in_dim3A_1699 = vector.broadcast %broadcast_in_dim3A_1698 : f32 to vector<16x128xf32>
    %slice3A_1700 = vector.extract_strided_slice %select_n3A_1682 {offsets = [0, 0], sizes = [496, 128], strides = [1, 1]} : vector<512x128xf32> to vector<496x128xf32>
    %concatenate3A_1701 = tpu.concatenate %broadcast_in_dim3A_1699, %slice3A_1700 in 0 : vector<16x128xf32>, vector<496x128xf32> -> vector<512x128xf32>
    %broadcast_in_dim3A_1702 = arith.constant 0.000000e+00 : f32
    %broadcast_in_dim3A_1703 = vector.broadcast %broadcast_in_dim3A_1702 : f32 to vector<16x128xf32>
    %slice3A_1704 = vector.extract_strided_slice %select_n3A_1682 {offsets = [16, 0], sizes = [496, 128], strides = [1, 1]} : vector<512x128xf32> to vector<496x128xf32>
    %concatenate3A_1705 = tpu.concatenate %slice3A_1704, %broadcast_in_dim3A_1703 in 0 : vector<496x128xf32>, vector<16x128xf32> -> vector<512x128xf32>
    %broadcast_in_dim3A_1706 = vector.shape_cast %ne3A_1690 : vector<512x1xi1> to vector<512x1xi1>
    %broadcast_in_dim3A_1707 = vector.broadcast %broadcast_in_dim3A_1706 : vector<512x1xi1> to vector<512x128xi1>
    %select_n3A_1708 = arith.select %broadcast_in_dim3A_1707, %concatenate3A_1701, %concatenate3A_1705 : vector<512x128xi1>, vector<512x128xf32>
    %broadcast_in_dim3A_1709 = arith.constant 0 : i32
    %broadcast_in_dim3A_1710 = vector.broadcast %broadcast_in_dim3A_1709 : i32 to vector<16x128xi32>
    %slice3A_1711 = vector.extract_strided_slice %select_n3A_1684 {offsets = [0, 0], sizes = [496, 128], strides = [1, 1]} : vector<512x128xi32> to vector<496x128xi32>
    %concatenate3A_1712 = tpu.concatenate %broadcast_in_dim3A_1710, %slice3A_1711 in 0 : vector<16x128xi32>, vector<496x128xi32> -> vector<512x128xi32>
    %broadcast_in_dim3A_1713 = arith.constant 0 : i32
    %broadcast_in_dim3A_1714 = vector.broadcast %broadcast_in_dim3A_1713 : i32 to vector<16x128xi32>
    %slice3A_1715 = vector.extract_strided_slice %select_n3A_1684 {offsets = [16, 0], sizes = [496, 128], strides = [1, 1]} : vector<512x128xi32> to vector<496x128xi32>
    %concatenate3A_1716 = tpu.concatenate %slice3A_1715, %broadcast_in_dim3A_1714 in 0 : vector<496x128xi32>, vector<16x128xi32> -> vector<512x128xi32>
    %broadcast_in_dim3A_1717 = vector.shape_cast %ne3A_1690 : vector<512x1xi1> to vector<512x1xi1>
    %broadcast_in_dim3A_1718 = vector.broadcast %broadcast_in_dim3A_1717 : vector<512x1xi1> to vector<512x128xi1>
    %select_n3A_1719 = arith.select %broadcast_in_dim3A_1718, %concatenate3A_1712, %concatenate3A_1716 : vector<512x128xi1>, vector<512x128xi32>
    %min3A_1720 = arith.minimumf %select_n3A_1682, %select_n3A_1708 : vector<512x128xf32>
    %max3A_1721 = arith.maximumf %select_n3A_1682, %select_n3A_1708 : vector<512x128xf32>
    %broadcast_in_dim3A_1722 = vector.shape_cast %ne3A_1697 : vector<512x1xi1> to vector<512x1xi1>
    %broadcast_in_dim3A_1723 = vector.broadcast %broadcast_in_dim3A_1722 : vector<512x1xi1> to vector<512x128xi1>
    %select_n3A_1724 = arith.select %broadcast_in_dim3A_1723, %min3A_1720, %max3A_1721 : vector<512x128xi1>, vector<512x128xf32>
    %eq3A_1725 = arith.cmpf oeq, %select_n3A_1724, %select_n3A_1682 : vector<512x128xf32>
    %select_n3A_1726 = arith.select %eq3A_1725, %select_n3A_1684, %select_n3A_1719 : vector<512x128xi1>, vector<512x128xi32>
    %and3A_1727 = arith.constant 8 : i32
    %and3A_1728 = vector.broadcast %and3A_1727 : i32 to vector<512x1xi32>
    %and3A_1729 = arith.andi %iota3A_12, %and3A_1728 : vector<512x1xi32>
    %ne3A_1730 = arith.constant 0 : i32
    %ne3A_1731 = vector.broadcast %ne3A_1730 : i32 to vector<512x1xi32>
    %ne3A_1732 = arith.cmpi ne, %and3A_1729, %ne3A_1731 : vector<512x1xi32>
    %and3A_1733 = arith.constant 512 : i32
    %and3A_1734 = vector.broadcast %and3A_1733 : i32 to vector<512x1xi32>
    %and3A_1735 = arith.andi %iota3A_12, %and3A_1734 : vector<512x1xi32>
    %eq3A_1736 = arith.constant 0 : i32
    %eq3A_1737 = vector.broadcast %eq3A_1736 : i32 to vector<512x1xi32>
    %eq3A_1738 = arith.cmpi eq, %and3A_1735, %eq3A_1737 : vector<512x1xi32>
    %ne3A_1739 = arith.xori %eq3A_1738, %ne3A_1732 : vector<512x1xi1>
    %broadcast_in_dim3A_1740 = arith.constant 0.000000e+00 : f32
    %broadcast_in_dim3A_1741 = vector.broadcast %broadcast_in_dim3A_1740 : f32 to vector<8x128xf32>
    %slice3A_1742 = vector.extract_strided_slice %select_n3A_1724 {offsets = [0, 0], sizes = [504, 128], strides = [1, 1]} : vector<512x128xf32> to vector<504x128xf32>
    %concatenate3A_1743 = tpu.concatenate %broadcast_in_dim3A_1741, %slice3A_1742 in 0 : vector<8x128xf32>, vector<504x128xf32> -> vector<512x128xf32>
    %broadcast_in_dim3A_1744 = arith.constant 0.000000e+00 : f32
    %broadcast_in_dim3A_1745 = vector.broadcast %broadcast_in_dim3A_1744 : f32 to vector<8x128xf32>
    %slice3A_1746 = vector.extract_strided_slice %select_n3A_1724 {offsets = [8, 0], sizes = [504, 128], strides = [1, 1]} : vector<512x128xf32> to vector<504x128xf32>
    %concatenate3A_1747 = tpu.concatenate %slice3A_1746, %broadcast_in_dim3A_1745 in 0 : vector<504x128xf32>, vector<8x128xf32> -> vector<512x128xf32>
    %broadcast_in_dim3A_1748 = vector.shape_cast %ne3A_1732 : vector<512x1xi1> to vector<512x1xi1>
    %broadcast_in_dim3A_1749 = vector.broadcast %broadcast_in_dim3A_1748 : vector<512x1xi1> to vector<512x128xi1>
    %select_n3A_1750 = arith.select %broadcast_in_dim3A_1749, %concatenate3A_1743, %concatenate3A_1747 : vector<512x128xi1>, vector<512x128xf32>
    %broadcast_in_dim3A_1751 = arith.constant 0 : i32
    %broadcast_in_dim3A_1752 = vector.broadcast %broadcast_in_dim3A_1751 : i32 to vector<8x128xi32>
    %slice3A_1753 = vector.extract_strided_slice %select_n3A_1726 {offsets = [0, 0], sizes = [504, 128], strides = [1, 1]} : vector<512x128xi32> to vector<504x128xi32>
    %concatenate3A_1754 = tpu.concatenate %broadcast_in_dim3A_1752, %slice3A_1753 in 0 : vector<8x128xi32>, vector<504x128xi32> -> vector<512x128xi32>
    %broadcast_in_dim3A_1755 = arith.constant 0 : i32
    %broadcast_in_dim3A_1756 = vector.broadcast %broadcast_in_dim3A_1755 : i32 to vector<8x128xi32>
    %slice3A_1757 = vector.extract_strided_slice %select_n3A_1726 {offsets = [8, 0], sizes = [504, 128], strides = [1, 1]} : vector<512x128xi32> to vector<504x128xi32>
    %concatenate3A_1758 = tpu.concatenate %slice3A_1757, %broadcast_in_dim3A_1756 in 0 : vector<504x128xi32>, vector<8x128xi32> -> vector<512x128xi32>
    %broadcast_in_dim3A_1759 = vector.shape_cast %ne3A_1732 : vector<512x1xi1> to vector<512x1xi1>
    %broadcast_in_dim3A_1760 = vector.broadcast %broadcast_in_dim3A_1759 : vector<512x1xi1> to vector<512x128xi1>
    %select_n3A_1761 = arith.select %broadcast_in_dim3A_1760, %concatenate3A_1754, %concatenate3A_1758 : vector<512x128xi1>, vector<512x128xi32>
    %min3A_1762 = arith.minimumf %select_n3A_1724, %select_n3A_1750 : vector<512x128xf32>
    %max3A_1763 = arith.maximumf %select_n3A_1724, %select_n3A_1750 : vector<512x128xf32>
    %broadcast_in_dim3A_1764 = vector.shape_cast %ne3A_1739 : vector<512x1xi1> to vector<512x1xi1>
    %broadcast_in_dim3A_1765 = vector.broadcast %broadcast_in_dim3A_1764 : vector<512x1xi1> to vector<512x128xi1>
    %select_n3A_1766 = arith.select %broadcast_in_dim3A_1765, %min3A_1762, %max3A_1763 : vector<512x128xi1>, vector<512x128xf32>
    %eq3A_1767 = arith.cmpf oeq, %select_n3A_1766, %select_n3A_1724 : vector<512x128xf32>
    %select_n3A_1768 = arith.select %eq3A_1767, %select_n3A_1726, %select_n3A_1761 : vector<512x128xi1>, vector<512x128xi32>
    %and3A_1769 = arith.constant 4 : i32
    %and3A_1770 = vector.broadcast %and3A_1769 : i32 to vector<512x1xi32>
    %and3A_1771 = arith.andi %iota3A_12, %and3A_1770 : vector<512x1xi32>
    %ne3A_1772 = arith.constant 0 : i32
    %ne3A_1773 = vector.broadcast %ne3A_1772 : i32 to vector<512x1xi32>
    %ne3A_1774 = arith.cmpi ne, %and3A_1771, %ne3A_1773 : vector<512x1xi32>
    %and3A_1775 = arith.constant 512 : i32
    %and3A_1776 = vector.broadcast %and3A_1775 : i32 to vector<512x1xi32>
    %and3A_1777 = arith.andi %iota3A_12, %and3A_1776 : vector<512x1xi32>
    %eq3A_1778 = arith.constant 0 : i32
    %eq3A_1779 = vector.broadcast %eq3A_1778 : i32 to vector<512x1xi32>
    %eq3A_1780 = arith.cmpi eq, %and3A_1777, %eq3A_1779 : vector<512x1xi32>
    %ne3A_1781 = arith.xori %eq3A_1780, %ne3A_1774 : vector<512x1xi1>
    %broadcast_in_dim3A_1782 = arith.constant 0.000000e+00 : f32
    %broadcast_in_dim3A_1783 = vector.broadcast %broadcast_in_dim3A_1782 : f32 to vector<4x128xf32>
    %slice3A_1784 = vector.extract_strided_slice %select_n3A_1766 {offsets = [0, 0], sizes = [508, 128], strides = [1, 1]} : vector<512x128xf32> to vector<508x128xf32>
    %concatenate3A_1785 = tpu.concatenate %broadcast_in_dim3A_1783, %slice3A_1784 in 0 : vector<4x128xf32>, vector<508x128xf32> -> vector<512x128xf32>
    %broadcast_in_dim3A_1786 = arith.constant 0.000000e+00 : f32
    %broadcast_in_dim3A_1787 = vector.broadcast %broadcast_in_dim3A_1786 : f32 to vector<4x128xf32>
    %slice3A_1788 = vector.extract_strided_slice %select_n3A_1766 {offsets = [4, 0], sizes = [508, 128], strides = [1, 1]} : vector<512x128xf32> to vector<508x128xf32>
    %concatenate3A_1789 = tpu.concatenate %slice3A_1788, %broadcast_in_dim3A_1787 in 0 : vector<508x128xf32>, vector<4x128xf32> -> vector<512x128xf32>
    %broadcast_in_dim3A_1790 = vector.shape_cast %ne3A_1774 : vector<512x1xi1> to vector<512x1xi1>
    %broadcast_in_dim3A_1791 = vector.broadcast %broadcast_in_dim3A_1790 : vector<512x1xi1> to vector<512x128xi1>
    %select_n3A_1792 = arith.select %broadcast_in_dim3A_1791, %concatenate3A_1785, %concatenate3A_1789 : vector<512x128xi1>, vector<512x128xf32>
    %broadcast_in_dim3A_1793 = arith.constant 0 : i32
    %broadcast_in_dim3A_1794 = vector.broadcast %broadcast_in_dim3A_1793 : i32 to vector<4x128xi32>
    %slice3A_1795 = vector.extract_strided_slice %select_n3A_1768 {offsets = [0, 0], sizes = [508, 128], strides = [1, 1]} : vector<512x128xi32> to vector<508x128xi32>
    %concatenate3A_1796 = tpu.concatenate %broadcast_in_dim3A_1794, %slice3A_1795 in 0 : vector<4x128xi32>, vector<508x128xi32> -> vector<512x128xi32>
    %broadcast_in_dim3A_1797 = arith.constant 0 : i32
    %broadcast_in_dim3A_1798 = vector.broadcast %broadcast_in_dim3A_1797 : i32 to vector<4x128xi32>
    %slice3A_1799 = vector.extract_strided_slice %select_n3A_1768 {offsets = [4, 0], sizes = [508, 128], strides = [1, 1]} : vector<512x128xi32> to vector<508x128xi32>
    %concatenate3A_1800 = tpu.concatenate %slice3A_1799, %broadcast_in_dim3A_1798 in 0 : vector<508x128xi32>, vector<4x128xi32> -> vector<512x128xi32>
    %broadcast_in_dim3A_1801 = vector.shape_cast %ne3A_1774 : vector<512x1xi1> to vector<512x1xi1>
    %broadcast_in_dim3A_1802 = vector.broadcast %broadcast_in_dim3A_1801 : vector<512x1xi1> to vector<512x128xi1>
    %select_n3A_1803 = arith.select %broadcast_in_dim3A_1802, %concatenate3A_1796, %concatenate3A_1800 : vector<512x128xi1>, vector<512x128xi32>
    %min3A_1804 = arith.minimumf %select_n3A_1766, %select_n3A_1792 : vector<512x128xf32>
    %max3A_1805 = arith.maximumf %select_n3A_1766, %select_n3A_1792 : vector<512x128xf32>
    %broadcast_in_dim3A_1806 = vector.shape_cast %ne3A_1781 : vector<512x1xi1> to vector<512x1xi1>
    %broadcast_in_dim3A_1807 = vector.broadcast %broadcast_in_dim3A_1806 : vector<512x1xi1> to vector<512x128xi1>
    %select_n3A_1808 = arith.select %broadcast_in_dim3A_1807, %min3A_1804, %max3A_1805 : vector<512x128xi1>, vector<512x128xf32>
    %eq3A_1809 = arith.cmpf oeq, %select_n3A_1808, %select_n3A_1766 : vector<512x128xf32>
    %select_n3A_1810 = arith.select %eq3A_1809, %select_n3A_1768, %select_n3A_1803 : vector<512x128xi1>, vector<512x128xi32>
    %and3A_1811 = arith.constant 2 : i32
    %and3A_1812 = vector.broadcast %and3A_1811 : i32 to vector<512x1xi32>
    %and3A_1813 = arith.andi %iota3A_12, %and3A_1812 : vector<512x1xi32>
    %ne3A_1814 = arith.constant 0 : i32
    %ne3A_1815 = vector.broadcast %ne3A_1814 : i32 to vector<512x1xi32>
    %ne3A_1816 = arith.cmpi ne, %and3A_1813, %ne3A_1815 : vector<512x1xi32>
    %and3A_1817 = arith.constant 512 : i32
    %and3A_1818 = vector.broadcast %and3A_1817 : i32 to vector<512x1xi32>
    %and3A_1819 = arith.andi %iota3A_12, %and3A_1818 : vector<512x1xi32>
    %eq3A_1820 = arith.constant 0 : i32
    %eq3A_1821 = vector.broadcast %eq3A_1820 : i32 to vector<512x1xi32>
    %eq3A_1822 = arith.cmpi eq, %and3A_1819, %eq3A_1821 : vector<512x1xi32>
    %ne3A_1823 = arith.xori %eq3A_1822, %ne3A_1816 : vector<512x1xi1>
    %broadcast_in_dim3A_1824 = arith.constant 0.000000e+00 : f32
    %broadcast_in_dim3A_1825 = vector.broadcast %broadcast_in_dim3A_1824 : f32 to vector<2x128xf32>
    %slice3A_1826 = vector.extract_strided_slice %select_n3A_1808 {offsets = [0, 0], sizes = [510, 128], strides = [1, 1]} : vector<512x128xf32> to vector<510x128xf32>
    %concatenate3A_1827 = tpu.concatenate %broadcast_in_dim3A_1825, %slice3A_1826 in 0 : vector<2x128xf32>, vector<510x128xf32> -> vector<512x128xf32>
    %broadcast_in_dim3A_1828 = arith.constant 0.000000e+00 : f32
    %broadcast_in_dim3A_1829 = vector.broadcast %broadcast_in_dim3A_1828 : f32 to vector<2x128xf32>
    %slice3A_1830 = vector.extract_strided_slice %select_n3A_1808 {offsets = [2, 0], sizes = [510, 128], strides = [1, 1]} : vector<512x128xf32> to vector<510x128xf32>
    %concatenate3A_1831 = tpu.concatenate %slice3A_1830, %broadcast_in_dim3A_1829 in 0 : vector<510x128xf32>, vector<2x128xf32> -> vector<512x128xf32>
    %broadcast_in_dim3A_1832 = vector.shape_cast %ne3A_1816 : vector<512x1xi1> to vector<512x1xi1>
    %broadcast_in_dim3A_1833 = vector.broadcast %broadcast_in_dim3A_1832 : vector<512x1xi1> to vector<512x128xi1>
    %select_n3A_1834 = arith.select %broadcast_in_dim3A_1833, %concatenate3A_1827, %concatenate3A_1831 : vector<512x128xi1>, vector<512x128xf32>
    %broadcast_in_dim3A_1835 = arith.constant 0 : i32
    %broadcast_in_dim3A_1836 = vector.broadcast %broadcast_in_dim3A_1835 : i32 to vector<2x128xi32>
    %slice3A_1837 = vector.extract_strided_slice %select_n3A_1810 {offsets = [0, 0], sizes = [510, 128], strides = [1, 1]} : vector<512x128xi32> to vector<510x128xi32>
    %concatenate3A_1838 = tpu.concatenate %broadcast_in_dim3A_1836, %slice3A_1837 in 0 : vector<2x128xi32>, vector<510x128xi32> -> vector<512x128xi32>
    %broadcast_in_dim3A_1839 = arith.constant 0 : i32
    %broadcast_in_dim3A_1840 = vector.broadcast %broadcast_in_dim3A_1839 : i32 to vector<2x128xi32>
    %slice3A_1841 = vector.extract_strided_slice %select_n3A_1810 {offsets = [2, 0], sizes = [510, 128], strides = [1, 1]} : vector<512x128xi32> to vector<510x128xi32>
    %concatenate3A_1842 = tpu.concatenate %slice3A_1841, %broadcast_in_dim3A_1840 in 0 : vector<510x128xi32>, vector<2x128xi32> -> vector<512x128xi32>
    %broadcast_in_dim3A_1843 = vector.shape_cast %ne3A_1816 : vector<512x1xi1> to vector<512x1xi1>
    %broadcast_in_dim3A_1844 = vector.broadcast %broadcast_in_dim3A_1843 : vector<512x1xi1> to vector<512x128xi1>
    %select_n3A_1845 = arith.select %broadcast_in_dim3A_1844, %concatenate3A_1838, %concatenate3A_1842 : vector<512x128xi1>, vector<512x128xi32>
    %min3A_1846 = arith.minimumf %select_n3A_1808, %select_n3A_1834 : vector<512x128xf32>
    %max3A_1847 = arith.maximumf %select_n3A_1808, %select_n3A_1834 : vector<512x128xf32>
    %broadcast_in_dim3A_1848 = vector.shape_cast %ne3A_1823 : vector<512x1xi1> to vector<512x1xi1>
    %broadcast_in_dim3A_1849 = vector.broadcast %broadcast_in_dim3A_1848 : vector<512x1xi1> to vector<512x128xi1>
    %select_n3A_1850 = arith.select %broadcast_in_dim3A_1849, %min3A_1846, %max3A_1847 : vector<512x128xi1>, vector<512x128xf32>
    %eq3A_1851 = arith.cmpf oeq, %select_n3A_1850, %select_n3A_1808 : vector<512x128xf32>
    %select_n3A_1852 = arith.select %eq3A_1851, %select_n3A_1810, %select_n3A_1845 : vector<512x128xi1>, vector<512x128xi32>
    %and3A_1853 = arith.constant 1 : i32
    %and3A_1854 = vector.broadcast %and3A_1853 : i32 to vector<512x1xi32>
    %and3A_1855 = arith.andi %iota3A_12, %and3A_1854 : vector<512x1xi32>
    %ne3A_1856 = arith.constant 0 : i32
    %ne3A_1857 = vector.broadcast %ne3A_1856 : i32 to vector<512x1xi32>
    %ne3A_1858 = arith.cmpi ne, %and3A_1855, %ne3A_1857 : vector<512x1xi32>
    %and3A_1859 = arith.constant 512 : i32
    %and3A_1860 = vector.broadcast %and3A_1859 : i32 to vector<512x1xi32>
    %and3A_1861 = arith.andi %iota3A_12, %and3A_1860 : vector<512x1xi32>
    %eq3A_1862 = arith.constant 0 : i32
    %eq3A_1863 = vector.broadcast %eq3A_1862 : i32 to vector<512x1xi32>
    %eq3A_1864 = arith.cmpi eq, %and3A_1861, %eq3A_1863 : vector<512x1xi32>
    %ne3A_1865 = arith.xori %eq3A_1864, %ne3A_1858 : vector<512x1xi1>
    %broadcast_in_dim3A_1866 = arith.constant 0.000000e+00 : f32
    %broadcast_in_dim3A_1867 = vector.broadcast %broadcast_in_dim3A_1866 : f32 to vector<1x128xf32>
    %slice3A_1868 = vector.extract_strided_slice %select_n3A_1850 {offsets = [0, 0], sizes = [511, 128], strides = [1, 1]} : vector<512x128xf32> to vector<511x128xf32>
    %concatenate3A_1869 = tpu.concatenate %broadcast_in_dim3A_1867, %slice3A_1868 in 0 : vector<1x128xf32>, vector<511x128xf32> -> vector<512x128xf32>
    %broadcast_in_dim3A_1870 = arith.constant 0.000000e+00 : f32
    %broadcast_in_dim3A_1871 = vector.broadcast %broadcast_in_dim3A_1870 : f32 to vector<1x128xf32>
    %slice3A_1872 = vector.extract_strided_slice %select_n3A_1850 {offsets = [1, 0], sizes = [511, 128], strides = [1, 1]} : vector<512x128xf32> to vector<511x128xf32>
    %concatenate3A_1873 = tpu.concatenate %slice3A_1872, %broadcast_in_dim3A_1871 in 0 : vector<511x128xf32>, vector<1x128xf32> -> vector<512x128xf32>
    %broadcast_in_dim3A_1874 = vector.shape_cast %ne3A_1858 : vector<512x1xi1> to vector<512x1xi1>
    %broadcast_in_dim3A_1875 = vector.broadcast %broadcast_in_dim3A_1874 : vector<512x1xi1> to vector<512x128xi1>
    %select_n3A_1876 = arith.select %broadcast_in_dim3A_1875, %concatenate3A_1869, %concatenate3A_1873 : vector<512x128xi1>, vector<512x128xf32>
    %broadcast_in_dim3A_1877 = arith.constant 0 : i32
    %broadcast_in_dim3A_1878 = vector.broadcast %broadcast_in_dim3A_1877 : i32 to vector<1x128xi32>
    %slice3A_1879 = vector.extract_strided_slice %select_n3A_1852 {offsets = [0, 0], sizes = [511, 128], strides = [1, 1]} : vector<512x128xi32> to vector<511x128xi32>
    %concatenate3A_1880 = tpu.concatenate %broadcast_in_dim3A_1878, %slice3A_1879 in 0 : vector<1x128xi32>, vector<511x128xi32> -> vector<512x128xi32>
    %broadcast_in_dim3A_1881 = arith.constant 0 : i32
    %broadcast_in_dim3A_1882 = vector.broadcast %broadcast_in_dim3A_1881 : i32 to vector<1x128xi32>
    %slice3A_1883 = vector.extract_strided_slice %select_n3A_1852 {offsets = [1, 0], sizes = [511, 128], strides = [1, 1]} : vector<512x128xi32> to vector<511x128xi32>
    %concatenate3A_1884 = tpu.concatenate %slice3A_1883, %broadcast_in_dim3A_1882 in 0 : vector<511x128xi32>, vector<1x128xi32> -> vector<512x128xi32>
    %broadcast_in_dim3A_1885 = vector.shape_cast %ne3A_1858 : vector<512x1xi1> to vector<512x1xi1>
    %broadcast_in_dim3A_1886 = vector.broadcast %broadcast_in_dim3A_1885 : vector<512x1xi1> to vector<512x128xi1>
    %select_n3A_1887 = arith.select %broadcast_in_dim3A_1886, %concatenate3A_1880, %concatenate3A_1884 : vector<512x128xi1>, vector<512x128xi32>
    %min3A_1888 = arith.minimumf %select_n3A_1850, %select_n3A_1876 : vector<512x128xf32>
    %max3A_1889 = arith.maximumf %select_n3A_1850, %select_n3A_1876 : vector<512x128xf32>
    %broadcast_in_dim3A_1890 = vector.shape_cast %ne3A_1865 : vector<512x1xi1> to vector<512x1xi1>
    %broadcast_in_dim3A_1891 = vector.broadcast %broadcast_in_dim3A_1890 : vector<512x1xi1> to vector<512x128xi1>
    %select_n3A_1892 = arith.select %broadcast_in_dim3A_1891, %min3A_1888, %max3A_1889 : vector<512x128xi1>, vector<512x128xf32>
    %eq3A_1893 = arith.cmpf oeq, %select_n3A_1892, %select_n3A_1850 : vector<512x128xf32>
    %select_n3A_1894 = arith.select %eq3A_1893, %select_n3A_1852, %select_n3A_1887 : vector<512x128xi1>, vector<512x128xi32>
    %broadcast_in_dim3A_1895 = arith.constant -3.000000e+38 : f32
    %broadcast_in_dim3A_1896 = vector.broadcast %broadcast_in_dim3A_1895 : f32 to vector<5x128xf32>
    %slice3A_1897 = vector.extract_strided_slice %select_n3A_1892 {offsets = [0, 0], sizes = [507, 128], strides = [1, 1]} : vector<512x128xf32> to vector<507x128xf32>
    %concatenate3A_1898 = tpu.concatenate %broadcast_in_dim3A_1896, %slice3A_1897 in 0 : vector<5x128xf32>, vector<507x128xf32> -> vector<512x128xf32>
    %broadcast_in_dim3A_1899 = arith.constant -3.000000e+38 : f32
    %broadcast_in_dim3A_1900 = vector.broadcast %broadcast_in_dim3A_1899 : f32 to vector<4x128xf32>
    %slice3A_1901 = vector.extract_strided_slice %select_n3A_1892 {offsets = [0, 0], sizes = [508, 128], strides = [1, 1]} : vector<512x128xf32> to vector<508x128xf32>
    %concatenate3A_1902 = tpu.concatenate %broadcast_in_dim3A_1900, %slice3A_1901 in 0 : vector<4x128xf32>, vector<508x128xf32> -> vector<512x128xf32>
    %broadcast_in_dim3A_1903 = arith.constant -3.000000e+38 : f32
    %broadcast_in_dim3A_1904 = vector.broadcast %broadcast_in_dim3A_1903 : f32 to vector<3x128xf32>
    %slice3A_1905 = vector.extract_strided_slice %select_n3A_1892 {offsets = [0, 0], sizes = [509, 128], strides = [1, 1]} : vector<512x128xf32> to vector<509x128xf32>
    %concatenate3A_1906 = tpu.concatenate %broadcast_in_dim3A_1904, %slice3A_1905 in 0 : vector<3x128xf32>, vector<509x128xf32> -> vector<512x128xf32>
    %broadcast_in_dim3A_1907 = arith.constant -3.000000e+38 : f32
    %broadcast_in_dim3A_1908 = vector.broadcast %broadcast_in_dim3A_1907 : f32 to vector<2x128xf32>
    %slice3A_1909 = vector.extract_strided_slice %select_n3A_1892 {offsets = [0, 0], sizes = [510, 128], strides = [1, 1]} : vector<512x128xf32> to vector<510x128xf32>
    %concatenate3A_1910 = tpu.concatenate %broadcast_in_dim3A_1908, %slice3A_1909 in 0 : vector<2x128xf32>, vector<510x128xf32> -> vector<512x128xf32>
    %broadcast_in_dim3A_1911 = arith.constant -3.000000e+38 : f32
    %broadcast_in_dim3A_1912 = vector.broadcast %broadcast_in_dim3A_1911 : f32 to vector<1x128xf32>
    %slice3A_1913 = vector.extract_strided_slice %select_n3A_1892 {offsets = [0, 0], sizes = [511, 128], strides = [1, 1]} : vector<512x128xf32> to vector<511x128xf32>
    %concatenate3A_1914 = tpu.concatenate %broadcast_in_dim3A_1912, %slice3A_1913 in 0 : vector<1x128xf32>, vector<511x128xf32> -> vector<512x128xf32>
    %broadcast_in_dim3A_1915 = arith.constant 3.000000e+38 : f32
    %broadcast_in_dim3A_1916 = vector.broadcast %broadcast_in_dim3A_1915 : f32 to vector<1x128xf32>
    %slice3A_1917 = vector.extract_strided_slice %select_n3A_1892 {offsets = [1, 0], sizes = [511, 128], strides = [1, 1]} : vector<512x128xf32> to vector<511x128xf32>
    %concatenate3A_1918 = tpu.concatenate %slice3A_1917, %broadcast_in_dim3A_1916 in 0 : vector<511x128xf32>, vector<1x128xf32> -> vector<512x128xf32>
    %broadcast_in_dim3A_1919 = arith.constant 3.000000e+38 : f32
    %broadcast_in_dim3A_1920 = vector.broadcast %broadcast_in_dim3A_1919 : f32 to vector<2x128xf32>
    %slice3A_1921 = vector.extract_strided_slice %select_n3A_1892 {offsets = [2, 0], sizes = [510, 128], strides = [1, 1]} : vector<512x128xf32> to vector<510x128xf32>
    %concatenate3A_1922 = tpu.concatenate %slice3A_1921, %broadcast_in_dim3A_1920 in 0 : vector<510x128xf32>, vector<2x128xf32> -> vector<512x128xf32>
    %broadcast_in_dim3A_1923 = arith.constant 3.000000e+38 : f32
    %broadcast_in_dim3A_1924 = vector.broadcast %broadcast_in_dim3A_1923 : f32 to vector<3x128xf32>
    %slice3A_1925 = vector.extract_strided_slice %select_n3A_1892 {offsets = [3, 0], sizes = [509, 128], strides = [1, 1]} : vector<512x128xf32> to vector<509x128xf32>
    %concatenate3A_1926 = tpu.concatenate %slice3A_1925, %broadcast_in_dim3A_1924 in 0 : vector<509x128xf32>, vector<3x128xf32> -> vector<512x128xf32>
    %broadcast_in_dim3A_1927 = arith.constant 3.000000e+38 : f32
    %broadcast_in_dim3A_1928 = vector.broadcast %broadcast_in_dim3A_1927 : f32 to vector<4x128xf32>
    %slice3A_1929 = vector.extract_strided_slice %select_n3A_1892 {offsets = [4, 0], sizes = [508, 128], strides = [1, 1]} : vector<512x128xf32> to vector<508x128xf32>
    %concatenate3A_1930 = tpu.concatenate %slice3A_1929, %broadcast_in_dim3A_1928 in 0 : vector<508x128xf32>, vector<4x128xf32> -> vector<512x128xf32>
    %broadcast_in_dim3A_1931 = arith.constant 3.000000e+38 : f32
    %broadcast_in_dim3A_1932 = vector.broadcast %broadcast_in_dim3A_1931 : f32 to vector<5x128xf32>
    %slice3A_1933 = vector.extract_strided_slice %select_n3A_1892 {offsets = [5, 0], sizes = [507, 128], strides = [1, 1]} : vector<512x128xf32> to vector<507x128xf32>
    %concatenate3A_1934 = tpu.concatenate %slice3A_1933, %broadcast_in_dim3A_1932 in 0 : vector<507x128xf32>, vector<5x128xf32> -> vector<512x128xf32>
    %broadcast_in_dim3A_1935 = arith.constant 0.000000e+00 : f32
    %broadcast_in_dim3A_1936 = vector.broadcast %broadcast_in_dim3A_1935 : f32 to vector<5x128xf32>
    %slice3A_1937 = vector.extract_strided_slice %select_n3A_1892 {offsets = [0, 0], sizes = [507, 128], strides = [1, 1]} : vector<512x128xf32> to vector<507x128xf32>
    %concatenate3A_1938 = tpu.concatenate %broadcast_in_dim3A_1936, %slice3A_1937 in 0 : vector<5x128xf32>, vector<507x128xf32> -> vector<512x128xf32>
    %broadcast_in_dim3A_1939 = arith.constant 0.000000e+00 : f32
    %broadcast_in_dim3A_1940 = vector.broadcast %broadcast_in_dim3A_1939 : f32 to vector<4x128xf32>
    %slice3A_1941 = vector.extract_strided_slice %select_n3A_1892 {offsets = [0, 0], sizes = [508, 128], strides = [1, 1]} : vector<512x128xf32> to vector<508x128xf32>
    %concatenate3A_1942 = tpu.concatenate %broadcast_in_dim3A_1940, %slice3A_1941 in 0 : vector<4x128xf32>, vector<508x128xf32> -> vector<512x128xf32>
    %broadcast_in_dim3A_1943 = arith.constant 0.000000e+00 : f32
    %broadcast_in_dim3A_1944 = vector.broadcast %broadcast_in_dim3A_1943 : f32 to vector<3x128xf32>
    %slice3A_1945 = vector.extract_strided_slice %select_n3A_1892 {offsets = [0, 0], sizes = [509, 128], strides = [1, 1]} : vector<512x128xf32> to vector<509x128xf32>
    %concatenate3A_1946 = tpu.concatenate %broadcast_in_dim3A_1944, %slice3A_1945 in 0 : vector<3x128xf32>, vector<509x128xf32> -> vector<512x128xf32>
    %broadcast_in_dim3A_1947 = arith.constant 0.000000e+00 : f32
    %broadcast_in_dim3A_1948 = vector.broadcast %broadcast_in_dim3A_1947 : f32 to vector<2x128xf32>
    %slice3A_1949 = vector.extract_strided_slice %select_n3A_1892 {offsets = [0, 0], sizes = [510, 128], strides = [1, 1]} : vector<512x128xf32> to vector<510x128xf32>
    %concatenate3A_1950 = tpu.concatenate %broadcast_in_dim3A_1948, %slice3A_1949 in 0 : vector<2x128xf32>, vector<510x128xf32> -> vector<512x128xf32>
    %broadcast_in_dim3A_1951 = arith.constant 0.000000e+00 : f32
    %broadcast_in_dim3A_1952 = vector.broadcast %broadcast_in_dim3A_1951 : f32 to vector<1x128xf32>
    %slice3A_1953 = vector.extract_strided_slice %select_n3A_1892 {offsets = [0, 0], sizes = [511, 128], strides = [1, 1]} : vector<512x128xf32> to vector<511x128xf32>
    %concatenate3A_1954 = tpu.concatenate %broadcast_in_dim3A_1952, %slice3A_1953 in 0 : vector<1x128xf32>, vector<511x128xf32> -> vector<512x128xf32>
    %broadcast_in_dim3A_1955 = arith.constant 0.000000e+00 : f32
    %broadcast_in_dim3A_1956 = vector.broadcast %broadcast_in_dim3A_1955 : f32 to vector<1x128xf32>
    %slice3A_1957 = vector.extract_strided_slice %select_n3A_1892 {offsets = [1, 0], sizes = [511, 128], strides = [1, 1]} : vector<512x128xf32> to vector<511x128xf32>
    %concatenate3A_1958 = tpu.concatenate %slice3A_1957, %broadcast_in_dim3A_1956 in 0 : vector<511x128xf32>, vector<1x128xf32> -> vector<512x128xf32>
    %broadcast_in_dim3A_1959 = arith.constant 0.000000e+00 : f32
    %broadcast_in_dim3A_1960 = vector.broadcast %broadcast_in_dim3A_1959 : f32 to vector<2x128xf32>
    %slice3A_1961 = vector.extract_strided_slice %select_n3A_1892 {offsets = [2, 0], sizes = [510, 128], strides = [1, 1]} : vector<512x128xf32> to vector<510x128xf32>
    %concatenate3A_1962 = tpu.concatenate %slice3A_1961, %broadcast_in_dim3A_1960 in 0 : vector<510x128xf32>, vector<2x128xf32> -> vector<512x128xf32>
    %broadcast_in_dim3A_1963 = arith.constant 0.000000e+00 : f32
    %broadcast_in_dim3A_1964 = vector.broadcast %broadcast_in_dim3A_1963 : f32 to vector<3x128xf32>
    %slice3A_1965 = vector.extract_strided_slice %select_n3A_1892 {offsets = [3, 0], sizes = [509, 128], strides = [1, 1]} : vector<512x128xf32> to vector<509x128xf32>
    %concatenate3A_1966 = tpu.concatenate %slice3A_1965, %broadcast_in_dim3A_1964 in 0 : vector<509x128xf32>, vector<3x128xf32> -> vector<512x128xf32>
    %broadcast_in_dim3A_1967 = arith.constant 0.000000e+00 : f32
    %broadcast_in_dim3A_1968 = vector.broadcast %broadcast_in_dim3A_1967 : f32 to vector<4x128xf32>
    %slice3A_1969 = vector.extract_strided_slice %select_n3A_1892 {offsets = [4, 0], sizes = [508, 128], strides = [1, 1]} : vector<512x128xf32> to vector<508x128xf32>
    %concatenate3A_1970 = tpu.concatenate %slice3A_1969, %broadcast_in_dim3A_1968 in 0 : vector<508x128xf32>, vector<4x128xf32> -> vector<512x128xf32>
    %broadcast_in_dim3A_1971 = arith.constant 0.000000e+00 : f32
    %broadcast_in_dim3A_1972 = vector.broadcast %broadcast_in_dim3A_1971 : f32 to vector<5x128xf32>
    %slice3A_1973 = vector.extract_strided_slice %select_n3A_1892 {offsets = [5, 0], sizes = [507, 128], strides = [1, 1]} : vector<512x128xf32> to vector<507x128xf32>
    %concatenate3A_1974 = tpu.concatenate %slice3A_1973, %broadcast_in_dim3A_1972 in 0 : vector<507x128xf32>, vector<5x128xf32> -> vector<512x128xf32>
    %add3A_1975 = arith.addf %select_n3A_1892, %concatenate3A_1958 : vector<512x128xf32>
    %add3A_1976 = arith.addf %add3A_1975, %concatenate3A_1962 : vector<512x128xf32>
    %add3A_1977 = arith.addf %add3A_1976, %concatenate3A_1966 : vector<512x128xf32>
    %add3A_1978 = arith.addf %add3A_1977, %concatenate3A_1970 : vector<512x128xf32>
    %add3A_1979 = arith.addf %add3A_1978, %concatenate3A_1974 : vector<512x128xf32>
    %sub3A = arith.subf %select_n3A_1892, %select_n3A_1892 : vector<512x128xf32>
    %sub3A_1980 = arith.subf %concatenate3A_1934, %select_n3A_1892 : vector<512x128xf32>
    %max3A_1981 = arith.maximumf %sub3A, %sub3A_1980 : vector<512x128xf32>
    %add3A_1982 = arith.addf %add3A_1979, %concatenate3A_1954 : vector<512x128xf32>
    %sub3A_1983 = arith.subf %add3A_1982, %concatenate3A_1974 : vector<512x128xf32>
    %sub3A_1984 = arith.subf %select_n3A_1892, %concatenate3A_1914 : vector<512x128xf32>
    %sub3A_1985 = arith.subf %concatenate3A_1930, %select_n3A_1892 : vector<512x128xf32>
    %max3A_1986 = arith.maximumf %sub3A_1984, %sub3A_1985 : vector<512x128xf32>
    %lt3A = arith.cmpf olt, %max3A_1986, %max3A_1981 : vector<512x128xf32>
    %select_n3A_1987 = arith.select %lt3A, %max3A_1986, %max3A_1981 : vector<512x128xi1>, vector<512x128xf32>
    %select_n3A_1988 = arith.select %lt3A, %sub3A_1983, %add3A_1979 : vector<512x128xi1>, vector<512x128xf32>
    %add3A_1989 = arith.addf %sub3A_1983, %concatenate3A_1950 : vector<512x128xf32>
    %sub3A_1990 = arith.subf %add3A_1989, %concatenate3A_1970 : vector<512x128xf32>
    %sub3A_1991 = arith.subf %select_n3A_1892, %concatenate3A_1910 : vector<512x128xf32>
    %sub3A_1992 = arith.subf %concatenate3A_1926, %select_n3A_1892 : vector<512x128xf32>
    %max3A_1993 = arith.maximumf %sub3A_1991, %sub3A_1992 : vector<512x128xf32>
    %lt3A_1994 = arith.cmpf olt, %max3A_1993, %select_n3A_1987 : vector<512x128xf32>
    %select_n3A_1995 = arith.select %lt3A_1994, %max3A_1993, %select_n3A_1987 : vector<512x128xi1>, vector<512x128xf32>
    %select_n3A_1996 = arith.select %lt3A_1994, %sub3A_1990, %select_n3A_1988 : vector<512x128xi1>, vector<512x128xf32>
    %add3A_1997 = arith.addf %sub3A_1990, %concatenate3A_1946 : vector<512x128xf32>
    %sub3A_1998 = arith.subf %add3A_1997, %concatenate3A_1966 : vector<512x128xf32>
    %sub3A_1999 = arith.subf %select_n3A_1892, %concatenate3A_1906 : vector<512x128xf32>
    %sub3A_2000 = arith.subf %concatenate3A_1922, %select_n3A_1892 : vector<512x128xf32>
    %max3A_2001 = arith.maximumf %sub3A_1999, %sub3A_2000 : vector<512x128xf32>
    %lt3A_2002 = arith.cmpf olt, %max3A_2001, %select_n3A_1995 : vector<512x128xf32>
    %select_n3A_2003 = arith.select %lt3A_2002, %max3A_2001, %select_n3A_1995 : vector<512x128xi1>, vector<512x128xf32>
    %select_n3A_2004 = arith.select %lt3A_2002, %sub3A_1998, %select_n3A_1996 : vector<512x128xi1>, vector<512x128xf32>
    %add3A_2005 = arith.addf %sub3A_1998, %concatenate3A_1942 : vector<512x128xf32>
    %sub3A_2006 = arith.subf %add3A_2005, %concatenate3A_1962 : vector<512x128xf32>
    %sub3A_2007 = arith.subf %select_n3A_1892, %concatenate3A_1902 : vector<512x128xf32>
    %sub3A_2008 = arith.subf %concatenate3A_1918, %select_n3A_1892 : vector<512x128xf32>
    %max3A_2009 = arith.maximumf %sub3A_2007, %sub3A_2008 : vector<512x128xf32>
    %lt3A_2010 = arith.cmpf olt, %max3A_2009, %select_n3A_2003 : vector<512x128xf32>
    %select_n3A_2011 = arith.select %lt3A_2010, %max3A_2009, %select_n3A_2003 : vector<512x128xi1>, vector<512x128xf32>
    %select_n3A_2012 = arith.select %lt3A_2010, %sub3A_2006, %select_n3A_2004 : vector<512x128xi1>, vector<512x128xf32>
    %add3A_2013 = arith.addf %sub3A_2006, %concatenate3A_1938 : vector<512x128xf32>
    %sub3A_2014 = arith.subf %add3A_2013, %concatenate3A_1958 : vector<512x128xf32>
    %sub3A_2015 = arith.subf %select_n3A_1892, %concatenate3A_1898 : vector<512x128xf32>
    %sub3A_2016 = arith.subf %select_n3A_1892, %select_n3A_1892 : vector<512x128xf32>
    %max3A_2017 = arith.maximumf %sub3A_2015, %sub3A_2016 : vector<512x128xf32>
    %lt3A_2018 = arith.cmpf olt, %max3A_2017, %select_n3A_2011 : vector<512x128xf32>
    %select_n3A_2019 = arith.select %lt3A_2018, %sub3A_2014, %select_n3A_2012 : vector<512x128xi1>, vector<512x128xf32>
    %mul3A = arith.constant 0.166666672 : f32
    %mul3A_2020 = vector.broadcast %mul3A : f32 to vector<512x128xf32>
    %mul3A_2021 = arith.mulf %select_n3A_2019, %mul3A_2020 : vector<512x128xf32>
    %transpose3A = tpu.transpose %mul3A_2021, [1, 0] : vector<512x128xf32> -> vector<128x512xf32>
    %swap3A = arith.constant 0 : index
    %swap3A_2022 = arith.constant 0 : index
    %swap3A_2023 = vector.load %arg3[%swap3A, %swap3A_2022] : memref<128x512xf32, #tpu.memory_space<vmem>>, vector<128x512xf32>
    tpu.vector_store %arg3[%swap3A, %swap3A_2022], %transpose3A {strides = array<i32>} : memref<128x512xf32, #tpu.memory_space<vmem>>, vector<128x512xf32>,
    %transpose3A_2024 = tpu.transpose %select_n3A_1894, [1, 0] : vector<512x128xi32> -> vector<128x512xi32>
    %swap3A_2025 = arith.constant 0 : index
    %swap3A_2026 = arith.constant 0 : index
    %swap3A_2027 = vector.load %arg4[%swap3A_2025, %swap3A_2026] : memref<128x512xi32, #tpu.memory_space<vmem>>, vector<128x512xi32>
    tpu.vector_store %arg4[%swap3A_2025, %swap3A_2026], %transpose3A_2024 {strides = array<i32>} : memref<128x512xi32, #tpu.memory_space<vmem>>, vector<128x512xi32>,
    return
  }
}

</mosaic_0001>

<sc_bundles>
// kernel: kernel.5.cloned.1.call-start
scs
__scs_entry_jumppad:
0x0: {  	(pc) =	sbr.rel $0x88, $3  }
0x1: {  	(tag) =	ssettag $0x0;
	lr =	simm.s32 $0x1  }
0x2: {  	[smem:$0x3F98] =	sst lr;
	_ =	strace $0xD0000000  }
0x3: {  	_ = 	snop  }
0x4: {  	_ = 	snop  }
0x5: {  	_ = 	snop  }
0x6: {  	_ = 	snop  }
0x7: {  	_ = 	snop  }
__scs_overlays_trampoline_lowered:
0x8: {  	[smem:$0x3FA7] =	sst s0  }
0x9: {  	[smem:$0x3FA8] =	sst s1  }
0xa: {  	[smem:$0x3FA9] =	sst s2  }
0xb: {  	[smem:$0x3FAA] =	sst s3  }
0xc: {  	[smem:$0x3FAB] =	sst s4  }
0xd: {  	[smem:$0x3FAC] =	sst s5  }
0xe: {  	[smem:$0x3FAD] =	sst s6  }
0xf: {  	[smem:$0x3FAE] =	sst s7  }
0x10: {  	[smem:$0x3FAF] =	sst s8  }
0x11: {  	[smem:$0x3FB0] =	sst s9;
	s0 =	simm.s32 @!p0 $0x0  }
0x12: {  	s1 =	sld [smem:$0x3F96];
	s0 =	simm.s32 @p0 $0x1  }
0x13: {  	[smem:$0x3FB1] =	sst s0;
	s0 =	simm.s32 @!p1 $0x0  }
0x14: {  	s2 =	sld [smem:$0x3F95];
	s0 =	simm.s32 @p1 $0x1  }
0x15: {  	[smem:$0x3FB2] =	sst s0;
	s0 =	simm.s32 @!p2 $0x0  }
0x16: {  	s3 =	sld [smem:$0x3FDB];
	s0 =	simm.s32 @p2 $0x1  }
0x17: {  	s4 =	simm.s32 $0x1BF5;
	[smem:$0x3FB4] =	sst s0  }
0x18: {  	s0 =	sld [smem:$0x3F97];
	_ =	swait.ge [sflag:s4], $0x0  }
0x19: {  	s7 =	sld [smem:$0x3F98]  }
0x1a: {  	s8 =	sadd.s32 $0xFFFFE003, lr  }
0x1b: {  	s9 =	sadd.s32 $0xFFFFFEF7, lr;
	s5 =	simm.s32 $0xFFFFFFFF;
	p2 =	slt.u32 s8, $0xFFFFF086  }
0x1c: {  	p1 =	slt.u32 s9, $0xF7A;
	s5 =	simm.s32 @!p2 $0x0  }
0x1d: {  	s5 =	simm.s32 @p1 $0x1;
	p0 =	seq.s32 s7, s2  }
0x1e: {  	s7 =	smul.u32 @!p0 $0xF7A, s2;
	p2 =	seq.s32 @!p0 s5, $0x0  }
0x1f: {  	s9 =	smul.u32 $0xF7A, s1;
	s8 =	simm.s32 @!p0 $0x1BF5;
	p2 =	por !p2, p0  }
0x20: {  	[sflag:s8] =	ssyncset.s32 @!p0 $0xFFFFF086;
	s6 =	sadd.s32 @!p0 s3, s7;
	s7 =	simm.s32 @!p0 $0x108  }
0x21: {  	s3 =	sadd.s32 s3, s9;
	s6 =	sadd.s32 @!p0 $0x88, s6;
	s7 =	simm.s32 @p2 $0x1082  }
0x22: {  	[simem:s7], [sflag:s8] =	dma.local @!p0 [hbm:s6], $0xF7A  }
0x23: {  	s9 =	sor.u32 $0xD0000000, s2;
	s6 =	simm.s32 $0x108;
	_ =	swait.ge @!p0 [sflag:s8], $0x0  }
0x24: {  	s3 =	sadd.s32 $0x88, s3;
	s6 =	simm.s32 @!p1 $0x1082;
	[sflag:s4] =	ssyncset.s32 $0xFFFFF086  }
0x25: {  	[simem:s6], [sflag:s4] =	dma.local [hbm:s3], $0xF7A  }
0x26: {  	[smem:$0x3F98] =	sst s1;
	(tag) =	ssettag s2;
	_ =	strace s9  }
0x27: {  	s1 =	sld [smem:$0x3FA8]  }
0x28: {  	s2 =	sld [smem:$0x3FA9]  }
0x29: {  	s4 =	sld [smem:$0x3FAB]  }
0x2a: {  	p0 =	seq.s32 s5, $0x0;
	s5 =	sld [smem:$0x3FAC]  }
0x2b: {  	s6 =	sld [smem:$0x3FAD]  }
0x2c: {  	s7 =	sld [smem:$0x3FAE]  }
0x2d: {  	s3 =	simm.s32 $0x108;
	s8 =	sld [smem:$0x3FAF]  }
0x2e: {  	s3 =	simm.s32 @!p0 $0x1082;
	s9 =	sld [smem:$0x3FB0]  }
0x2f: {  	lr =	sadd.s32 s0, s3;
	s0 =	sld [smem:$0x3FA7]  }
0x30: {  	s3 =	sld [smem:$0x3FAA]  }
0x31: {  	[smem:$0x3FB3] =	sst s10  }
0x32: {  	s10 =	sld [smem:$0x3FB1];
	_ =	sdelay $0x3  }
0x33: {  	p0 =	seq.s32 s10, $0x1;
	s10 =	sld [smem:$0x3FB3];
	_ =	sdelay $0x3  }
0x34: {  	[smem:$0x3FB3] =	sst s10  }
0x35: {  	s10 =	sld [smem:$0x3FB2];
	_ =	sdelay $0x3  }
0x36: {  	p1 =	seq.s32 s10, $0x1;
	s10 =	sld [smem:$0x3FB3];
	_ =	sdelay $0x3  }
0x37: {  	[smem:$0x3FB3] =	sst s10  }
0x38: {  	s10 =	sld [smem:$0x3FB4]  }
0x39: {  	_ = 	snop;
	(pc) =	sbr.ind lr, $3  }
0x3a: {  	_ = 	snop  }
0x3b: {  	_ = 	snop  }
0x3c: {  	p2 =	seq.s32 s10, $0x1;
	s10 =	sld [smem:$0x3FB3]  }
0x3d: {  	_ =	shalt  }
0x3e: {  	_ =	shalt  }
0x3f: {  	_ =	shalt  }
0x40: {  	_ =	shalt  }
0x41: {  	_ =	shalt  }
0x42: {  	_ =	shalt  }
0x43: {  	_ =	shalt  }
0x44: {  	_ =	shalt  }
0x45: {  	_ =	shalt  }
0x46: {  	_ =	shalt  }
0x47: {  	_ =	shalt  }
0x48: {  	_ =	shalt  }
0x49: {  	_ =	shalt  }
0x4a: {  	_ =	shalt  }
0x4b: {  	_ =	shalt  }
0x4c: {  	_ =	shalt  }
0x4d: {  	_ =	shalt  }
0x4e: {  	_ =	shalt  }
0x4f: {  	_ =	shalt  }
0x50: {  	_ =	shalt  }
0x51: {  	_ =	shalt  }
0x52: {  	_ =	shalt  }
0x53: {  	_ =	shalt  }
0x54: {  	_ =	shalt  }
0x55: {  	_ =	shalt  }
0x56: {  	_ =	shalt  }
0x57: {  	_ =	shalt  }
0x58: {  	_ =	shalt  }
0x59: {  	_ =	shalt  }
0x5a: {  	_ =	shalt  }
0x5b: {  	_ =	shalt  }
0x5c: {  	_ =	shalt  }
0x5d: {  	_ =	shalt  }
0x5e: {  	_ =	shalt  }
0x5f: {  	_ =	shalt  }
0x60: {  	_ =	shalt  }
0x61: {  	_ =	shalt  }
0x62: {  	_ =	shalt  }
0x63: {  	_ =	shalt  }
0x64: {  	_ =	shalt  }
0x65: {  	_ =	shalt  }
0x66: {  	_ =	shalt  }
0x67: {  	_ =	shalt  }
0x68: {  	_ =	shalt  }
0x69: {  	_ =	shalt  }
0x6a: {  	_ =	shalt  }
0x6b: {  	_ =	shalt  }
0x6c: {  	_ =	shalt  }
0x6d: {  	_ =	shalt  }
0x6e: {  	_ =	shalt  }
0x6f: {  	_ =	shalt  }
0x70: {  	_ =	shalt  }
0x71: {  	_ =	shalt  }
0x72: {  	_ =	shalt  }
0x73: {  	_ =	shalt  }
0x74: {  	_ =	shalt  }
0x75: {  	_ =	shalt  }
0x76: {  	_ =	shalt  }
0x77: {  	_ =	shalt  }
0x78: {  	_ =	shalt  }
0x79: {  	_ =	shalt  }
0x7a: {  	_ =	shalt  }
0x7b: {  	_ =	shalt  }
0x7c: {  	_ =	shalt  }
0x7d: {  	_ =	shalt  }
0x7e: {  	_ =	shalt  }
0x7f: {  	_ =	shalt  }
0x80: {  	_ =	shalt  }
0x81: {  	_ =	shalt  }
0x82: {  	_ =	shalt  }
0x83: {  	_ =	shalt  }
0x84: {  	_ =	shalt  }
0x85: {  	_ =	shalt  }
0x86: {  	_ =	shalt  }
0x87: {  	_ =	shalt  }
.Lfunc_end0:
.L_simem_size_0:
called_computation_lowered:
.L_overlay_start_0:
0x88: {  	s2 =	sld [smem:$0x3FD9]  }
0x89: {  	s3 =	sld [smem:$0x3FFE];
	_ =	sdelay $0x1  }
0x8a: {  	s1 =	srdreg.scid  }
0x8b: {  	s0 =	sand.u32 $0x1, s1  }
0x8c: {  	s16 =	sshll.u32 s0, $0xA;
	s2 =	sadd.s32 s3, s2  }
0x8d: {  	s2 =	sadd.s32 s2, s16  }
0x8e: {  	[smem:$0x3FBF] =	sst s2  }
0x8f: {  	_ = 	snop  }
0x90: {  	(tm) =	ssettm $0x1  }
0x91: {  	s17 =	sld [smem:$0x3FFB];
	_ =	sdelay $0x3  }
0x92: {  	_ =	strace s17  }
0x93: {  	s2 =	sld [smem:$0x3FFC];
	_ =	sdelay $0x3  }
0x94: {  	_ =	strace s2  }
0x95: {  	s2 =	sld [smem:$0x3FFD];
	_ =	sdelay $0x3  }
0x96: {  	_ =	strace s2  }
0x97: {  	_ =	strace $0x8FFFFFFF  }
0x98: {  	s18 =	sld [smem:$0x3FDB];
	_ =	sdelay $0x1  }
0x99: {  	s19 =	simm.s32 $_scs_section_size  }
0x9a: {  	s4 =	simm.s32 $_size__tile_overlayer_lowered;
	s5 =	simm.s32 $_tile_overlayer_lowered  }
0x9b: {  	s22 =	simm.s32 $0x1BFF;
	s21 =	sshll.u32 s5, $0x1;
	s2 =	sadd.s32 s19, s18  }
0x9c: {  	s6 =	simm.s32 $0x0;
	s20 =	sshll.u32 s4, $0x1;
	s4 =	sadd.s32 s21, s2  }
0x9d: {  	[timem:s6], [sflag:s22] =	dma.local [hbm:s4], s20  }
0x9e: {  	_ =	swait.ge [sflag:s22], s20  }
0x9f: {  	s3 =	ssub.s32 $0x0, s20;
	[sflag:s22] =	ssyncset.done $0x0  }
0xa0: {  	[sflag:s22] =	ssyncadd.s32 s3;
	_ =	sdelay $0x1  }
0xa1: {  	s23 =	simm.s32 $0x1B8B  }
0xa2: {  	_ =	swait.ge [sflag:s23], $0x1  }
0xa3: {  	[sflag:s23] =	ssyncset.done $0x0  }
0xa4: {  	s25 =	simm.s32 $0x1B8E;
	s24 =	sld [smem:$0x3FFE];
	[sflag:s23] =	ssyncadd.s32 $0xFFFFFFFF  }
0xa5: {  	s26 =	simm.s32 $execute0_lowered;
	[smem:$0x3FD2] =	sst s25  }
0xa6: {  	s4 =	sshll.u32 s26, $0x1;
	_ =	strace $0x80000046;
	[dreg:$0x1] =	wrdreg $0xFFFFFFFF  }
0xa7: {  	s28 =	simm.s32 $_size_execute0_lowered;
	s2 =	sadd.s32 s2, s4;
	[dreg:$0x0] =	wrdreg $0x0  }
0xa8: {  	s4 =	sshll.u32 s28, $0x1;
	[dreg:$0x2] =	wrdreg s2  }
0xa9: {  	[dreg:$0x3] =	wrdreg s4  }
0xaa: {  	[dreg:$0x4] =	wrdreg $0xC0  }
0xab: {  	_ =	task [dreg:s6], $0x5FFFF  }
0xac: {  	[dreg:$0x1] =	wrdreg $0xFFFFFFFF  }
0xad: {  	[dreg:$0x0] =	wrdreg $0x60  }
0xae: {  	[dreg:$0x2] =	wrdreg s24  }
0xaf: {  	[dreg:$0x3] =	wrdreg $0x9  }
0xb0: {  	_ =	task.clear_ibuf [dreg:s6], $0x4FFFF;
	_ =	strace $0x90000046  }
0xb1: {  	s29 =	simm.s32 $0x9;
	_ =	strace $0x80000048  }
0xb2: {  	_ =	swait.ge [sflag:s29], $0x1  }
0xb3: {  	[sflag:s29] =	ssyncadd.s32 $0xFFFFFFFF  }
0xb4: {  	_ =	strace $0x90000048  }
0xb5: {  	_ =	sfence  }
0xb6: {  	s30 =	sld [smem:$0x0];
	_ =	sdelay $0x2  }
0xb7: {  	s31 =	sshll.u32 s1, $0xD;
	s1 =	sshrl.u32 s1, $0x2  }
0xb8: {  	s3 =	sand.u32 $0x4000, s31;
	s1 =	sadd.s32 s1, s30  }
0xb9: {  	s0 =	sor.u32 s3, s0;
	s1 =	sshll.u32 s1, $0x11  }
0xba: {  	s0 =	sor.u32 s1, s0  }
0xbb: {  	s0 =	sadd.s32 $0x8F2B, s0  }
0xbc: {  	[sflag:s0] =	ssyncadd.remote.s32 $0x1  }
0xbd: {  	_ =	sfence.sel $0xFFFF  }
0xbe: {  	[dreg:$0x0] =	wrdreg $0xFFFFFFFF;
	(pc) =	sbr.abs _section_cstart, $3  }
0xbf: {  	[dreg:$0x1] =	wrdreg $0xFFFFFFFF  }
0xc0: {  	_ =	task.clear_ibuf [dreg:s6], $0x2FFFF;
	_ =	strace $0x9FFFFFFF  }
0xc1: {  	(tm) =	ssettm $0x7FFFFFFF  }
tec
execute0_lowered:
.L_overlay_start_1:
0x0: {  	(tag) =	ssettag $0x1  }
0x1: {  	s0 =	rddreg [dreg:$0x0];
	s1 =	simm.s32 $0x0;
	s31 =	srdreg.scid  }
0x2: {  	s5 =	stileid.u32;
	s16 =	simm.s32 $0x80;
	s17 =	simm.s32 $0x400  }
0x3: {  	s19 =	simm.s32 $0x200;
	s20 =	simm.s32 $0xA00;
	s21 =	simm.s32 $0xC00  }
0x4: {  	s22 =	simm.s32 $0x600;
	s23 =	simm.s32 $0xE00;
	s24 =	simm.s32 $0x1  }
0x5: {  	s25 =	simm.s32 $0x1000;
	s26 =	simm.s32 $0x1200;
	s28 =	simm.s32 $0x1400  }
0x6: {  	s29 =	simm.s32 $0x1600;
	s30 =	simm.s32 $0x0;
	[smem:$0x7FF] =	sst s1  }
0x7: {  	s2 =	sadd.s32 $0x1E00, s0;
	s1 =	sand.u32 $0x1, s31;
	s10 =	sadd.s32 $0x3E00, s0  }
0x8: {  	s5 =	sshll.u32 s5, $0x9;
	s3 =	ssub.s32 $0x2, s1;
	s1 =	sshll.u32 s1, $0x6  }
0x9: {  	s0 =	sadd.s32 $0x5E00, s0;
	s4 =	sshrl.u32 s3, $0x1;
	s1 =	sor.u32 s1, s5  }
0xa: {  	_ =	strace $0x80000047;
	s15 =	ssub.s32 s3, s4;
	s3 =	sadd.s32 s2, s1  }
0xb: {  	s4 =	sadd.s32 s10, s1;
	s12 =	sor.u32 $0x10, s1;
	s13 =	sor.u32 $0x20, s1  }
0xc: {  	s14 =	sor.u32 $0x30, s1;
	s11 =	sadd.s32 s0, s1;
	s5 =	sadd.s32 s2, s12  }
0xd: {  	s6 =	sadd.s32 s10, s12;
	s7 =	sadd.s32 s2, s13;
	s8 =	sadd.s32 s10, s13  }
0xe: {  	s9 =	sadd.s32 s2, s14;
	s10 =	sadd.s32 s10, s14;
	s12 =	sadd.s32 s0, s12  }
0xf: {  	s13 =	sadd.s32 s0, s13;
	s14 =	sadd.s32 s0, s14;
	s15 =	smax.u32 s15, $0x1  }
.LBB2_1:
0x10: {  	s0 =	simm.s32 $0x0  }
0x11: {  	[tilespmem:s0], [sflag:$0x1] =	stream.strided.gather [hbm4b:s3+s16], $0x200, s17, s16, $0x38;
	[tilespmem:$0x1800] =	vst v63  }
0x12: {  	s18 =	simm.s32 $0x800  }
0x13: {  	[tilespmem:s18], [sflag:$0x1] =	stream.strided.gather [hbm4b:s4+s16], $0x200, s17, s16, $0x38;
	[tilespmem:$0x1800] =	vst v63  }
0x14: {  	_ = 	snop  }
0x15: {  	[tilespmem:s19], [sflag:$0x1] =	stream.strided.gather [hbm4b:s5+s16], $0x200, s17, s16, $0x38;
	[tilespmem:$0x1800] =	vst v63  }
0x16: {  	_ = 	snop  }
0x17: {  	[tilespmem:s20], [sflag:$0x1] =	stream.strided.gather [hbm4b:s6+s16], $0x200, s17, s16, $0x38;
	[tilespmem:$0x1800] =	vst v63  }
0x18: {  	_ = 	snop  }
0x19: {  	[tilespmem:s17], [sflag:$0x1] =	stream.strided.gather [hbm4b:s7+s16], $0x200, s17, s16, $0x38;
	[tilespmem:$0x1800] =	vst v63  }
0x1a: {  	_ = 	snop  }
0x1b: {  	[tilespmem:s21], [sflag:$0x1] =	stream.strided.gather [hbm4b:s8+s16], $0x200, s17, s16, $0x38;
	[tilespmem:$0x1800] =	vst v63  }
0x1c: {  	_ = 	snop  }
0x1d: {  	[tilespmem:s22], [sflag:$0x1] =	stream.strided.gather [hbm4b:s9+s16], $0x200, s17, s16, $0x38;
	[tilespmem:$0x1800] =	vst v63  }
0x1e: {  	_ = 	snop  }
0x1f: {  	[tilespmem:s23], [sflag:$0x1] =	stream.strided.gather [hbm4b:s10+s16], $0x200, s17, s16, $0x38;
	[tilespmem:$0x1800] =	vst v63  }
0x20: {  	_ =	swait.ge [sflag:s24], $0x200  }
0x21: {  	[sflag:s24] =	ssyncset.done $0x0  }
0x22: {  	[sflag:s24] =	ssyncadd.s32 $0xFFFFFE00  }
0x23: {  	_ =	swait.ge [sflag:s24], $0x200  }
0x24: {  	[sflag:s24] =	ssyncset.done $0x0  }
0x25: {  	[sflag:s24] =	ssyncadd.s32 $0xFFFFFE00  }
0x26: {  	_ =	swait.ge [sflag:s24], $0x200  }
0x27: {  	[sflag:s24] =	ssyncset.done $0x0  }
0x28: {  	[sflag:s24] =	ssyncadd.s32 $0xFFFFFE00  }
0x29: {  	_ =	swait.ge [sflag:s24], $0x200  }
0x2a: {  	[sflag:s24] =	ssyncset.done $0x0  }
0x2b: {  	[sflag:s24] =	ssyncadd.s32 $0xFFFFFE00  }
0x2c: {  	_ =	swait.ge [sflag:s24], $0x200  }
0x2d: {  	[sflag:s24] =	ssyncset.done $0x0  }
0x2e: {  	[sflag:s24] =	ssyncadd.s32 $0xFFFFFE00  }
0x2f: {  	_ =	swait.ge [sflag:s24], $0x200  }
0x30: {  	[sflag:s24] =	ssyncset.done $0x0  }
0x31: {  	[sflag:s24] =	ssyncadd.s32 $0xFFFFFE00  }
0x32: {  	_ =	swait.ge [sflag:s24], $0x200  }
0x33: {  	[sflag:s24] =	ssyncset.done $0x0  }
0x34: {  	[sflag:s24] =	ssyncadd.s32 $0xFFFFFE00  }
0x35: {  	_ =	swait.ge [sflag:s24], $0x200  }
0x36: {  	s31 =	simm.s32 $0xFFFFFFF8;
	s2 =	simm.s32 $0x840;
	[sflag:s24] =	ssyncset.done $0x0  }
0x37: {  	s1 =	simm.s32 $0x0;
	s0 =	simm.s32 $0x40;
	[sflag:s24] =	ssyncadd.s32 $0xFFFFFE00  }
.LBB2_2:
0x38: {  	v0 =	vld [tilespmem:s2+$0xFFFFFFC0];
	_ =	sdelay $0x3  }
0x39: {  	s18 =	sand.u32 $0x600, s1  }
0x3a: {  	v1 =	vld [tilespmem:s0+$0xFFFFFFC0];
	v0 =	vadd.s32 s18, v0;
	_ =	sdelay $0x4  }
0x3b: {  	[tilespmem:v0+s25+$0x0] =	vst.idx.msk $0xffff, v1  }
0x3c: {  	v0 =	vld [tilespmem:s2+$0xFFFFFFD0];
	_ =	sdelay $0x4  }
0x3d: {  	v1 =	vld [tilespmem:s0+$0xFFFFFFD0];
	v0 =	vadd.s32 s18, v0;
	_ =	sdelay $0x4  }
0x3e: {  	[tilespmem:v0+s25+$0x0] =	vst.idx.msk $0xffff, v1  }
0x3f: {  	v0 =	vld [tilespmem:s2+$0xFFFFFFE0];
	_ =	sdelay $0x4  }
0x40: {  	v1 =	vld [tilespmem:s0+$0xFFFFFFE0];
	v0 =	vadd.s32 s18, v0;
	_ =	sdelay $0x4  }
0x41: {  	[tilespmem:v0+s25+$0x0] =	vst.idx.msk $0xffff, v1  }
0x42: {  	v0 =	vld [tilespmem:s2+$0xFFFFFFF0];
	_ =	sdelay $0x4  }
0x43: {  	v1 =	vld [tilespmem:s0+$0xFFFFFFF0];
	v0 =	vadd.s32 s18, v0;
	_ =	sdelay $0x4  }
0x44: {  	[tilespmem:v0+s25+$0x0] =	vst.idx.msk $0xffff, v1  }
0x45: {  	v0 =	vld [tilespmem:s2+$0x0];
	_ =	sdelay $0x4  }
0x46: {  	v1 =	vld [tilespmem:s0+$0x0];
	v0 =	vadd.s32 s18, v0;
	_ =	sdelay $0x4  }
0x47: {  	[tilespmem:v0+s25+$0x0] =	vst.idx.msk $0xffff, v1  }
0x48: {  	v0 =	vld [tilespmem:s2+$0x10];
	_ =	sdelay $0x4  }
0x49: {  	v1 =	vld [tilespmem:s0+$0x10];
	v0 =	vadd.s32 s18, v0;
	_ =	sdelay $0x4  }
0x4a: {  	[tilespmem:v0+s25+$0x0] =	vst.idx.msk $0xffff, v1  }
0x4b: {  	v0 =	vld [tilespmem:s2+$0x20];
	_ =	sdelay $0x4  }
0x4c: {  	v1 =	vld [tilespmem:s0+$0x20];
	v0 =	vadd.s32 s18, v0;
	_ =	sdelay $0x4  }
0x4d: {  	[tilespmem:v0+s25+$0x0] =	vst.idx.msk $0xffff, v1  }
0x4e: {  	v0 =	vld [tilespmem:s2+$0x30];
	_ =	sdelay $0x3  }
0x4f: {  	s31 =	sadd.s32 $0x8, s31  }
0x50: {  	p0 =	slt.u32 s31, $0x78;
	v1 =	vld [tilespmem:s0+$0x30];
	v0 =	vadd.s32 s18, v0  }
.Ltmp0:
0x51: {  	_ = 	snop;
	(pc) =	sbr.rel @p0 .LBB2_2-.Ltmp0, $2  }
0x52: {  	_ =	sdelay $0x2  }
0x53: {  	s1 =	sadd.s32 $0x80, s1;
	s0 =	sadd.s32 $0x80, s0;
	s2 =	sadd.s32 $0x80, s2;
	[tilespmem:v0+s25+$0x0] =	vst.idx.msk $0xffff, v1  }
0x54: {  	[hbm4b:s11+s16] =	stream.strided.scatter [tilespmem:s25], [sflag:$0x1], $0x200, s17, s16, $0x38;
	[tilespmem:$0x1800] =	vst v63  }
0x55: {  	_ = 	snop  }
0x56: {  	[hbm4b:s12+s16] =	stream.strided.scatter [tilespmem:s26], [sflag:$0x1], $0x200, s17, s16, $0x38;
	[tilespmem:$0x1800] =	vst v63  }
0x57: {  	_ = 	snop  }
0x58: {  	[hbm4b:s13+s16] =	stream.strided.scatter [tilespmem:s28], [sflag:$0x1], $0x200, s17, s16, $0x38;
	[tilespmem:$0x1800] =	vst v63  }
0x59: {  	_ = 	snop  }
0x5a: {  	[hbm4b:s14+s16] =	stream.strided.scatter [tilespmem:s29], [sflag:$0x1], $0x200, s17, s16, $0x38;
	[tilespmem:$0x1800] =	vst v63  }
0x5b: {  	_ =	swait.ge [sflag:s24], $0x200  }
0x5c: {  	[sflag:s24] =	ssyncset.done $0x0  }
0x5d: {  	[sflag:s24] =	ssyncadd.s32 $0xFFFFFE00  }
0x5e: {  	_ =	swait.ge [sflag:s24], $0x200  }
0x5f: {  	[sflag:s24] =	ssyncset.done $0x0  }
0x60: {  	s30 =	sadd.s32 $0x1, s30;
	[sflag:s24] =	ssyncadd.s32 $0xFFFFFE00  }
0x61: {  	p0 =	sne.s32 s30, s15;
	_ =	swait.ge [sflag:s24], $0x200  }
.Ltmp1:
0x62: {  	[sflag:s24] =	ssyncset.done $0x0;
	(pc) =	sbr.rel @p0 .LBB2_1-.Ltmp1, $4  }
0x63: {  	[sflag:s24] =	ssyncadd.s32 $0xFFFFFE00  }
0x64: {  	_ =	swait.ge [sflag:s24], $0x200  }
0x65: {  	[sflag:s24] =	ssyncset.done $0x0  }
0x66: {  	[sflag:s24] =	ssyncadd.s32 $0xFFFFFE00  }
0x67: {  	_ =	sfence.sel $0x180000  }
0x68: {  	[bflag:$0x0] =	sbarrier.arrive $0xFFFF  }
0x69: {  	_ =	strace $0x90000047  }
0x6a: {  	s0 =	stileid.u32;
	[bflag:$0x2] =	sbarrier.arrive $0xFFFF  }
0x6b: {  	p0 =	sne.s32 s0, $0x0;
	s0 =	rddreg [dreg:$0x1]  }
0x6c: {  	s0 =	sadd.s32 @!p0 $0x100000, s0  }
0x6d: {  	[sflag:s0] =	ssyncadd.tile.s32 @!p0 $0x1;
	_ =	shalt  }
.Lfunc_end2:
_tile_overlayer_lowered:
.L_overlay_start_2:
0x6e: {  	(tag) =	ssettag $0x2  }
0x6f: {  	s0 =	rddreg [dreg:$0x0];
	s2 =	stileid.u32  }
0x70: {  	s1 =	rddreg [dreg:$0x1];
	p0 =	sne.s32 s2, $0x0  }
0x71: {  	s3 =	rddreg [dreg:$0x2];
	[bflag:$0x3] =	sbarrier.arrive $0xFFFF;
	s2 =	simm.s32 @!p0 $0x1C02  }
0x72: {  	[timem:s3], [sflag:s2] =	dma.local @!p0 [hbm:s0], s1  }
0x73: {  	s0 =	simm.s32 @!p0 $0x2  }
0x74: {  	_ =	swait.ge @!p0 [sflag:s0], s1  }
0x75: {  	s1 =	ssub.s32 @!p0 $0x0, s1;
	[sflag:s0] =	ssyncset.done @!p0 $0x0  }
0x76: {  	[sflag:s0] =	ssyncadd.s32 @!p0 s1  }
0x77: {  	[bflag:$0x3] =	sbarrier.arrive $0xFFFF  }
0x78: {  	_ =	shalt  }

</sc_bundles>
